<compile_context>
chip_gen: v7x
topology: tpu7x:2x2x1
jax: 0.10.2.dev20260603
libtpu: 0.0.44.dev20260713+nightly
codegen_flags: <defaults>
</compile_context>

<pallas_src>
import functools

import jax
import jax.numpy as jnp
from jax import lax
from jax.experimental import pallas as pl
from jax.experimental.pallas import tpu as pltpu
from jax.experimental.pallas import tpu_sc as plsc

N_NODES = 10000
D_IN = 128
D_HID = 32
N_EDGES = 320000

NCOLS = 40
CNT_COL = D_HID
NC, NS = 2, 16
NW = NC * NS
EPW = N_EDGES // NW
CHUNK = 200
NCHUNK = EPW // CHUNK
ROWS_PER_TILE = N_NODES // NS
ACC_ROWS = N_NODES

ROW_BLK = 5000


def _pre_body(x_ref, wl_ref, wr_ref, yaug_ref, z_ref):
    x = x_ref[...]
    y = jnp.dot(x, wl_ref[...], preferred_element_type=jnp.float32)
    z = jnp.dot(x, wr_ref[...], preferred_element_type=jnp.float32)
    r = y.shape[0]
    ones = jnp.ones((r, 1), jnp.float32)
    zeros = jnp.zeros((r, NCOLS - D_HID - 1), jnp.float32)
    yaug_ref[...] = jnp.concatenate([y, ones, zeros], axis=1)
    z_ref[...] = z


def _pre(x, Wl, Wr):
    grid = (N_NODES // ROW_BLK,)
    return pl.pallas_call(
        _pre_body,
        grid=grid,
        in_specs=[
            pl.BlockSpec((ROW_BLK, D_IN), lambda i: (i, 0)),
            pl.BlockSpec((D_IN, D_HID), lambda i: (0, 0)),
            pl.BlockSpec((D_IN, D_HID), lambda i: (0, 0)),
        ],
        out_specs=[
            pl.BlockSpec((ROW_BLK, NCOLS), lambda i: (i, 0)),
            pl.BlockSpec((ROW_BLK, D_HID), lambda i: (i, 0)),
        ],
        out_shape=[
            jax.ShapeDtypeStruct((N_NODES, NCOLS), jnp.float32),
            jax.ShapeDtypeStruct((N_NODES, D_HID), jnp.float32),
        ],
    )(x, Wl, Wr)


NBUF = 10
NGROUP = NCHUNK // NBUF


def _make_segsum(ncols):
    def body(y_hbm, src2d_hbm, dst2d_hbm, zeros_hbm, out_hbm,
             sidx, didx, *bufs_and_sems):
        rows = bufs_and_sems[:NBUF]
        acc = bufs_and_sems[NBUF]
        gsem = bufs_and_sems[NBUF + 1:2 * NBUF + 1]
        ssem = bufs_and_sems[2 * NBUF + 1:]
        cid = lax.axis_index("c")
        sid = lax.axis_index("s")
        wid = sid * NC + cid

        pltpu.sync_copy(zeros_hbm,
                        acc.at[pl.ds(sid * ROWS_PER_TILE, ROWS_PER_TILE)])
        pltpu.sync_copy(src2d_hbm.at[pl.ds(wid * NCHUNK, NCHUNK)], sidx)
        pltpu.sync_copy(dst2d_hbm.at[pl.ds(wid * NCHUNK, NCHUNK)], didx)
        plsc.subcore_barrier()

        def gather(j, b):
            return pltpu.make_async_copy(y_hbm.at[sidx.at[j]], rows[b], gsem[b])

        def scatter_desc(j, b):
            return pltpu.make_async_copy(rows[b], acc.at[didx.at[j]], ssem[b])

        for b in range(NBUF):
            gather(b, b).start()

        def loop_body(k, carry):
            j0 = k * NBUF
            for b in range(NBUF):
                gather(j0 + b, b).wait()
                pltpu.async_copy(rows[b], acc.at[didx.at[j0 + b]], ssem[b],
                                 add=True)
            for b in range(NBUF):
                scatter_desc(j0 + b, b).wait()
                gather(j0 + NBUF + b, b).start()
            return carry

        lax.fori_loop(0, NGROUP - 1, loop_body, 0)
        j0 = (NGROUP - 1) * NBUF
        for b in range(NBUF):
            gather(j0 + b, b).wait()
            pltpu.async_copy(rows[b], acc.at[didx.at[j0 + b]], ssem[b], add=True)
        for b in range(NBUF):
            scatter_desc(j0 + b, b).wait()
        plsc.subcore_barrier()

        pltpu.sync_copy(acc.at[pl.ds(sid * ROWS_PER_TILE, ROWS_PER_TILE)],
                        out_hbm.at[cid, pl.ds(sid * ROWS_PER_TILE, ROWS_PER_TILE)])

    return functools.partial(
        pl.kernel,
        out_type=jax.ShapeDtypeStruct((NC, ACC_ROWS, ncols), jnp.float32),
        mesh=plsc.VectorSubcoreMesh(core_axis_name="c", subcore_axis_name="s"),
        scratch_types=(
            [pltpu.VMEM((NCHUNK, CHUNK), jnp.int32),
             pltpu.VMEM((NCHUNK, CHUNK), jnp.int32)]
            + [pltpu.VMEM((CHUNK, ncols), jnp.float32) for _ in range(NBUF)]
            + [pltpu.VMEM_SHARED((ACC_ROWS, ncols), jnp.float32)]
            + [pltpu.SemaphoreType.DMA for _ in range(2 * NBUF)]
        ),
        compiler_params=pltpu.CompilerParams(use_tc_tiling_on_sc=False),
    )(body)


_segsum48 = _make_segsum(NCOLS)
_segsum32 = _make_segsum(D_HID)


def _head(acc_feat, cnt, z, b):
    mean = acc_feat / jnp.maximum(cnt, 1.0)
    o = mean + b + z
    norm = jnp.sqrt(jnp.sum(o * o, axis=-1, keepdims=True))
    return o / jnp.maximum(norm, 1e-12)


def _mid_body(p_ref, z_ref, b_ref, wl_ref, wr_ref, y2_ref, z2c_ref):
    acc = p_ref[0] + p_ref[1]
    cnt = acc[:, CNT_COL:CNT_COL + 1]
    h = _head(acc[:, :D_HID], cnt, z_ref[...], b_ref[0:1, :])
    h = jnp.maximum(h, 0.0)
    y2 = jnp.dot(h, wl_ref[...], preferred_element_type=jnp.float32)
    z2 = jnp.dot(h, wr_ref[...], preferred_element_type=jnp.float32)
    r = y2.shape[0]
    zeros = jnp.zeros((r, NCOLS - D_HID - 1), jnp.float32)
    y2_ref[...] = y2
    z2c_ref[...] = jnp.concatenate([z2, cnt, zeros], axis=1)


def _mid(p, z1, b1, W2l, W2r):
    grid = (N_NODES // ROW_BLK,)
    return pl.pallas_call(
        _mid_body,
        grid=grid,
        in_specs=[
            pl.BlockSpec((NC, ROW_BLK, NCOLS), lambda i: (0, i, 0)),
            pl.BlockSpec((ROW_BLK, D_HID), lambda i: (i, 0)),
            pl.BlockSpec((8, D_HID), lambda i: (0, 0)),
            pl.BlockSpec((D_HID, D_HID), lambda i: (0, 0)),
            pl.BlockSpec((D_HID, D_HID), lambda i: (0, 0)),
        ],
        out_specs=[
            pl.BlockSpec((ROW_BLK, D_HID), lambda i: (i, 0)),
            pl.BlockSpec((ROW_BLK, NCOLS), lambda i: (i, 0)),
        ],
        out_shape=[
            jax.ShapeDtypeStruct((N_NODES, D_HID), jnp.float32),
            jax.ShapeDtypeStruct((N_NODES, NCOLS), jnp.float32),
        ],
    )(p, z1, b1, W2l, W2r)


def _post_body(q_ref, z2c_ref, b_ref, out_ref):
    acc = q_ref[0] + q_ref[1]
    z2c = z2c_ref[...]
    cnt = z2c[:, D_HID:D_HID + 1]
    out_ref[...] = _head(acc, cnt, z2c[:, :D_HID], b_ref[0:1, :])


def _post(q, z2c, b2):
    grid = (N_NODES // ROW_BLK,)
    return pl.pallas_call(
        _post_body,
        grid=grid,
        in_specs=[
            pl.BlockSpec((NC, ROW_BLK, D_HID), lambda i: (0, i, 0)),
            pl.BlockSpec((ROW_BLK, NCOLS), lambda i: (i, 0)),
            pl.BlockSpec((8, D_HID), lambda i: (0, 0)),
        ],
        out_specs=pl.BlockSpec((ROW_BLK, D_HID), lambda i: (i, 0)),
        out_shape=jax.ShapeDtypeStruct((N_NODES, D_HID), jnp.float32),
    )(q, z2c, b2)


def kernel(x, edge_index, W1l, b1, W1r, W2l, b2, W2r):
    src2d = edge_index[0].astype(jnp.int32).reshape(NW * NCHUNK, CHUNK)
    dst2d = edge_index[1].astype(jnp.int32).reshape(NW * NCHUNK, CHUNK)
    zeros48 = jnp.zeros((ROWS_PER_TILE, NCOLS), jnp.float32)
    zeros32 = jnp.zeros((ROWS_PER_TILE, D_HID), jnp.float32)
    b1v = jnp.broadcast_to(b1[None, :], (8, D_HID))
    b2v = jnp.broadcast_to(b2[None, :], (8, D_HID))

    yaug1, z1 = _pre(x, W1l, W1r)
    p = _segsum48(yaug1, src2d, dst2d, zeros48)
    y2, z2c = _mid(p, z1, b1v, W2l, W2r)
    q = _segsum32(y2, src2d, dst2d, zeros32)
    return _post(q, z2c, b2v)

# --- scband reference (transcript-rebuilt; emitter-appended) ---
"""Pipeline reference for scband-sage-18820546691594 (READ-ONLY COPY).

The authoritative reference and input builder live on the scoring server;
editing this copy changes nothing except your own understanding.
"""

import jax, jax.numpy as jnp
import numpy as np

N_NODES = 10000
N_EDGES = 320000
D_IN = 128
D_HID = 32


def setup_inputs(seed: int = 0) -> dict:
    key = jax.random.key(seed)
    ks = jax.random.split(key, 8)
    x = jax.random.normal(ks[0], (N_NODES, D_IN), dtype=jnp.float32)
    edge_index = jax.random.randint(ks[1], (2, N_EDGES), 0, N_NODES, dtype=jnp.int64)
    # Layer 1 params (SAGEConv(in=128, out=32)): lin_l (with bias) on aggregated neighbors, lin_r (no bias) on root
    s1 = 1.0 / np.sqrt(D_IN)
    W1l = jax.random.uniform(ks[2], (D_IN, D_HID), dtype=jnp.float32, minval=-s1, maxval=s1)
    b1 = jax.random.uniform(ks[3], (D_HID,), dtype=jnp.float32, minval=-s1, maxval=s1)
    W1r = jax.random.uniform(ks[4], (D_IN, D_HID), dtype=jnp.float32, minval=-s1, maxval=s1)
    # Layer 2 params (SAGEConv(in=32, out=32))
    s2 = 1.0 / np.sqrt(D_HID)
    W2l = jax.random.uniform(ks[5], (D_HID, D_HID), dtype=jnp.float32, minval=-s2, maxval=s2)
    b2 = jax.random.uniform(ks[6], (D_HID,), dtype=jnp.float32, minval=-s2, maxval=s2)
    W2r = jax.random.uniform(ks[7], (D_HID, D_HID), dtype=jnp.float32, minval=-s2, maxval=s2)
    return {"x": x, "edge_index": edge_index, "W1l": W1l, "b1": b1, "W1r": W1r, "W2l": W2l, "b2": b2, "W2r": W2r}


def _sage_conv(x, edge_index, Wl, bl, Wr):
    # PyG SAGEConv with aggr='mean', root_weight=True, normalize=True
    src = edge_index[0]
    dst = edge_index[1]
    n = x.shape[0]
    msgs = jnp.take(x, src, axis=0)  # gather source features
    agg = jax.ops.segment_sum(msgs, dst, num_segments=n)  # scatter-add by dst
    cnt = jax.ops.segment_sum(jnp.ones((src.shape[0], 1), dtype=x.dtype), dst, num_segments=n)
    mean = agg / jnp.maximum(cnt, 1.0)
    out = mean @ Wl + bl + x @ Wr
    # F.normalize(out, p=2, dim=-1)
    norm = jnp.sqrt(jnp.sum(out * out, axis=-1, keepdims=True))
    out = out / jnp.maximum(norm, 1e-12)
    return out


def reference(x, edge_index, W1l, b1, W1r, W2l, b2, W2r):
    # Full-graph interpretation of the 2-layer SAGE forward:
    # adjs = [(edge_index, _, (N, N)), (edge_index, _, (N, N))], so x_target = x
    h = _sage_conv(x, edge_index, W1l, b1, W1r)
    h = jax.nn.relu(h)
    h = _sage_conv(h, edge_index, W2l, b2, W2r)
    return h

if __name__ == "__main__":
    import jax
    _d = setup_inputs()
    print(jax.jit(kernel)(*tuple(_d.values())))

</pallas_src>

<mosaic_0001>
#map = affine_map<(d0, d1) -> (0, 0)>
#map1 = affine_map<(d0, d1) -> (0, 0, 0)>
module attributes {stable_mosaic.version = 14 : i64} {
  func.func @body(%arg0: i32, %arg1: i32, %arg2: memref<10000x32xf32, #tpu.memory_space<hbm>>, %arg3: memref<1600x200xi32, #tpu.memory_space<hbm>>, %arg4: memref<1600x200xi32, #tpu.memory_space<hbm>>, %arg5: memref<625x32xf32, #tpu.memory_space<hbm>>, %arg6: memref<2x10000x32xf32, #tpu.memory_space<hbm>>, %arg7: memref<50x200xi32, #tpu.memory_space<vmem>>, %arg8: memref<50x200xi32, #tpu.memory_space<vmem>>, %arg9: memref<200x32xf32, #tpu.memory_space<vmem>>, %arg10: memref<200x32xf32, #tpu.memory_space<vmem>>, %arg11: memref<200x32xf32, #tpu.memory_space<vmem>>, %arg12: memref<200x32xf32, #tpu.memory_space<vmem>>, %arg13: memref<200x32xf32, #tpu.memory_space<vmem>>, %arg14: memref<200x32xf32, #tpu.memory_space<vmem>>, %arg15: memref<200x32xf32, #tpu.memory_space<vmem>>, %arg16: memref<200x32xf32, #tpu.memory_space<vmem>>, %arg17: memref<200x32xf32, #tpu.memory_space<vmem>>, %arg18: memref<200x32xf32, #tpu.memory_space<vmem>>, %arg19: memref<10000x32xf32, #tpu.memory_space<vmem_shared>>, %arg20: memref<!tpu.dma_semaphore, #tpu.memory_space<semaphore_mem>>, %arg21: memref<!tpu.dma_semaphore, #tpu.memory_space<semaphore_mem>>, %arg22: memref<!tpu.dma_semaphore, #tpu.memory_space<semaphore_mem>>, %arg23: memref<!tpu.dma_semaphore, #tpu.memory_space<semaphore_mem>>, %arg24: memref<!tpu.dma_semaphore, #tpu.memory_space<semaphore_mem>>, %arg25: memref<!tpu.dma_semaphore, #tpu.memory_space<semaphore_mem>>, %arg26: memref<!tpu.dma_semaphore, #tpu.memory_space<semaphore_mem>>, %arg27: memref<!tpu.dma_semaphore, #tpu.memory_space<semaphore_mem>>, %arg28: memref<!tpu.dma_semaphore, #tpu.memory_space<semaphore_mem>>, %arg29: memref<!tpu.dma_semaphore, #tpu.memory_space<semaphore_mem>>, %arg30: memref<!tpu.dma_semaphore, #tpu.memory_space<semaphore_mem>>, %arg31: memref<!tpu.dma_semaphore, #tpu.memory_space<semaphore_mem>>, %arg32: memref<!tpu.dma_semaphore, #tpu.memory_space<semaphore_mem>>, %arg33: memref<!tpu.dma_semaphore, #tpu.memory_space<semaphore_mem>>, %arg34: memref<!tpu.dma_semaphore, #tpu.memory_space<semaphore_mem>>, %arg35: memref<!tpu.dma_semaphore, #tpu.memory_space<semaphore_mem>>, %arg36: memref<!tpu.dma_semaphore, #tpu.memory_space<semaphore_mem>>, %arg37: memref<!tpu.dma_semaphore, #tpu.memory_space<semaphore_mem>>, %arg38: memref<!tpu.dma_semaphore, #tpu.memory_space<semaphore_mem>>, %arg39: memref<!tpu.dma_semaphore, #tpu.memory_space<semaphore_mem>>) attributes {dimension_semantics = [#tpu.dimension_semantics<core_parallel>, #tpu.dimension_semantics<subcore_parallel>], iteration_bounds = array<i64: 2, 16>, scalar_prefetch = 0 : i64, scratch_operands = 33 : i64, tpu.core_type = #tpu.core_type<sc_vector_subcore>, window_params = [{transform_indices = #map}, {transform_indices = #map}, {transform_indices = #map}, {transform_indices = #map}, {transform_indices = #map1}]} {
    %mul3A = arith.constant 2 : i32
    %mul3A_0 = arith.muli %arg1, %mul3A : i32
    %add3A = arith.addi %mul3A_0, %arg0 : i32
    %mul3A_1 = arith.constant 625 : i32
    %mul3A_2 = arith.muli %arg1, %mul3A_1 : i32
    "tpu.region"() ({
      %run_scoped3A = tpu.sem_alloc : memref<!tpu.dma_semaphore, #tpu.memory_space<semaphore_mem>>
      %dma_start3A_295 = arith.constant 0 : i32
      %dma_start3A_296 = tpu.memref_slice %arg19[%mul3A_2, %dma_start3A_295] : memref<10000x32xf32, #tpu.memory_space<vmem_shared>> -> memref<625x32xf32, #tpu.memory_space<vmem_shared>>
      tpu.enqueue_dma source(%arg5 : memref<625x32xf32, #tpu.memory_space<hbm>>) target(%dma_start3A_296 : memref<625x32xf32, #tpu.memory_space<vmem_shared>>) target_semaphore(%run_scoped3A : memref<!tpu.dma_semaphore, #tpu.memory_space<semaphore_mem>>)
      %dma_wait3A_297 = arith.constant 0 : i32
      %dma_wait3A_298 = tpu.memref_slice %arg19[%mul3A_2, %dma_wait3A_297] : memref<10000x32xf32, #tpu.memory_space<vmem_shared>> -> memref<625x32xf32, #tpu.memory_space<vmem_shared>>
      tpu.wait_dma2 semaphore(%run_scoped3A : memref<!tpu.dma_semaphore, #tpu.memory_space<semaphore_mem>>) src(%arg5 : memref<625x32xf32, #tpu.memory_space<hbm>>) dst(%dma_wait3A_298 : memref<625x32xf32, #tpu.memory_space<vmem_shared>>)
      tpu.yield
    }) : () -> ()
    %mul3A_3 = arith.constant 50 : i32
    %mul3A_4 = arith.muli %add3A, %mul3A_3 : i32
    "tpu.region"() ({
      %run_scoped3A = tpu.sem_alloc : memref<!tpu.dma_semaphore, #tpu.memory_space<semaphore_mem>>
      %dma_start3A_295 = arith.constant 0 : i32
      %dma_start3A_296 = tpu.memref_slice %arg3[%mul3A_4, %dma_start3A_295] : memref<1600x200xi32, #tpu.memory_space<hbm>> -> memref<50x200xi32, #tpu.memory_space<hbm>>
      %dma_start3A_297 = arith.constant 0 : i32
      %dma_start3A_298 = tpu.memref_slice %arg3[%mul3A_4, %dma_start3A_297] : memref<1600x200xi32, #tpu.memory_space<hbm>> -> memref<50x200xi32, #tpu.memory_space<hbm>>
      tpu.enqueue_dma source(%dma_start3A_298 : memref<50x200xi32, #tpu.memory_space<hbm>>) target(%arg7 : memref<50x200xi32, #tpu.memory_space<vmem>>) target_semaphore(%run_scoped3A : memref<!tpu.dma_semaphore, #tpu.memory_space<semaphore_mem>>)
      %dma_wait3A_299 = arith.constant 0 : i32
      %dma_wait3A_300 = tpu.memref_slice %arg3[%mul3A_4, %dma_wait3A_299] : memref<1600x200xi32, #tpu.memory_space<hbm>> -> memref<50x200xi32, #tpu.memory_space<hbm>>
      %dma_wait3A_301 = arith.constant 0 : i32
      %dma_wait3A_302 = tpu.memref_slice %arg3[%mul3A_4, %dma_wait3A_301] : memref<1600x200xi32, #tpu.memory_space<hbm>> -> memref<50x200xi32, #tpu.memory_space<hbm>>
      tpu.wait_dma2 semaphore(%run_scoped3A : memref<!tpu.dma_semaphore, #tpu.memory_space<semaphore_mem>>) src(%dma_wait3A_302 : memref<50x200xi32, #tpu.memory_space<hbm>>) dst(%arg7 : memref<50x200xi32, #tpu.memory_space<vmem>>)
      tpu.yield
    }) : () -> ()
    %mul3A_5 = arith.constant 50 : i32
    %mul3A_6 = arith.muli %add3A, %mul3A_5 : i32
    "tpu.region"() ({
      %run_scoped3A = tpu.sem_alloc : memref<!tpu.dma_semaphore, #tpu.memory_space<semaphore_mem>>
      %dma_start3A_295 = arith.constant 0 : i32
      %dma_start3A_296 = tpu.memref_slice %arg4[%mul3A_6, %dma_start3A_295] : memref<1600x200xi32, #tpu.memory_space<hbm>> -> memref<50x200xi32, #tpu.memory_space<hbm>>
      %dma_start3A_297 = arith.constant 0 : i32
      %dma_start3A_298 = tpu.memref_slice %arg4[%mul3A_6, %dma_start3A_297] : memref<1600x200xi32, #tpu.memory_space<hbm>> -> memref<50x200xi32, #tpu.memory_space<hbm>>
      tpu.enqueue_dma source(%dma_start3A_298 : memref<50x200xi32, #tpu.memory_space<hbm>>) target(%arg8 : memref<50x200xi32, #tpu.memory_space<vmem>>) target_semaphore(%run_scoped3A : memref<!tpu.dma_semaphore, #tpu.memory_space<semaphore_mem>>)
      %dma_wait3A_299 = arith.constant 0 : i32
      %dma_wait3A_300 = tpu.memref_slice %arg4[%mul3A_6, %dma_wait3A_299] : memref<1600x200xi32, #tpu.memory_space<hbm>> -> memref<50x200xi32, #tpu.memory_space<hbm>>
      %dma_wait3A_301 = arith.constant 0 : i32
      %dma_wait3A_302 = tpu.memref_slice %arg4[%mul3A_6, %dma_wait3A_301] : memref<1600x200xi32, #tpu.memory_space<hbm>> -> memref<50x200xi32, #tpu.memory_space<hbm>>
      tpu.wait_dma2 semaphore(%run_scoped3A : memref<!tpu.dma_semaphore, #tpu.memory_space<semaphore_mem>>) src(%dma_wait3A_302 : memref<50x200xi32, #tpu.memory_space<hbm>>) dst(%arg8 : memref<50x200xi32, #tpu.memory_space<vmem>>)
      tpu.yield
    }) : () -> ()
    %barrier3A = arith.constant 0 : index
    tpu.barrier barrier_id(%barrier3A)
    %dma_start3A = arith.constant 0 : i32
    %dma_start3A_7 = arith.constant 0 : i32
    %dma_start3A_8 = tpu.memref_slice %arg7[%dma_start3A, %dma_start3A_7] : memref<50x200xi32, #tpu.memory_space<vmem>> -> memref<1x200xi32, #tpu.memory_space<vmem>>
    %dma_start3A_9 = tpu.memref_squeeze %dma_start3A_8 : memref<1x200xi32, #tpu.memory_space<vmem>> -> memref<200xi32, #tpu.memory_space<vmem>>
    %dma_start3A_10 = arith.constant 0 : i32
    %dma_start3A_11 = arith.constant 0 : i32
    %dma_start3A_12 = tpu.memref_slice %arg2[%dma_start3A_10, %dma_start3A_11] : memref<10000x32xf32, #tpu.memory_space<hbm>> -> memref<10000x32xf32, #tpu.memory_space<hbm>>
    tpu.enqueue_indirect_dma source(%dma_start3A_12 : memref<10000x32xf32, #tpu.memory_space<hbm>>) target(%arg9 : memref<200x32xf32, #tpu.memory_space<vmem>>) offsets(%dma_start3A_9 : memref<200xi32, #tpu.memory_space<vmem>>) semaphore(%arg20 : memref<!tpu.dma_semaphore, #tpu.memory_space<semaphore_mem>>)
    %dma_start3A_13 = arith.constant 1 : i32
    %dma_start3A_14 = arith.constant 0 : i32
    %dma_start3A_15 = tpu.memref_slice %arg7[%dma_start3A_13, %dma_start3A_14] : memref<50x200xi32, #tpu.memory_space<vmem>> -> memref<1x200xi32, #tpu.memory_space<vmem>>
    %dma_start3A_16 = tpu.memref_squeeze %dma_start3A_15 : memref<1x200xi32, #tpu.memory_space<vmem>> -> memref<200xi32, #tpu.memory_space<vmem>>
    %dma_start3A_17 = arith.constant 0 : i32
    %dma_start3A_18 = arith.constant 0 : i32
    %dma_start3A_19 = tpu.memref_slice %arg2[%dma_start3A_17, %dma_start3A_18] : memref<10000x32xf32, #tpu.memory_space<hbm>> -> memref<10000x32xf32, #tpu.memory_space<hbm>>
    tpu.enqueue_indirect_dma source(%dma_start3A_19 : memref<10000x32xf32, #tpu.memory_space<hbm>>) target(%arg10 : memref<200x32xf32, #tpu.memory_space<vmem>>) offsets(%dma_start3A_16 : memref<200xi32, #tpu.memory_space<vmem>>) semaphore(%arg21 : memref<!tpu.dma_semaphore, #tpu.memory_space<semaphore_mem>>)
    %dma_start3A_20 = arith.constant 2 : i32
    %dma_start3A_21 = arith.constant 0 : i32
    %dma_start3A_22 = tpu.memref_slice %arg7[%dma_start3A_20, %dma_start3A_21] : memref<50x200xi32, #tpu.memory_space<vmem>> -> memref<1x200xi32, #tpu.memory_space<vmem>>
    %dma_start3A_23 = tpu.memref_squeeze %dma_start3A_22 : memref<1x200xi32, #tpu.memory_space<vmem>> -> memref<200xi32, #tpu.memory_space<vmem>>
    %dma_start3A_24 = arith.constant 0 : i32
    %dma_start3A_25 = arith.constant 0 : i32
    %dma_start3A_26 = tpu.memref_slice %arg2[%dma_start3A_24, %dma_start3A_25] : memref<10000x32xf32, #tpu.memory_space<hbm>> -> memref<10000x32xf32, #tpu.memory_space<hbm>>
    tpu.enqueue_indirect_dma source(%dma_start3A_26 : memref<10000x32xf32, #tpu.memory_space<hbm>>) target(%arg11 : memref<200x32xf32, #tpu.memory_space<vmem>>) offsets(%dma_start3A_23 : memref<200xi32, #tpu.memory_space<vmem>>) semaphore(%arg22 : memref<!tpu.dma_semaphore, #tpu.memory_space<semaphore_mem>>)
    %dma_start3A_27 = arith.constant 3 : i32
    %dma_start3A_28 = arith.constant 0 : i32
    %dma_start3A_29 = tpu.memref_slice %arg7[%dma_start3A_27, %dma_start3A_28] : memref<50x200xi32, #tpu.memory_space<vmem>> -> memref<1x200xi32, #tpu.memory_space<vmem>>
    %dma_start3A_30 = tpu.memref_squeeze %dma_start3A_29 : memref<1x200xi32, #tpu.memory_space<vmem>> -> memref<200xi32, #tpu.memory_space<vmem>>
    %dma_start3A_31 = arith.constant 0 : i32
    %dma_start3A_32 = arith.constant 0 : i32
    %dma_start3A_33 = tpu.memref_slice %arg2[%dma_start3A_31, %dma_start3A_32] : memref<10000x32xf32, #tpu.memory_space<hbm>> -> memref<10000x32xf32, #tpu.memory_space<hbm>>
    tpu.enqueue_indirect_dma source(%dma_start3A_33 : memref<10000x32xf32, #tpu.memory_space<hbm>>) target(%arg12 : memref<200x32xf32, #tpu.memory_space<vmem>>) offsets(%dma_start3A_30 : memref<200xi32, #tpu.memory_space<vmem>>) semaphore(%arg23 : memref<!tpu.dma_semaphore, #tpu.memory_space<semaphore_mem>>)
    %dma_start3A_34 = arith.constant 4 : i32
    %dma_start3A_35 = arith.constant 0 : i32
    %dma_start3A_36 = tpu.memref_slice %arg7[%dma_start3A_34, %dma_start3A_35] : memref<50x200xi32, #tpu.memory_space<vmem>> -> memref<1x200xi32, #tpu.memory_space<vmem>>
    %dma_start3A_37 = tpu.memref_squeeze %dma_start3A_36 : memref<1x200xi32, #tpu.memory_space<vmem>> -> memref<200xi32, #tpu.memory_space<vmem>>
    %dma_start3A_38 = arith.constant 0 : i32
    %dma_start3A_39 = arith.constant 0 : i32
    %dma_start3A_40 = tpu.memref_slice %arg2[%dma_start3A_38, %dma_start3A_39] : memref<10000x32xf32, #tpu.memory_space<hbm>> -> memref<10000x32xf32, #tpu.memory_space<hbm>>
    tpu.enqueue_indirect_dma source(%dma_start3A_40 : memref<10000x32xf32, #tpu.memory_space<hbm>>) target(%arg13 : memref<200x32xf32, #tpu.memory_space<vmem>>) offsets(%dma_start3A_37 : memref<200xi32, #tpu.memory_space<vmem>>) semaphore(%arg24 : memref<!tpu.dma_semaphore, #tpu.memory_space<semaphore_mem>>)
    %dma_start3A_41 = arith.constant 5 : i32
    %dma_start3A_42 = arith.constant 0 : i32
    %dma_start3A_43 = tpu.memref_slice %arg7[%dma_start3A_41, %dma_start3A_42] : memref<50x200xi32, #tpu.memory_space<vmem>> -> memref<1x200xi32, #tpu.memory_space<vmem>>
    %dma_start3A_44 = tpu.memref_squeeze %dma_start3A_43 : memref<1x200xi32, #tpu.memory_space<vmem>> -> memref<200xi32, #tpu.memory_space<vmem>>
    %dma_start3A_45 = arith.constant 0 : i32
    %dma_start3A_46 = arith.constant 0 : i32
    %dma_start3A_47 = tpu.memref_slice %arg2[%dma_start3A_45, %dma_start3A_46] : memref<10000x32xf32, #tpu.memory_space<hbm>> -> memref<10000x32xf32, #tpu.memory_space<hbm>>
    tpu.enqueue_indirect_dma source(%dma_start3A_47 : memref<10000x32xf32, #tpu.memory_space<hbm>>) target(%arg14 : memref<200x32xf32, #tpu.memory_space<vmem>>) offsets(%dma_start3A_44 : memref<200xi32, #tpu.memory_space<vmem>>) semaphore(%arg25 : memref<!tpu.dma_semaphore, #tpu.memory_space<semaphore_mem>>)
    %dma_start3A_48 = arith.constant 6 : i32
    %dma_start3A_49 = arith.constant 0 : i32
    %dma_start3A_50 = tpu.memref_slice %arg7[%dma_start3A_48, %dma_start3A_49] : memref<50x200xi32, #tpu.memory_space<vmem>> -> memref<1x200xi32, #tpu.memory_space<vmem>>
    %dma_start3A_51 = tpu.memref_squeeze %dma_start3A_50 : memref<1x200xi32, #tpu.memory_space<vmem>> -> memref<200xi32, #tpu.memory_space<vmem>>
    %dma_start3A_52 = arith.constant 0 : i32
    %dma_start3A_53 = arith.constant 0 : i32
    %dma_start3A_54 = tpu.memref_slice %arg2[%dma_start3A_52, %dma_start3A_53] : memref<10000x32xf32, #tpu.memory_space<hbm>> -> memref<10000x32xf32, #tpu.memory_space<hbm>>
    tpu.enqueue_indirect_dma source(%dma_start3A_54 : memref<10000x32xf32, #tpu.memory_space<hbm>>) target(%arg15 : memref<200x32xf32, #tpu.memory_space<vmem>>) offsets(%dma_start3A_51 : memref<200xi32, #tpu.memory_space<vmem>>) semaphore(%arg26 : memref<!tpu.dma_semaphore, #tpu.memory_space<semaphore_mem>>)
    %dma_start3A_55 = arith.constant 7 : i32
    %dma_start3A_56 = arith.constant 0 : i32
    %dma_start3A_57 = tpu.memref_slice %arg7[%dma_start3A_55, %dma_start3A_56] : memref<50x200xi32, #tpu.memory_space<vmem>> -> memref<1x200xi32, #tpu.memory_space<vmem>>
    %dma_start3A_58 = tpu.memref_squeeze %dma_start3A_57 : memref<1x200xi32, #tpu.memory_space<vmem>> -> memref<200xi32, #tpu.memory_space<vmem>>
    %dma_start3A_59 = arith.constant 0 : i32
    %dma_start3A_60 = arith.constant 0 : i32
    %dma_start3A_61 = tpu.memref_slice %arg2[%dma_start3A_59, %dma_start3A_60] : memref<10000x32xf32, #tpu.memory_space<hbm>> -> memref<10000x32xf32, #tpu.memory_space<hbm>>
    tpu.enqueue_indirect_dma source(%dma_start3A_61 : memref<10000x32xf32, #tpu.memory_space<hbm>>) target(%arg16 : memref<200x32xf32, #tpu.memory_space<vmem>>) offsets(%dma_start3A_58 : memref<200xi32, #tpu.memory_space<vmem>>) semaphore(%arg27 : memref<!tpu.dma_semaphore, #tpu.memory_space<semaphore_mem>>)
    %dma_start3A_62 = arith.constant 8 : i32
    %dma_start3A_63 = arith.constant 0 : i32
    %dma_start3A_64 = tpu.memref_slice %arg7[%dma_start3A_62, %dma_start3A_63] : memref<50x200xi32, #tpu.memory_space<vmem>> -> memref<1x200xi32, #tpu.memory_space<vmem>>
    %dma_start3A_65 = tpu.memref_squeeze %dma_start3A_64 : memref<1x200xi32, #tpu.memory_space<vmem>> -> memref<200xi32, #tpu.memory_space<vmem>>
    %dma_start3A_66 = arith.constant 0 : i32
    %dma_start3A_67 = arith.constant 0 : i32
    %dma_start3A_68 = tpu.memref_slice %arg2[%dma_start3A_66, %dma_start3A_67] : memref<10000x32xf32, #tpu.memory_space<hbm>> -> memref<10000x32xf32, #tpu.memory_space<hbm>>
    tpu.enqueue_indirect_dma source(%dma_start3A_68 : memref<10000x32xf32, #tpu.memory_space<hbm>>) target(%arg17 : memref<200x32xf32, #tpu.memory_space<vmem>>) offsets(%dma_start3A_65 : memref<200xi32, #tpu.memory_space<vmem>>) semaphore(%arg28 : memref<!tpu.dma_semaphore, #tpu.memory_space<semaphore_mem>>)
    %dma_start3A_69 = arith.constant 9 : i32
    %dma_start3A_70 = arith.constant 0 : i32
    %dma_start3A_71 = tpu.memref_slice %arg7[%dma_start3A_69, %dma_start3A_70] : memref<50x200xi32, #tpu.memory_space<vmem>> -> memref<1x200xi32, #tpu.memory_space<vmem>>
    %dma_start3A_72 = tpu.memref_squeeze %dma_start3A_71 : memref<1x200xi32, #tpu.memory_space<vmem>> -> memref<200xi32, #tpu.memory_space<vmem>>
    %dma_start3A_73 = arith.constant 0 : i32
    %dma_start3A_74 = arith.constant 0 : i32
    %dma_start3A_75 = tpu.memref_slice %arg2[%dma_start3A_73, %dma_start3A_74] : memref<10000x32xf32, #tpu.memory_space<hbm>> -> memref<10000x32xf32, #tpu.memory_space<hbm>>
    tpu.enqueue_indirect_dma source(%dma_start3A_75 : memref<10000x32xf32, #tpu.memory_space<hbm>>) target(%arg18 : memref<200x32xf32, #tpu.memory_space<vmem>>) offsets(%dma_start3A_72 : memref<200xi32, #tpu.memory_space<vmem>>) semaphore(%arg29 : memref<!tpu.dma_semaphore, #tpu.memory_space<semaphore_mem>>)
    %scan3A = arith.constant 0 : i32
    %scan3A_76 = arith.constant 0 : i32
    %scan3A_77 = arith.constant 4 : i32
    %scan3A_78 = arith.addi %scan3A_76, %scan3A_77 : i32
    %scan3A_79 = arith.constant 1 : i32
    scf.for %scan3A_295 = %scan3A_76 to %scan3A_78 step %scan3A_79  : i32 {
      %mul3A_296 = arith.constant 10 : i32
      %mul3A_297 = arith.muli %scan3A_295, %mul3A_296 : i32
      %add3A_298 = arith.constant 0 : i32
      %add3A_299 = arith.addi %mul3A_297, %add3A_298 : i32
      %dma_wait3A_300 = arith.constant 0 : i32
      %dma_wait3A_301 = tpu.memref_slice %arg7[%add3A_299, %dma_wait3A_300] : memref<50x200xi32, #tpu.memory_space<vmem>> -> memref<1x200xi32, #tpu.memory_space<vmem>>
      %dma_wait3A_302 = tpu.memref_squeeze %dma_wait3A_301 : memref<1x200xi32, #tpu.memory_space<vmem>> -> memref<200xi32, #tpu.memory_space<vmem>>
      %dma_wait3A_303 = arith.constant 0 : i32
      %dma_wait3A_304 = arith.constant 0 : i32
      %dma_wait3A_305 = tpu.memref_slice %arg2[%dma_wait3A_303, %dma_wait3A_304] : memref<10000x32xf32, #tpu.memory_space<hbm>> -> memref<10000x32xf32, #tpu.memory_space<hbm>>
      tpu.wait_indirect_dma semaphore(%arg20 : memref<!tpu.dma_semaphore, #tpu.memory_space<semaphore_mem>>) src(%dma_wait3A_305 : memref<10000x32xf32, #tpu.memory_space<hbm>>) dst(%arg9 : memref<200x32xf32, #tpu.memory_space<vmem>>)
      %add3A_306 = arith.constant 0 : i32
      %add3A_307 = arith.addi %mul3A_297, %add3A_306 : i32
      %dma_start3A_308 = arith.constant 0 : i32
      %dma_start3A_309 = tpu.memref_slice %arg8[%add3A_307, %dma_start3A_308] : memref<50x200xi32, #tpu.memory_space<vmem>> -> memref<1x200xi32, #tpu.memory_space<vmem>>
      %dma_start3A_310 = tpu.memref_squeeze %dma_start3A_309 : memref<1x200xi32, #tpu.memory_space<vmem>> -> memref<200xi32, #tpu.memory_space<vmem>>
      %dma_start3A_311 = arith.constant 0 : i32
      %dma_start3A_312 = arith.constant 0 : i32
      %dma_start3A_313 = tpu.memref_slice %arg19[%dma_start3A_311, %dma_start3A_312] : memref<10000x32xf32, #tpu.memory_space<vmem_shared>> -> memref<10000x32xf32, #tpu.memory_space<vmem_shared>>
      tpu.enqueue_indirect_dma source(%arg9 : memref<200x32xf32, #tpu.memory_space<vmem>>) target(%dma_start3A_313 : memref<10000x32xf32, #tpu.memory_space<vmem_shared>>) offsets(%dma_start3A_310 : memref<200xi32, #tpu.memory_space<vmem>>) semaphore(%arg30 : memref<!tpu.dma_semaphore, #tpu.memory_space<semaphore_mem>>) {add = true}
      %add3A_314 = arith.constant 1 : i32
      %add3A_315 = arith.addi %mul3A_297, %add3A_314 : i32
      %dma_wait3A_316 = arith.constant 0 : i32
      %dma_wait3A_317 = tpu.memref_slice %arg7[%add3A_315, %dma_wait3A_316] : memref<50x200xi32, #tpu.memory_space<vmem>> -> memref<1x200xi32, #tpu.memory_space<vmem>>
      %dma_wait3A_318 = tpu.memref_squeeze %dma_wait3A_317 : memref<1x200xi32, #tpu.memory_space<vmem>> -> memref<200xi32, #tpu.memory_space<vmem>>
      %dma_wait3A_319 = arith.constant 0 : i32
      %dma_wait3A_320 = arith.constant 0 : i32
      %dma_wait3A_321 = tpu.memref_slice %arg2[%dma_wait3A_319, %dma_wait3A_320] : memref<10000x32xf32, #tpu.memory_space<hbm>> -> memref<10000x32xf32, #tpu.memory_space<hbm>>
      tpu.wait_indirect_dma semaphore(%arg21 : memref<!tpu.dma_semaphore, #tpu.memory_space<semaphore_mem>>) src(%dma_wait3A_321 : memref<10000x32xf32, #tpu.memory_space<hbm>>) dst(%arg10 : memref<200x32xf32, #tpu.memory_space<vmem>>)
      %add3A_322 = arith.constant 1 : i32
      %add3A_323 = arith.addi %mul3A_297, %add3A_322 : i32
      %dma_start3A_324 = arith.constant 0 : i32
      %dma_start3A_325 = tpu.memref_slice %arg8[%add3A_323, %dma_start3A_324] : memref<50x200xi32, #tpu.memory_space<vmem>> -> memref<1x200xi32, #tpu.memory_space<vmem>>
      %dma_start3A_326 = tpu.memref_squeeze %dma_start3A_325 : memref<1x200xi32, #tpu.memory_space<vmem>> -> memref<200xi32, #tpu.memory_space<vmem>>
      %dma_start3A_327 = arith.constant 0 : i32
      %dma_start3A_328 = arith.constant 0 : i32
      %dma_start3A_329 = tpu.memref_slice %arg19[%dma_start3A_327, %dma_start3A_328] : memref<10000x32xf32, #tpu.memory_space<vmem_shared>> -> memref<10000x32xf32, #tpu.memory_space<vmem_shared>>
      tpu.enqueue_indirect_dma source(%arg10 : memref<200x32xf32, #tpu.memory_space<vmem>>) target(%dma_start3A_329 : memref<10000x32xf32, #tpu.memory_space<vmem_shared>>) offsets(%dma_start3A_326 : memref<200xi32, #tpu.memory_space<vmem>>) semaphore(%arg31 : memref<!tpu.dma_semaphore, #tpu.memory_space<semaphore_mem>>) {add = true}
      %add3A_330 = arith.constant 2 : i32
      %add3A_331 = arith.addi %mul3A_297, %add3A_330 : i32
      %dma_wait3A_332 = arith.constant 0 : i32
      %dma_wait3A_333 = tpu.memref_slice %arg7[%add3A_331, %dma_wait3A_332] : memref<50x200xi32, #tpu.memory_space<vmem>> -> memref<1x200xi32, #tpu.memory_space<vmem>>
      %dma_wait3A_334 = tpu.memref_squeeze %dma_wait3A_333 : memref<1x200xi32, #tpu.memory_space<vmem>> -> memref<200xi32, #tpu.memory_space<vmem>>
      %dma_wait3A_335 = arith.constant 0 : i32
      %dma_wait3A_336 = arith.constant 0 : i32
      %dma_wait3A_337 = tpu.memref_slice %arg2[%dma_wait3A_335, %dma_wait3A_336] : memref<10000x32xf32, #tpu.memory_space<hbm>> -> memref<10000x32xf32, #tpu.memory_space<hbm>>
      tpu.wait_indirect_dma semaphore(%arg22 : memref<!tpu.dma_semaphore, #tpu.memory_space<semaphore_mem>>) src(%dma_wait3A_337 : memref<10000x32xf32, #tpu.memory_space<hbm>>) dst(%arg11 : memref<200x32xf32, #tpu.memory_space<vmem>>)
      %add3A_338 = arith.constant 2 : i32
      %add3A_339 = arith.addi %mul3A_297, %add3A_338 : i32
      %dma_start3A_340 = arith.constant 0 : i32
      %dma_start3A_341 = tpu.memref_slice %arg8[%add3A_339, %dma_start3A_340] : memref<50x200xi32, #tpu.memory_space<vmem>> -> memref<1x200xi32, #tpu.memory_space<vmem>>
      %dma_start3A_342 = tpu.memref_squeeze %dma_start3A_341 : memref<1x200xi32, #tpu.memory_space<vmem>> -> memref<200xi32, #tpu.memory_space<vmem>>
      %dma_start3A_343 = arith.constant 0 : i32
      %dma_start3A_344 = arith.constant 0 : i32
      %dma_start3A_345 = tpu.memref_slice %arg19[%dma_start3A_343, %dma_start3A_344] : memref<10000x32xf32, #tpu.memory_space<vmem_shared>> -> memref<10000x32xf32, #tpu.memory_space<vmem_shared>>
      tpu.enqueue_indirect_dma source(%arg11 : memref<200x32xf32, #tpu.memory_space<vmem>>) target(%dma_start3A_345 : memref<10000x32xf32, #tpu.memory_space<vmem_shared>>) offsets(%dma_start3A_342 : memref<200xi32, #tpu.memory_space<vmem>>) semaphore(%arg32 : memref<!tpu.dma_semaphore, #tpu.memory_space<semaphore_mem>>) {add = true}
      %add3A_346 = arith.constant 3 : i32
      %add3A_347 = arith.addi %mul3A_297, %add3A_346 : i32
      %dma_wait3A_348 = arith.constant 0 : i32
      %dma_wait3A_349 = tpu.memref_slice %arg7[%add3A_347, %dma_wait3A_348] : memref<50x200xi32, #tpu.memory_space<vmem>> -> memref<1x200xi32, #tpu.memory_space<vmem>>
      %dma_wait3A_350 = tpu.memref_squeeze %dma_wait3A_349 : memref<1x200xi32, #tpu.memory_space<vmem>> -> memref<200xi32, #tpu.memory_space<vmem>>
      %dma_wait3A_351 = arith.constant 0 : i32
      %dma_wait3A_352 = arith.constant 0 : i32
      %dma_wait3A_353 = tpu.memref_slice %arg2[%dma_wait3A_351, %dma_wait3A_352] : memref<10000x32xf32, #tpu.memory_space<hbm>> -> memref<10000x32xf32, #tpu.memory_space<hbm>>
      tpu.wait_indirect_dma semaphore(%arg23 : memref<!tpu.dma_semaphore, #tpu.memory_space<semaphore_mem>>) src(%dma_wait3A_353 : memref<10000x32xf32, #tpu.memory_space<hbm>>) dst(%arg12 : memref<200x32xf32, #tpu.memory_space<vmem>>)
      %add3A_354 = arith.constant 3 : i32
      %add3A_355 = arith.addi %mul3A_297, %add3A_354 : i32
      %dma_start3A_356 = arith.constant 0 : i32
      %dma_start3A_357 = tpu.memref_slice %arg8[%add3A_355, %dma_start3A_356] : memref<50x200xi32, #tpu.memory_space<vmem>> -> memref<1x200xi32, #tpu.memory_space<vmem>>
      %dma_start3A_358 = tpu.memref_squeeze %dma_start3A_357 : memref<1x200xi32, #tpu.memory_space<vmem>> -> memref<200xi32, #tpu.memory_space<vmem>>
      %dma_start3A_359 = arith.constant 0 : i32
      %dma_start3A_360 = arith.constant 0 : i32
      %dma_start3A_361 = tpu.memref_slice %arg19[%dma_start3A_359, %dma_start3A_360] : memref<10000x32xf32, #tpu.memory_space<vmem_shared>> -> memref<10000x32xf32, #tpu.memory_space<vmem_shared>>
      tpu.enqueue_indirect_dma source(%arg12 : memref<200x32xf32, #tpu.memory_space<vmem>>) target(%dma_start3A_361 : memref<10000x32xf32, #tpu.memory_space<vmem_shared>>) offsets(%dma_start3A_358 : memref<200xi32, #tpu.memory_space<vmem>>) semaphore(%arg33 : memref<!tpu.dma_semaphore, #tpu.memory_space<semaphore_mem>>) {add = true}
      %add3A_362 = arith.constant 4 : i32
      %add3A_363 = arith.addi %mul3A_297, %add3A_362 : i32
      %dma_wait3A_364 = arith.constant 0 : i32
      %dma_wait3A_365 = tpu.memref_slice %arg7[%add3A_363, %dma_wait3A_364] : memref<50x200xi32, #tpu.memory_space<vmem>> -> memref<1x200xi32, #tpu.memory_space<vmem>>
      %dma_wait3A_366 = tpu.memref_squeeze %dma_wait3A_365 : memref<1x200xi32, #tpu.memory_space<vmem>> -> memref<200xi32, #tpu.memory_space<vmem>>
      %dma_wait3A_367 = arith.constant 0 : i32
      %dma_wait3A_368 = arith.constant 0 : i32
      %dma_wait3A_369 = tpu.memref_slice %arg2[%dma_wait3A_367, %dma_wait3A_368] : memref<10000x32xf32, #tpu.memory_space<hbm>> -> memref<10000x32xf32, #tpu.memory_space<hbm>>
      tpu.wait_indirect_dma semaphore(%arg24 : memref<!tpu.dma_semaphore, #tpu.memory_space<semaphore_mem>>) src(%dma_wait3A_369 : memref<10000x32xf32, #tpu.memory_space<hbm>>) dst(%arg13 : memref<200x32xf32, #tpu.memory_space<vmem>>)
      %add3A_370 = arith.constant 4 : i32
      %add3A_371 = arith.addi %mul3A_297, %add3A_370 : i32
      %dma_start3A_372 = arith.constant 0 : i32
      %dma_start3A_373 = tpu.memref_slice %arg8[%add3A_371, %dma_start3A_372] : memref<50x200xi32, #tpu.memory_space<vmem>> -> memref<1x200xi32, #tpu.memory_space<vmem>>
      %dma_start3A_374 = tpu.memref_squeeze %dma_start3A_373 : memref<1x200xi32, #tpu.memory_space<vmem>> -> memref<200xi32, #tpu.memory_space<vmem>>
      %dma_start3A_375 = arith.constant 0 : i32
      %dma_start3A_376 = arith.constant 0 : i32
      %dma_start3A_377 = tpu.memref_slice %arg19[%dma_start3A_375, %dma_start3A_376] : memref<10000x32xf32, #tpu.memory_space<vmem_shared>> -> memref<10000x32xf32, #tpu.memory_space<vmem_shared>>
      tpu.enqueue_indirect_dma source(%arg13 : memref<200x32xf32, #tpu.memory_space<vmem>>) target(%dma_start3A_377 : memref<10000x32xf32, #tpu.memory_space<vmem_shared>>) offsets(%dma_start3A_374 : memref<200xi32, #tpu.memory_space<vmem>>) semaphore(%arg34 : memref<!tpu.dma_semaphore, #tpu.memory_space<semaphore_mem>>) {add = true}
      %add3A_378 = arith.constant 5 : i32
      %add3A_379 = arith.addi %mul3A_297, %add3A_378 : i32
      %dma_wait3A_380 = arith.constant 0 : i32
      %dma_wait3A_381 = tpu.memref_slice %arg7[%add3A_379, %dma_wait3A_380] : memref<50x200xi32, #tpu.memory_space<vmem>> -> memref<1x200xi32, #tpu.memory_space<vmem>>
      %dma_wait3A_382 = tpu.memref_squeeze %dma_wait3A_381 : memref<1x200xi32, #tpu.memory_space<vmem>> -> memref<200xi32, #tpu.memory_space<vmem>>
      %dma_wait3A_383 = arith.constant 0 : i32
      %dma_wait3A_384 = arith.constant 0 : i32
      %dma_wait3A_385 = tpu.memref_slice %arg2[%dma_wait3A_383, %dma_wait3A_384] : memref<10000x32xf32, #tpu.memory_space<hbm>> -> memref<10000x32xf32, #tpu.memory_space<hbm>>
      tpu.wait_indirect_dma semaphore(%arg25 : memref<!tpu.dma_semaphore, #tpu.memory_space<semaphore_mem>>) src(%dma_wait3A_385 : memref<10000x32xf32, #tpu.memory_space<hbm>>) dst(%arg14 : memref<200x32xf32, #tpu.memory_space<vmem>>)
      %add3A_386 = arith.constant 5 : i32
      %add3A_387 = arith.addi %mul3A_297, %add3A_386 : i32
      %dma_start3A_388 = arith.constant 0 : i32
      %dma_start3A_389 = tpu.memref_slice %arg8[%add3A_387, %dma_start3A_388] : memref<50x200xi32, #tpu.memory_space<vmem>> -> memref<1x200xi32, #tpu.memory_space<vmem>>
      %dma_start3A_390 = tpu.memref_squeeze %dma_start3A_389 : memref<1x200xi32, #tpu.memory_space<vmem>> -> memref<200xi32, #tpu.memory_space<vmem>>
      %dma_start3A_391 = arith.constant 0 : i32
      %dma_start3A_392 = arith.constant 0 : i32
      %dma_start3A_393 = tpu.memref_slice %arg19[%dma_start3A_391, %dma_start3A_392] : memref<10000x32xf32, #tpu.memory_space<vmem_shared>> -> memref<10000x32xf32, #tpu.memory_space<vmem_shared>>
      tpu.enqueue_indirect_dma source(%arg14 : memref<200x32xf32, #tpu.memory_space<vmem>>) target(%dma_start3A_393 : memref<10000x32xf32, #tpu.memory_space<vmem_shared>>) offsets(%dma_start3A_390 : memref<200xi32, #tpu.memory_space<vmem>>) semaphore(%arg35 : memref<!tpu.dma_semaphore, #tpu.memory_space<semaphore_mem>>) {add = true}
      %add3A_394 = arith.constant 6 : i32
      %add3A_395 = arith.addi %mul3A_297, %add3A_394 : i32
      %dma_wait3A_396 = arith.constant 0 : i32
      %dma_wait3A_397 = tpu.memref_slice %arg7[%add3A_395, %dma_wait3A_396] : memref<50x200xi32, #tpu.memory_space<vmem>> -> memref<1x200xi32, #tpu.memory_space<vmem>>
      %dma_wait3A_398 = tpu.memref_squeeze %dma_wait3A_397 : memref<1x200xi32, #tpu.memory_space<vmem>> -> memref<200xi32, #tpu.memory_space<vmem>>
      %dma_wait3A_399 = arith.constant 0 : i32
      %dma_wait3A_400 = arith.constant 0 : i32
      %dma_wait3A_401 = tpu.memref_slice %arg2[%dma_wait3A_399, %dma_wait3A_400] : memref<10000x32xf32, #tpu.memory_space<hbm>> -> memref<10000x32xf32, #tpu.memory_space<hbm>>
      tpu.wait_indirect_dma semaphore(%arg26 : memref<!tpu.dma_semaphore, #tpu.memory_space<semaphore_mem>>) src(%dma_wait3A_401 : memref<10000x32xf32, #tpu.memory_space<hbm>>) dst(%arg15 : memref<200x32xf32, #tpu.memory_space<vmem>>)
      %add3A_402 = arith.constant 6 : i32
      %add3A_403 = arith.addi %mul3A_297, %add3A_402 : i32
      %dma_start3A_404 = arith.constant 0 : i32
      %dma_start3A_405 = tpu.memref_slice %arg8[%add3A_403, %dma_start3A_404] : memref<50x200xi32, #tpu.memory_space<vmem>> -> memref<1x200xi32, #tpu.memory_space<vmem>>
      %dma_start3A_406 = tpu.memref_squeeze %dma_start3A_405 : memref<1x200xi32, #tpu.memory_space<vmem>> -> memref<200xi32, #tpu.memory_space<vmem>>
      %dma_start3A_407 = arith.constant 0 : i32
      %dma_start3A_408 = arith.constant 0 : i32
      %dma_start3A_409 = tpu.memref_slice %arg19[%dma_start3A_407, %dma_start3A_408] : memref<10000x32xf32, #tpu.memory_space<vmem_shared>> -> memref<10000x32xf32, #tpu.memory_space<vmem_shared>>
      tpu.enqueue_indirect_dma source(%arg15 : memref<200x32xf32, #tpu.memory_space<vmem>>) target(%dma_start3A_409 : memref<10000x32xf32, #tpu.memory_space<vmem_shared>>) offsets(%dma_start3A_406 : memref<200xi32, #tpu.memory_space<vmem>>) semaphore(%arg36 : memref<!tpu.dma_semaphore, #tpu.memory_space<semaphore_mem>>) {add = true}
      %add3A_410 = arith.constant 7 : i32
      %add3A_411 = arith.addi %mul3A_297, %add3A_410 : i32
      %dma_wait3A_412 = arith.constant 0 : i32
      %dma_wait3A_413 = tpu.memref_slice %arg7[%add3A_411, %dma_wait3A_412] : memref<50x200xi32, #tpu.memory_space<vmem>> -> memref<1x200xi32, #tpu.memory_space<vmem>>
      %dma_wait3A_414 = tpu.memref_squeeze %dma_wait3A_413 : memref<1x200xi32, #tpu.memory_space<vmem>> -> memref<200xi32, #tpu.memory_space<vmem>>
      %dma_wait3A_415 = arith.constant 0 : i32
      %dma_wait3A_416 = arith.constant 0 : i32
      %dma_wait3A_417 = tpu.memref_slice %arg2[%dma_wait3A_415, %dma_wait3A_416] : memref<10000x32xf32, #tpu.memory_space<hbm>> -> memref<10000x32xf32, #tpu.memory_space<hbm>>
      tpu.wait_indirect_dma semaphore(%arg27 : memref<!tpu.dma_semaphore, #tpu.memory_space<semaphore_mem>>) src(%dma_wait3A_417 : memref<10000x32xf32, #tpu.memory_space<hbm>>) dst(%arg16 : memref<200x32xf32, #tpu.memory_space<vmem>>)
      %add3A_418 = arith.constant 7 : i32
      %add3A_419 = arith.addi %mul3A_297, %add3A_418 : i32
      %dma_start3A_420 = arith.constant 0 : i32
      %dma_start3A_421 = tpu.memref_slice %arg8[%add3A_419, %dma_start3A_420] : memref<50x200xi32, #tpu.memory_space<vmem>> -> memref<1x200xi32, #tpu.memory_space<vmem>>
      %dma_start3A_422 = tpu.memref_squeeze %dma_start3A_421 : memref<1x200xi32, #tpu.memory_space<vmem>> -> memref<200xi32, #tpu.memory_space<vmem>>
      %dma_start3A_423 = arith.constant 0 : i32
      %dma_start3A_424 = arith.constant 0 : i32
      %dma_start3A_425 = tpu.memref_slice %arg19[%dma_start3A_423, %dma_start3A_424] : memref<10000x32xf32, #tpu.memory_space<vmem_shared>> -> memref<10000x32xf32, #tpu.memory_space<vmem_shared>>
      tpu.enqueue_indirect_dma source(%arg16 : memref<200x32xf32, #tpu.memory_space<vmem>>) target(%dma_start3A_425 : memref<10000x32xf32, #tpu.memory_space<vmem_shared>>) offsets(%dma_start3A_422 : memref<200xi32, #tpu.memory_space<vmem>>) semaphore(%arg37 : memref<!tpu.dma_semaphore, #tpu.memory_space<semaphore_mem>>) {add = true}
      %add3A_426 = arith.constant 8 : i32
      %add3A_427 = arith.addi %mul3A_297, %add3A_426 : i32
      %dma_wait3A_428 = arith.constant 0 : i32
      %dma_wait3A_429 = tpu.memref_slice %arg7[%add3A_427, %dma_wait3A_428] : memref<50x200xi32, #tpu.memory_space<vmem>> -> memref<1x200xi32, #tpu.memory_space<vmem>>
      %dma_wait3A_430 = tpu.memref_squeeze %dma_wait3A_429 : memref<1x200xi32, #tpu.memory_space<vmem>> -> memref<200xi32, #tpu.memory_space<vmem>>
      %dma_wait3A_431 = arith.constant 0 : i32
      %dma_wait3A_432 = arith.constant 0 : i32
      %dma_wait3A_433 = tpu.memref_slice %arg2[%dma_wait3A_431, %dma_wait3A_432] : memref<10000x32xf32, #tpu.memory_space<hbm>> -> memref<10000x32xf32, #tpu.memory_space<hbm>>
      tpu.wait_indirect_dma semaphore(%arg28 : memref<!tpu.dma_semaphore, #tpu.memory_space<semaphore_mem>>) src(%dma_wait3A_433 : memref<10000x32xf32, #tpu.memory_space<hbm>>) dst(%arg17 : memref<200x32xf32, #tpu.memory_space<vmem>>)
      %add3A_434 = arith.constant 8 : i32
      %add3A_435 = arith.addi %mul3A_297, %add3A_434 : i32
      %dma_start3A_436 = arith.constant 0 : i32
      %dma_start3A_437 = tpu.memref_slice %arg8[%add3A_435, %dma_start3A_436] : memref<50x200xi32, #tpu.memory_space<vmem>> -> memref<1x200xi32, #tpu.memory_space<vmem>>
      %dma_start3A_438 = tpu.memref_squeeze %dma_start3A_437 : memref<1x200xi32, #tpu.memory_space<vmem>> -> memref<200xi32, #tpu.memory_space<vmem>>
      %dma_start3A_439 = arith.constant 0 : i32
      %dma_start3A_440 = arith.constant 0 : i32
      %dma_start3A_441 = tpu.memref_slice %arg19[%dma_start3A_439, %dma_start3A_440] : memref<10000x32xf32, #tpu.memory_space<vmem_shared>> -> memref<10000x32xf32, #tpu.memory_space<vmem_shared>>
      tpu.enqueue_indirect_dma source(%arg17 : memref<200x32xf32, #tpu.memory_space<vmem>>) target(%dma_start3A_441 : memref<10000x32xf32, #tpu.memory_space<vmem_shared>>) offsets(%dma_start3A_438 : memref<200xi32, #tpu.memory_space<vmem>>) semaphore(%arg38 : memref<!tpu.dma_semaphore, #tpu.memory_space<semaphore_mem>>) {add = true}
      %add3A_442 = arith.constant 9 : i32
      %add3A_443 = arith.addi %mul3A_297, %add3A_442 : i32
      %dma_wait3A_444 = arith.constant 0 : i32
      %dma_wait3A_445 = tpu.memref_slice %arg7[%add3A_443, %dma_wait3A_444] : memref<50x200xi32, #tpu.memory_space<vmem>> -> memref<1x200xi32, #tpu.memory_space<vmem>>
      %dma_wait3A_446 = tpu.memref_squeeze %dma_wait3A_445 : memref<1x200xi32, #tpu.memory_space<vmem>> -> memref<200xi32, #tpu.memory_space<vmem>>
      %dma_wait3A_447 = arith.constant 0 : i32
      %dma_wait3A_448 = arith.constant 0 : i32
      %dma_wait3A_449 = tpu.memref_slice %arg2[%dma_wait3A_447, %dma_wait3A_448] : memref<10000x32xf32, #tpu.memory_space<hbm>> -> memref<10000x32xf32, #tpu.memory_space<hbm>>
      tpu.wait_indirect_dma semaphore(%arg29 : memref<!tpu.dma_semaphore, #tpu.memory_space<semaphore_mem>>) src(%dma_wait3A_449 : memref<10000x32xf32, #tpu.memory_space<hbm>>) dst(%arg18 : memref<200x32xf32, #tpu.memory_space<vmem>>)
      %add3A_450 = arith.constant 9 : i32
      %add3A_451 = arith.addi %mul3A_297, %add3A_450 : i32
      %dma_start3A_452 = arith.constant 0 : i32
      %dma_start3A_453 = tpu.memref_slice %arg8[%add3A_451, %dma_start3A_452] : memref<50x200xi32, #tpu.memory_space<vmem>> -> memref<1x200xi32, #tpu.memory_space<vmem>>
      %dma_start3A_454 = tpu.memref_squeeze %dma_start3A_453 : memref<1x200xi32, #tpu.memory_space<vmem>> -> memref<200xi32, #tpu.memory_space<vmem>>
      %dma_start3A_455 = arith.constant 0 : i32
      %dma_start3A_456 = arith.constant 0 : i32
      %dma_start3A_457 = tpu.memref_slice %arg19[%dma_start3A_455, %dma_start3A_456] : memref<10000x32xf32, #tpu.memory_space<vmem_shared>> -> memref<10000x32xf32, #tpu.memory_space<vmem_shared>>
      tpu.enqueue_indirect_dma source(%arg18 : memref<200x32xf32, #tpu.memory_space<vmem>>) target(%dma_start3A_457 : memref<10000x32xf32, #tpu.memory_space<vmem_shared>>) offsets(%dma_start3A_454 : memref<200xi32, #tpu.memory_space<vmem>>) semaphore(%arg39 : memref<!tpu.dma_semaphore, #tpu.memory_space<semaphore_mem>>) {add = true}
      %add3A_458 = arith.constant 0 : i32
      %add3A_459 = arith.addi %mul3A_297, %add3A_458 : i32
      %dma_wait3A_460 = arith.constant 0 : i32
      %dma_wait3A_461 = tpu.memref_slice %arg8[%add3A_459, %dma_wait3A_460] : memref<50x200xi32, #tpu.memory_space<vmem>> -> memref<1x200xi32, #tpu.memory_space<vmem>>
      %dma_wait3A_462 = tpu.memref_squeeze %dma_wait3A_461 : memref<1x200xi32, #tpu.memory_space<vmem>> -> memref<200xi32, #tpu.memory_space<vmem>>
      %dma_wait3A_463 = arith.constant 0 : i32
      %dma_wait3A_464 = arith.constant 0 : i32
      %dma_wait3A_465 = tpu.memref_slice %arg19[%dma_wait3A_463, %dma_wait3A_464] : memref<10000x32xf32, #tpu.memory_space<vmem_shared>> -> memref<10000x32xf32, #tpu.memory_space<vmem_shared>>
      tpu.wait_indirect_dma semaphore(%arg30 : memref<!tpu.dma_semaphore, #tpu.memory_space<semaphore_mem>>) src(%arg9 : memref<200x32xf32, #tpu.memory_space<vmem>>) dst(%dma_wait3A_465 : memref<10000x32xf32, #tpu.memory_space<vmem_shared>>)
      %add3A_466 = arith.constant 10 : i32
      %add3A_467 = arith.addi %mul3A_297, %add3A_466 : i32
      %add3A_468 = arith.constant 0 : i32
      %add3A_469 = arith.addi %add3A_467, %add3A_468 : i32
      %dma_start3A_470 = arith.constant 0 : i32
      %dma_start3A_471 = tpu.memref_slice %arg7[%add3A_469, %dma_start3A_470] : memref<50x200xi32, #tpu.memory_space<vmem>> -> memref<1x200xi32, #tpu.memory_space<vmem>>
      %dma_start3A_472 = tpu.memref_squeeze %dma_start3A_471 : memref<1x200xi32, #tpu.memory_space<vmem>> -> memref<200xi32, #tpu.memory_space<vmem>>
      %dma_start3A_473 = arith.constant 0 : i32
      %dma_start3A_474 = arith.constant 0 : i32
      %dma_start3A_475 = tpu.memref_slice %arg2[%dma_start3A_473, %dma_start3A_474] : memref<10000x32xf32, #tpu.memory_space<hbm>> -> memref<10000x32xf32, #tpu.memory_space<hbm>>
      tpu.enqueue_indirect_dma source(%dma_start3A_475 : memref<10000x32xf32, #tpu.memory_space<hbm>>) target(%arg9 : memref<200x32xf32, #tpu.memory_space<vmem>>) offsets(%dma_start3A_472 : memref<200xi32, #tpu.memory_space<vmem>>) semaphore(%arg20 : memref<!tpu.dma_semaphore, #tpu.memory_space<semaphore_mem>>)
      %add3A_476 = arith.constant 1 : i32
      %add3A_477 = arith.addi %mul3A_297, %add3A_476 : i32
      %dma_wait3A_478 = arith.constant 0 : i32
      %dma_wait3A_479 = tpu.memref_slice %arg8[%add3A_477, %dma_wait3A_478] : memref<50x200xi32, #tpu.memory_space<vmem>> -> memref<1x200xi32, #tpu.memory_space<vmem>>
      %dma_wait3A_480 = tpu.memref_squeeze %dma_wait3A_479 : memref<1x200xi32, #tpu.memory_space<vmem>> -> memref<200xi32, #tpu.memory_space<vmem>>
      %dma_wait3A_481 = arith.constant 0 : i32
      %dma_wait3A_482 = arith.constant 0 : i32
      %dma_wait3A_483 = tpu.memref_slice %arg19[%dma_wait3A_481, %dma_wait3A_482] : memref<10000x32xf32, #tpu.memory_space<vmem_shared>> -> memref<10000x32xf32, #tpu.memory_space<vmem_shared>>
      tpu.wait_indirect_dma semaphore(%arg31 : memref<!tpu.dma_semaphore, #tpu.memory_space<semaphore_mem>>) src(%arg10 : memref<200x32xf32, #tpu.memory_space<vmem>>) dst(%dma_wait3A_483 : memref<10000x32xf32, #tpu.memory_space<vmem_shared>>)
      %add3A_484 = arith.constant 10 : i32
      %add3A_485 = arith.addi %mul3A_297, %add3A_484 : i32
      %add3A_486 = arith.constant 1 : i32
      %add3A_487 = arith.addi %add3A_485, %add3A_486 : i32
      %dma_start3A_488 = arith.constant 0 : i32
      %dma_start3A_489 = tpu.memref_slice %arg7[%add3A_487, %dma_start3A_488] : memref<50x200xi32, #tpu.memory_space<vmem>> -> memref<1x200xi32, #tpu.memory_space<vmem>>
      %dma_start3A_490 = tpu.memref_squeeze %dma_start3A_489 : memref<1x200xi32, #tpu.memory_space<vmem>> -> memref<200xi32, #tpu.memory_space<vmem>>
      %dma_start3A_491 = arith.constant 0 : i32
      %dma_start3A_492 = arith.constant 0 : i32
      %dma_start3A_493 = tpu.memref_slice %arg2[%dma_start3A_491, %dma_start3A_492] : memref<10000x32xf32, #tpu.memory_space<hbm>> -> memref<10000x32xf32, #tpu.memory_space<hbm>>
      tpu.enqueue_indirect_dma source(%dma_start3A_493 : memref<10000x32xf32, #tpu.memory_space<hbm>>) target(%arg10 : memref<200x32xf32, #tpu.memory_space<vmem>>) offsets(%dma_start3A_490 : memref<200xi32, #tpu.memory_space<vmem>>) semaphore(%arg21 : memref<!tpu.dma_semaphore, #tpu.memory_space<semaphore_mem>>)
      %add3A_494 = arith.constant 2 : i32
      %add3A_495 = arith.addi %mul3A_297, %add3A_494 : i32
      %dma_wait3A_496 = arith.constant 0 : i32
      %dma_wait3A_497 = tpu.memref_slice %arg8[%add3A_495, %dma_wait3A_496] : memref<50x200xi32, #tpu.memory_space<vmem>> -> memref<1x200xi32, #tpu.memory_space<vmem>>
      %dma_wait3A_498 = tpu.memref_squeeze %dma_wait3A_497 : memref<1x200xi32, #tpu.memory_space<vmem>> -> memref<200xi32, #tpu.memory_space<vmem>>
      %dma_wait3A_499 = arith.constant 0 : i32
      %dma_wait3A_500 = arith.constant 0 : i32
      %dma_wait3A_501 = tpu.memref_slice %arg19[%dma_wait3A_499, %dma_wait3A_500] : memref<10000x32xf32, #tpu.memory_space<vmem_shared>> -> memref<10000x32xf32, #tpu.memory_space<vmem_shared>>
      tpu.wait_indirect_dma semaphore(%arg32 : memref<!tpu.dma_semaphore, #tpu.memory_space<semaphore_mem>>) src(%arg11 : memref<200x32xf32, #tpu.memory_space<vmem>>) dst(%dma_wait3A_501 : memref<10000x32xf32, #tpu.memory_space<vmem_shared>>)
      %add3A_502 = arith.constant 10 : i32
      %add3A_503 = arith.addi %mul3A_297, %add3A_502 : i32
      %add3A_504 = arith.constant 2 : i32
      %add3A_505 = arith.addi %add3A_503, %add3A_504 : i32
      %dma_start3A_506 = arith.constant 0 : i32
      %dma_start3A_507 = tpu.memref_slice %arg7[%add3A_505, %dma_start3A_506] : memref<50x200xi32, #tpu.memory_space<vmem>> -> memref<1x200xi32, #tpu.memory_space<vmem>>
      %dma_start3A_508 = tpu.memref_squeeze %dma_start3A_507 : memref<1x200xi32, #tpu.memory_space<vmem>> -> memref<200xi32, #tpu.memory_space<vmem>>
      %dma_start3A_509 = arith.constant 0 : i32
      %dma_start3A_510 = arith.constant 0 : i32
      %dma_start3A_511 = tpu.memref_slice %arg2[%dma_start3A_509, %dma_start3A_510] : memref<10000x32xf32, #tpu.memory_space<hbm>> -> memref<10000x32xf32, #tpu.memory_space<hbm>>
      tpu.enqueue_indirect_dma source(%dma_start3A_511 : memref<10000x32xf32, #tpu.memory_space<hbm>>) target(%arg11 : memref<200x32xf32, #tpu.memory_space<vmem>>) offsets(%dma_start3A_508 : memref<200xi32, #tpu.memory_space<vmem>>) semaphore(%arg22 : memref<!tpu.dma_semaphore, #tpu.memory_space<semaphore_mem>>)
      %add3A_512 = arith.constant 3 : i32
      %add3A_513 = arith.addi %mul3A_297, %add3A_512 : i32
      %dma_wait3A_514 = arith.constant 0 : i32
      %dma_wait3A_515 = tpu.memref_slice %arg8[%add3A_513, %dma_wait3A_514] : memref<50x200xi32, #tpu.memory_space<vmem>> -> memref<1x200xi32, #tpu.memory_space<vmem>>
      %dma_wait3A_516 = tpu.memref_squeeze %dma_wait3A_515 : memref<1x200xi32, #tpu.memory_space<vmem>> -> memref<200xi32, #tpu.memory_space<vmem>>
      %dma_wait3A_517 = arith.constant 0 : i32
      %dma_wait3A_518 = arith.constant 0 : i32
      %dma_wait3A_519 = tpu.memref_slice %arg19[%dma_wait3A_517, %dma_wait3A_518] : memref<10000x32xf32, #tpu.memory_space<vmem_shared>> -> memref<10000x32xf32, #tpu.memory_space<vmem_shared>>
      tpu.wait_indirect_dma semaphore(%arg33 : memref<!tpu.dma_semaphore, #tpu.memory_space<semaphore_mem>>) src(%arg12 : memref<200x32xf32, #tpu.memory_space<vmem>>) dst(%dma_wait3A_519 : memref<10000x32xf32, #tpu.memory_space<vmem_shared>>)
      %add3A_520 = arith.constant 10 : i32
      %add3A_521 = arith.addi %mul3A_297, %add3A_520 : i32
      %add3A_522 = arith.constant 3 : i32
      %add3A_523 = arith.addi %add3A_521, %add3A_522 : i32
      %dma_start3A_524 = arith.constant 0 : i32
      %dma_start3A_525 = tpu.memref_slice %arg7[%add3A_523, %dma_start3A_524] : memref<50x200xi32, #tpu.memory_space<vmem>> -> memref<1x200xi32, #tpu.memory_space<vmem>>
      %dma_start3A_526 = tpu.memref_squeeze %dma_start3A_525 : memref<1x200xi32, #tpu.memory_space<vmem>> -> memref<200xi32, #tpu.memory_space<vmem>>
      %dma_start3A_527 = arith.constant 0 : i32
      %dma_start3A_528 = arith.constant 0 : i32
      %dma_start3A_529 = tpu.memref_slice %arg2[%dma_start3A_527, %dma_start3A_528] : memref<10000x32xf32, #tpu.memory_space<hbm>> -> memref<10000x32xf32, #tpu.memory_space<hbm>>
      tpu.enqueue_indirect_dma source(%dma_start3A_529 : memref<10000x32xf32, #tpu.memory_space<hbm>>) target(%arg12 : memref<200x32xf32, #tpu.memory_space<vmem>>) offsets(%dma_start3A_526 : memref<200xi32, #tpu.memory_space<vmem>>) semaphore(%arg23 : memref<!tpu.dma_semaphore, #tpu.memory_space<semaphore_mem>>)
      %add3A_530 = arith.constant 4 : i32
      %add3A_531 = arith.addi %mul3A_297, %add3A_530 : i32
      %dma_wait3A_532 = arith.constant 0 : i32
      %dma_wait3A_533 = tpu.memref_slice %arg8[%add3A_531, %dma_wait3A_532] : memref<50x200xi32, #tpu.memory_space<vmem>> -> memref<1x200xi32, #tpu.memory_space<vmem>>
      %dma_wait3A_534 = tpu.memref_squeeze %dma_wait3A_533 : memref<1x200xi32, #tpu.memory_space<vmem>> -> memref<200xi32, #tpu.memory_space<vmem>>
      %dma_wait3A_535 = arith.constant 0 : i32
      %dma_wait3A_536 = arith.constant 0 : i32
      %dma_wait3A_537 = tpu.memref_slice %arg19[%dma_wait3A_535, %dma_wait3A_536] : memref<10000x32xf32, #tpu.memory_space<vmem_shared>> -> memref<10000x32xf32, #tpu.memory_space<vmem_shared>>
      tpu.wait_indirect_dma semaphore(%arg34 : memref<!tpu.dma_semaphore, #tpu.memory_space<semaphore_mem>>) src(%arg13 : memref<200x32xf32, #tpu.memory_space<vmem>>) dst(%dma_wait3A_537 : memref<10000x32xf32, #tpu.memory_space<vmem_shared>>)
      %add3A_538 = arith.constant 10 : i32
      %add3A_539 = arith.addi %mul3A_297, %add3A_538 : i32
      %add3A_540 = arith.constant 4 : i32
      %add3A_541 = arith.addi %add3A_539, %add3A_540 : i32
      %dma_start3A_542 = arith.constant 0 : i32
      %dma_start3A_543 = tpu.memref_slice %arg7[%add3A_541, %dma_start3A_542] : memref<50x200xi32, #tpu.memory_space<vmem>> -> memref<1x200xi32, #tpu.memory_space<vmem>>
      %dma_start3A_544 = tpu.memref_squeeze %dma_start3A_543 : memref<1x200xi32, #tpu.memory_space<vmem>> -> memref<200xi32, #tpu.memory_space<vmem>>
      %dma_start3A_545 = arith.constant 0 : i32
      %dma_start3A_546 = arith.constant 0 : i32
      %dma_start3A_547 = tpu.memref_slice %arg2[%dma_start3A_545, %dma_start3A_546] : memref<10000x32xf32, #tpu.memory_space<hbm>> -> memref<10000x32xf32, #tpu.memory_space<hbm>>
      tpu.enqueue_indirect_dma source(%dma_start3A_547 : memref<10000x32xf32, #tpu.memory_space<hbm>>) target(%arg13 : memref<200x32xf32, #tpu.memory_space<vmem>>) offsets(%dma_start3A_544 : memref<200xi32, #tpu.memory_space<vmem>>) semaphore(%arg24 : memref<!tpu.dma_semaphore, #tpu.memory_space<semaphore_mem>>)
      %add3A_548 = arith.constant 5 : i32
      %add3A_549 = arith.addi %mul3A_297, %add3A_548 : i32
      %dma_wait3A_550 = arith.constant 0 : i32
      %dma_wait3A_551 = tpu.memref_slice %arg8[%add3A_549, %dma_wait3A_550] : memref<50x200xi32, #tpu.memory_space<vmem>> -> memref<1x200xi32, #tpu.memory_space<vmem>>
      %dma_wait3A_552 = tpu.memref_squeeze %dma_wait3A_551 : memref<1x200xi32, #tpu.memory_space<vmem>> -> memref<200xi32, #tpu.memory_space<vmem>>
      %dma_wait3A_553 = arith.constant 0 : i32
      %dma_wait3A_554 = arith.constant 0 : i32
      %dma_wait3A_555 = tpu.memref_slice %arg19[%dma_wait3A_553, %dma_wait3A_554] : memref<10000x32xf32, #tpu.memory_space<vmem_shared>> -> memref<10000x32xf32, #tpu.memory_space<vmem_shared>>
      tpu.wait_indirect_dma semaphore(%arg35 : memref<!tpu.dma_semaphore, #tpu.memory_space<semaphore_mem>>) src(%arg14 : memref<200x32xf32, #tpu.memory_space<vmem>>) dst(%dma_wait3A_555 : memref<10000x32xf32, #tpu.memory_space<vmem_shared>>)
      %add3A_556 = arith.constant 10 : i32
      %add3A_557 = arith.addi %mul3A_297, %add3A_556 : i32
      %add3A_558 = arith.constant 5 : i32
      %add3A_559 = arith.addi %add3A_557, %add3A_558 : i32
      %dma_start3A_560 = arith.constant 0 : i32
      %dma_start3A_561 = tpu.memref_slice %arg7[%add3A_559, %dma_start3A_560] : memref<50x200xi32, #tpu.memory_space<vmem>> -> memref<1x200xi32, #tpu.memory_space<vmem>>
      %dma_start3A_562 = tpu.memref_squeeze %dma_start3A_561 : memref<1x200xi32, #tpu.memory_space<vmem>> -> memref<200xi32, #tpu.memory_space<vmem>>
      %dma_start3A_563 = arith.constant 0 : i32
      %dma_start3A_564 = arith.constant 0 : i32
      %dma_start3A_565 = tpu.memref_slice %arg2[%dma_start3A_563, %dma_start3A_564] : memref<10000x32xf32, #tpu.memory_space<hbm>> -> memref<10000x32xf32, #tpu.memory_space<hbm>>
      tpu.enqueue_indirect_dma source(%dma_start3A_565 : memref<10000x32xf32, #tpu.memory_space<hbm>>) target(%arg14 : memref<200x32xf32, #tpu.memory_space<vmem>>) offsets(%dma_start3A_562 : memref<200xi32, #tpu.memory_space<vmem>>) semaphore(%arg25 : memref<!tpu.dma_semaphore, #tpu.memory_space<semaphore_mem>>)
      %add3A_566 = arith.constant 6 : i32
      %add3A_567 = arith.addi %mul3A_297, %add3A_566 : i32
      %dma_wait3A_568 = arith.constant 0 : i32
      %dma_wait3A_569 = tpu.memref_slice %arg8[%add3A_567, %dma_wait3A_568] : memref<50x200xi32, #tpu.memory_space<vmem>> -> memref<1x200xi32, #tpu.memory_space<vmem>>
      %dma_wait3A_570 = tpu.memref_squeeze %dma_wait3A_569 : memref<1x200xi32, #tpu.memory_space<vmem>> -> memref<200xi32, #tpu.memory_space<vmem>>
      %dma_wait3A_571 = arith.constant 0 : i32
      %dma_wait3A_572 = arith.constant 0 : i32
      %dma_wait3A_573 = tpu.memref_slice %arg19[%dma_wait3A_571, %dma_wait3A_572] : memref<10000x32xf32, #tpu.memory_space<vmem_shared>> -> memref<10000x32xf32, #tpu.memory_space<vmem_shared>>
      tpu.wait_indirect_dma semaphore(%arg36 : memref<!tpu.dma_semaphore, #tpu.memory_space<semaphore_mem>>) src(%arg15 : memref<200x32xf32, #tpu.memory_space<vmem>>) dst(%dma_wait3A_573 : memref<10000x32xf32, #tpu.memory_space<vmem_shared>>)
      %add3A_574 = arith.constant 10 : i32
      %add3A_575 = arith.addi %mul3A_297, %add3A_574 : i32
      %add3A_576 = arith.constant 6 : i32
      %add3A_577 = arith.addi %add3A_575, %add3A_576 : i32
      %dma_start3A_578 = arith.constant 0 : i32
      %dma_start3A_579 = tpu.memref_slice %arg7[%add3A_577, %dma_start3A_578] : memref<50x200xi32, #tpu.memory_space<vmem>> -> memref<1x200xi32, #tpu.memory_space<vmem>>
      %dma_start3A_580 = tpu.memref_squeeze %dma_start3A_579 : memref<1x200xi32, #tpu.memory_space<vmem>> -> memref<200xi32, #tpu.memory_space<vmem>>
      %dma_start3A_581 = arith.constant 0 : i32
      %dma_start3A_582 = arith.constant 0 : i32
      %dma_start3A_583 = tpu.memref_slice %arg2[%dma_start3A_581, %dma_start3A_582] : memref<10000x32xf32, #tpu.memory_space<hbm>> -> memref<10000x32xf32, #tpu.memory_space<hbm>>
      tpu.enqueue_indirect_dma source(%dma_start3A_583 : memref<10000x32xf32, #tpu.memory_space<hbm>>) target(%arg15 : memref<200x32xf32, #tpu.memory_space<vmem>>) offsets(%dma_start3A_580 : memref<200xi32, #tpu.memory_space<vmem>>) semaphore(%arg26 : memref<!tpu.dma_semaphore, #tpu.memory_space<semaphore_mem>>)
      %add3A_584 = arith.constant 7 : i32
      %add3A_585 = arith.addi %mul3A_297, %add3A_584 : i32
      %dma_wait3A_586 = arith.constant 0 : i32
      %dma_wait3A_587 = tpu.memref_slice %arg8[%add3A_585, %dma_wait3A_586] : memref<50x200xi32, #tpu.memory_space<vmem>> -> memref<1x200xi32, #tpu.memory_space<vmem>>
      %dma_wait3A_588 = tpu.memref_squeeze %dma_wait3A_587 : memref<1x200xi32, #tpu.memory_space<vmem>> -> memref<200xi32, #tpu.memory_space<vmem>>
      %dma_wait3A_589 = arith.constant 0 : i32
      %dma_wait3A_590 = arith.constant 0 : i32
      %dma_wait3A_591 = tpu.memref_slice %arg19[%dma_wait3A_589, %dma_wait3A_590] : memref<10000x32xf32, #tpu.memory_space<vmem_shared>> -> memref<10000x32xf32, #tpu.memory_space<vmem_shared>>
      tpu.wait_indirect_dma semaphore(%arg37 : memref<!tpu.dma_semaphore, #tpu.memory_space<semaphore_mem>>) src(%arg16 : memref<200x32xf32, #tpu.memory_space<vmem>>) dst(%dma_wait3A_591 : memref<10000x32xf32, #tpu.memory_space<vmem_shared>>)
      %add3A_592 = arith.constant 10 : i32
      %add3A_593 = arith.addi %mul3A_297, %add3A_592 : i32
      %add3A_594 = arith.constant 7 : i32
      %add3A_595 = arith.addi %add3A_593, %add3A_594 : i32
      %dma_start3A_596 = arith.constant 0 : i32
      %dma_start3A_597 = tpu.memref_slice %arg7[%add3A_595, %dma_start3A_596] : memref<50x200xi32, #tpu.memory_space<vmem>> -> memref<1x200xi32, #tpu.memory_space<vmem>>
      %dma_start3A_598 = tpu.memref_squeeze %dma_start3A_597 : memref<1x200xi32, #tpu.memory_space<vmem>> -> memref<200xi32, #tpu.memory_space<vmem>>
      %dma_start3A_599 = arith.constant 0 : i32
      %dma_start3A_600 = arith.constant 0 : i32
      %dma_start3A_601 = tpu.memref_slice %arg2[%dma_start3A_599, %dma_start3A_600] : memref<10000x32xf32, #tpu.memory_space<hbm>> -> memref<10000x32xf32, #tpu.memory_space<hbm>>
      tpu.enqueue_indirect_dma source(%dma_start3A_601 : memref<10000x32xf32, #tpu.memory_space<hbm>>) target(%arg16 : memref<200x32xf32, #tpu.memory_space<vmem>>) offsets(%dma_start3A_598 : memref<200xi32, #tpu.memory_space<vmem>>) semaphore(%arg27 : memref<!tpu.dma_semaphore, #tpu.memory_space<semaphore_mem>>)
      %add3A_602 = arith.constant 8 : i32
      %add3A_603 = arith.addi %mul3A_297, %add3A_602 : i32
      %dma_wait3A_604 = arith.constant 0 : i32
      %dma_wait3A_605 = tpu.memref_slice %arg8[%add3A_603, %dma_wait3A_604] : memref<50x200xi32, #tpu.memory_space<vmem>> -> memref<1x200xi32, #tpu.memory_space<vmem>>
      %dma_wait3A_606 = tpu.memref_squeeze %dma_wait3A_605 : memref<1x200xi32, #tpu.memory_space<vmem>> -> memref<200xi32, #tpu.memory_space<vmem>>
      %dma_wait3A_607 = arith.constant 0 : i32
      %dma_wait3A_608 = arith.constant 0 : i32
      %dma_wait3A_609 = tpu.memref_slice %arg19[%dma_wait3A_607, %dma_wait3A_608] : memref<10000x32xf32, #tpu.memory_space<vmem_shared>> -> memref<10000x32xf32, #tpu.memory_space<vmem_shared>>
      tpu.wait_indirect_dma semaphore(%arg38 : memref<!tpu.dma_semaphore, #tpu.memory_space<semaphore_mem>>) src(%arg17 : memref<200x32xf32, #tpu.memory_space<vmem>>) dst(%dma_wait3A_609 : memref<10000x32xf32, #tpu.memory_space<vmem_shared>>)
      %add3A_610 = arith.constant 10 : i32
      %add3A_611 = arith.addi %mul3A_297, %add3A_610 : i32
      %add3A_612 = arith.constant 8 : i32
      %add3A_613 = arith.addi %add3A_611, %add3A_612 : i32
      %dma_start3A_614 = arith.constant 0 : i32
      %dma_start3A_615 = tpu.memref_slice %arg7[%add3A_613, %dma_start3A_614] : memref<50x200xi32, #tpu.memory_space<vmem>> -> memref<1x200xi32, #tpu.memory_space<vmem>>
      %dma_start3A_616 = tpu.memref_squeeze %dma_start3A_615 : memref<1x200xi32, #tpu.memory_space<vmem>> -> memref<200xi32, #tpu.memory_space<vmem>>
      %dma_start3A_617 = arith.constant 0 : i32
      %dma_start3A_618 = arith.constant 0 : i32
      %dma_start3A_619 = tpu.memref_slice %arg2[%dma_start3A_617, %dma_start3A_618] : memref<10000x32xf32, #tpu.memory_space<hbm>> -> memref<10000x32xf32, #tpu.memory_space<hbm>>
      tpu.enqueue_indirect_dma source(%dma_start3A_619 : memref<10000x32xf32, #tpu.memory_space<hbm>>) target(%arg17 : memref<200x32xf32, #tpu.memory_space<vmem>>) offsets(%dma_start3A_616 : memref<200xi32, #tpu.memory_space<vmem>>) semaphore(%arg28 : memref<!tpu.dma_semaphore, #tpu.memory_space<semaphore_mem>>)
      %add3A_620 = arith.constant 9 : i32
      %add3A_621 = arith.addi %mul3A_297, %add3A_620 : i32
      %dma_wait3A_622 = arith.constant 0 : i32
      %dma_wait3A_623 = tpu.memref_slice %arg8[%add3A_621, %dma_wait3A_622] : memref<50x200xi32, #tpu.memory_space<vmem>> -> memref<1x200xi32, #tpu.memory_space<vmem>>
      %dma_wait3A_624 = tpu.memref_squeeze %dma_wait3A_623 : memref<1x200xi32, #tpu.memory_space<vmem>> -> memref<200xi32, #tpu.memory_space<vmem>>
      %dma_wait3A_625 = arith.constant 0 : i32
      %dma_wait3A_626 = arith.constant 0 : i32
      %dma_wait3A_627 = tpu.memref_slice %arg19[%dma_wait3A_625, %dma_wait3A_626] : memref<10000x32xf32, #tpu.memory_space<vmem_shared>> -> memref<10000x32xf32, #tpu.memory_space<vmem_shared>>
      tpu.wait_indirect_dma semaphore(%arg39 : memref<!tpu.dma_semaphore, #tpu.memory_space<semaphore_mem>>) src(%arg18 : memref<200x32xf32, #tpu.memory_space<vmem>>) dst(%dma_wait3A_627 : memref<10000x32xf32, #tpu.memory_space<vmem_shared>>)
      %add3A_628 = arith.constant 10 : i32
      %add3A_629 = arith.addi %mul3A_297, %add3A_628 : i32
      %add3A_630 = arith.constant 9 : i32
      %add3A_631 = arith.addi %add3A_629, %add3A_630 : i32
      %dma_start3A_632 = arith.constant 0 : i32
      %dma_start3A_633 = tpu.memref_slice %arg7[%add3A_631, %dma_start3A_632] : memref<50x200xi32, #tpu.memory_space<vmem>> -> memref<1x200xi32, #tpu.memory_space<vmem>>
      %dma_start3A_634 = tpu.memref_squeeze %dma_start3A_633 : memref<1x200xi32, #tpu.memory_space<vmem>> -> memref<200xi32, #tpu.memory_space<vmem>>
      %dma_start3A_635 = arith.constant 0 : i32
      %dma_start3A_636 = arith.constant 0 : i32
      %dma_start3A_637 = tpu.memref_slice %arg2[%dma_start3A_635, %dma_start3A_636] : memref<10000x32xf32, #tpu.memory_space<hbm>> -> memref<10000x32xf32, #tpu.memory_space<hbm>>
      tpu.enqueue_indirect_dma source(%dma_start3A_637 : memref<10000x32xf32, #tpu.memory_space<hbm>>) target(%arg18 : memref<200x32xf32, #tpu.memory_space<vmem>>) offsets(%dma_start3A_634 : memref<200xi32, #tpu.memory_space<vmem>>) semaphore(%arg29 : memref<!tpu.dma_semaphore, #tpu.memory_space<semaphore_mem>>)
    }
    %scan3A_80 = arith.constant 4 : i32
    %dma_wait3A = arith.constant 40 : i32
    %dma_wait3A_81 = arith.constant 0 : i32
    %dma_wait3A_82 = tpu.memref_slice %arg7[%dma_wait3A, %dma_wait3A_81] : memref<50x200xi32, #tpu.memory_space<vmem>> -> memref<1x200xi32, #tpu.memory_space<vmem>>
    %dma_wait3A_83 = tpu.memref_squeeze %dma_wait3A_82 : memref<1x200xi32, #tpu.memory_space<vmem>> -> memref<200xi32, #tpu.memory_space<vmem>>
    %dma_wait3A_84 = arith.constant 0 : i32
    %dma_wait3A_85 = arith.constant 0 : i32
    %dma_wait3A_86 = tpu.memref_slice %arg2[%dma_wait3A_84, %dma_wait3A_85] : memref<10000x32xf32, #tpu.memory_space<hbm>> -> memref<10000x32xf32, #tpu.memory_space<hbm>>
    tpu.wait_indirect_dma semaphore(%arg20 : memref<!tpu.dma_semaphore, #tpu.memory_space<semaphore_mem>>) src(%dma_wait3A_86 : memref<10000x32xf32, #tpu.memory_space<hbm>>) dst(%arg9 : memref<200x32xf32, #tpu.memory_space<vmem>>)
    %dma_start3A_87 = arith.constant 40 : i32
    %dma_start3A_88 = arith.constant 0 : i32
    %dma_start3A_89 = tpu.memref_slice %arg8[%dma_start3A_87, %dma_start3A_88] : memref<50x200xi32, #tpu.memory_space<vmem>> -> memref<1x200xi32, #tpu.memory_space<vmem>>
    %dma_start3A_90 = tpu.memref_squeeze %dma_start3A_89 : memref<1x200xi32, #tpu.memory_space<vmem>> -> memref<200xi32, #tpu.memory_space<vmem>>
    %dma_start3A_91 = arith.constant 0 : i32
    %dma_start3A_92 = arith.constant 0 : i32
    %dma_start3A_93 = tpu.memref_slice %arg19[%dma_start3A_91, %dma_start3A_92] : memref<10000x32xf32, #tpu.memory_space<vmem_shared>> -> memref<10000x32xf32, #tpu.memory_space<vmem_shared>>
    tpu.enqueue_indirect_dma source(%arg9 : memref<200x32xf32, #tpu.memory_space<vmem>>) target(%dma_start3A_93 : memref<10000x32xf32, #tpu.memory_space<vmem_shared>>) offsets(%dma_start3A_90 : memref<200xi32, #tpu.memory_space<vmem>>) semaphore(%arg30 : memref<!tpu.dma_semaphore, #tpu.memory_space<semaphore_mem>>) {add = true}
    %dma_wait3A_94 = arith.constant 41 : i32
    %dma_wait3A_95 = arith.constant 0 : i32
    %dma_wait3A_96 = tpu.memref_slice %arg7[%dma_wait3A_94, %dma_wait3A_95] : memref<50x200xi32, #tpu.memory_space<vmem>> -> memref<1x200xi32, #tpu.memory_space<vmem>>
    %dma_wait3A_97 = tpu.memref_squeeze %dma_wait3A_96 : memref<1x200xi32, #tpu.memory_space<vmem>> -> memref<200xi32, #tpu.memory_space<vmem>>
    %dma_wait3A_98 = arith.constant 0 : i32
    %dma_wait3A_99 = arith.constant 0 : i32
    %dma_wait3A_100 = tpu.memref_slice %arg2[%dma_wait3A_98, %dma_wait3A_99] : memref<10000x32xf32, #tpu.memory_space<hbm>> -> memref<10000x32xf32, #tpu.memory_space<hbm>>
    tpu.wait_indirect_dma semaphore(%arg21 : memref<!tpu.dma_semaphore, #tpu.memory_space<semaphore_mem>>) src(%dma_wait3A_100 : memref<10000x32xf32, #tpu.memory_space<hbm>>) dst(%arg10 : memref<200x32xf32, #tpu.memory_space<vmem>>)
    %dma_start3A_101 = arith.constant 41 : i32
    %dma_start3A_102 = arith.constant 0 : i32
    %dma_start3A_103 = tpu.memref_slice %arg8[%dma_start3A_101, %dma_start3A_102] : memref<50x200xi32, #tpu.memory_space<vmem>> -> memref<1x200xi32, #tpu.memory_space<vmem>>
    %dma_start3A_104 = tpu.memref_squeeze %dma_start3A_103 : memref<1x200xi32, #tpu.memory_space<vmem>> -> memref<200xi32, #tpu.memory_space<vmem>>
    %dma_start3A_105 = arith.constant 0 : i32
    %dma_start3A_106 = arith.constant 0 : i32
    %dma_start3A_107 = tpu.memref_slice %arg19[%dma_start3A_105, %dma_start3A_106] : memref<10000x32xf32, #tpu.memory_space<vmem_shared>> -> memref<10000x32xf32, #tpu.memory_space<vmem_shared>>
    tpu.enqueue_indirect_dma source(%arg10 : memref<200x32xf32, #tpu.memory_space<vmem>>) target(%dma_start3A_107 : memref<10000x32xf32, #tpu.memory_space<vmem_shared>>) offsets(%dma_start3A_104 : memref<200xi32, #tpu.memory_space<vmem>>) semaphore(%arg31 : memref<!tpu.dma_semaphore, #tpu.memory_space<semaphore_mem>>) {add = true}
    %dma_wait3A_108 = arith.constant 42 : i32
    %dma_wait3A_109 = arith.constant 0 : i32
    %dma_wait3A_110 = tpu.memref_slice %arg7[%dma_wait3A_108, %dma_wait3A_109] : memref<50x200xi32, #tpu.memory_space<vmem>> -> memref<1x200xi32, #tpu.memory_space<vmem>>
    %dma_wait3A_111 = tpu.memref_squeeze %dma_wait3A_110 : memref<1x200xi32, #tpu.memory_space<vmem>> -> memref<200xi32, #tpu.memory_space<vmem>>
    %dma_wait3A_112 = arith.constant 0 : i32
    %dma_wait3A_113 = arith.constant 0 : i32
    %dma_wait3A_114 = tpu.memref_slice %arg2[%dma_wait3A_112, %dma_wait3A_113] : memref<10000x32xf32, #tpu.memory_space<hbm>> -> memref<10000x32xf32, #tpu.memory_space<hbm>>
    tpu.wait_indirect_dma semaphore(%arg22 : memref<!tpu.dma_semaphore, #tpu.memory_space<semaphore_mem>>) src(%dma_wait3A_114 : memref<10000x32xf32, #tpu.memory_space<hbm>>) dst(%arg11 : memref<200x32xf32, #tpu.memory_space<vmem>>)
    %dma_start3A_115 = arith.constant 42 : i32
    %dma_start3A_116 = arith.constant 0 : i32
    %dma_start3A_117 = tpu.memref_slice %arg8[%dma_start3A_115, %dma_start3A_116] : memref<50x200xi32, #tpu.memory_space<vmem>> -> memref<1x200xi32, #tpu.memory_space<vmem>>
    %dma_start3A_118 = tpu.memref_squeeze %dma_start3A_117 : memref<1x200xi32, #tpu.memory_space<vmem>> -> memref<200xi32, #tpu.memory_space<vmem>>
    %dma_start3A_119 = arith.constant 0 : i32
    %dma_start3A_120 = arith.constant 0 : i32
    %dma_start3A_121 = tpu.memref_slice %arg19[%dma_start3A_119, %dma_start3A_120] : memref<10000x32xf32, #tpu.memory_space<vmem_shared>> -> memref<10000x32xf32, #tpu.memory_space<vmem_shared>>
    tpu.enqueue_indirect_dma source(%arg11 : memref<200x32xf32, #tpu.memory_space<vmem>>) target(%dma_start3A_121 : memref<10000x32xf32, #tpu.memory_space<vmem_shared>>) offsets(%dma_start3A_118 : memref<200xi32, #tpu.memory_space<vmem>>) semaphore(%arg32 : memref<!tpu.dma_semaphore, #tpu.memory_space<semaphore_mem>>) {add = true}
    %dma_wait3A_122 = arith.constant 43 : i32
    %dma_wait3A_123 = arith.constant 0 : i32
    %dma_wait3A_124 = tpu.memref_slice %arg7[%dma_wait3A_122, %dma_wait3A_123] : memref<50x200xi32, #tpu.memory_space<vmem>> -> memref<1x200xi32, #tpu.memory_space<vmem>>
    %dma_wait3A_125 = tpu.memref_squeeze %dma_wait3A_124 : memref<1x200xi32, #tpu.memory_space<vmem>> -> memref<200xi32, #tpu.memory_space<vmem>>
    %dma_wait3A_126 = arith.constant 0 : i32
    %dma_wait3A_127 = arith.constant 0 : i32
    %dma_wait3A_128 = tpu.memref_slice %arg2[%dma_wait3A_126, %dma_wait3A_127] : memref<10000x32xf32, #tpu.memory_space<hbm>> -> memref<10000x32xf32, #tpu.memory_space<hbm>>
    tpu.wait_indirect_dma semaphore(%arg23 : memref<!tpu.dma_semaphore, #tpu.memory_space<semaphore_mem>>) src(%dma_wait3A_128 : memref<10000x32xf32, #tpu.memory_space<hbm>>) dst(%arg12 : memref<200x32xf32, #tpu.memory_space<vmem>>)
    %dma_start3A_129 = arith.constant 43 : i32
    %dma_start3A_130 = arith.constant 0 : i32
    %dma_start3A_131 = tpu.memref_slice %arg8[%dma_start3A_129, %dma_start3A_130] : memref<50x200xi32, #tpu.memory_space<vmem>> -> memref<1x200xi32, #tpu.memory_space<vmem>>
    %dma_start3A_132 = tpu.memref_squeeze %dma_start3A_131 : memref<1x200xi32, #tpu.memory_space<vmem>> -> memref<200xi32, #tpu.memory_space<vmem>>
    %dma_start3A_133 = arith.constant 0 : i32
    %dma_start3A_134 = arith.constant 0 : i32
    %dma_start3A_135 = tpu.memref_slice %arg19[%dma_start3A_133, %dma_start3A_134] : memref<10000x32xf32, #tpu.memory_space<vmem_shared>> -> memref<10000x32xf32, #tpu.memory_space<vmem_shared>>
    tpu.enqueue_indirect_dma source(%arg12 : memref<200x32xf32, #tpu.memory_space<vmem>>) target(%dma_start3A_135 : memref<10000x32xf32, #tpu.memory_space<vmem_shared>>) offsets(%dma_start3A_132 : memref<200xi32, #tpu.memory_space<vmem>>) semaphore(%arg33 : memref<!tpu.dma_semaphore, #tpu.memory_space<semaphore_mem>>) {add = true}
    %dma_wait3A_136 = arith.constant 44 : i32
    %dma_wait3A_137 = arith.constant 0 : i32
    %dma_wait3A_138 = tpu.memref_slice %arg7[%dma_wait3A_136, %dma_wait3A_137] : memref<50x200xi32, #tpu.memory_space<vmem>> -> memref<1x200xi32, #tpu.memory_space<vmem>>
    %dma_wait3A_139 = tpu.memref_squeeze %dma_wait3A_138 : memref<1x200xi32, #tpu.memory_space<vmem>> -> memref<200xi32, #tpu.memory_space<vmem>>
    %dma_wait3A_140 = arith.constant 0 : i32
    %dma_wait3A_141 = arith.constant 0 : i32
    %dma_wait3A_142 = tpu.memref_slice %arg2[%dma_wait3A_140, %dma_wait3A_141] : memref<10000x32xf32, #tpu.memory_space<hbm>> -> memref<10000x32xf32, #tpu.memory_space<hbm>>
    tpu.wait_indirect_dma semaphore(%arg24 : memref<!tpu.dma_semaphore, #tpu.memory_space<semaphore_mem>>) src(%dma_wait3A_142 : memref<10000x32xf32, #tpu.memory_space<hbm>>) dst(%arg13 : memref<200x32xf32, #tpu.memory_space<vmem>>)
    %dma_start3A_143 = arith.constant 44 : i32
    %dma_start3A_144 = arith.constant 0 : i32
    %dma_start3A_145 = tpu.memref_slice %arg8[%dma_start3A_143, %dma_start3A_144] : memref<50x200xi32, #tpu.memory_space<vmem>> -> memref<1x200xi32, #tpu.memory_space<vmem>>
    %dma_start3A_146 = tpu.memref_squeeze %dma_start3A_145 : memref<1x200xi32, #tpu.memory_space<vmem>> -> memref<200xi32, #tpu.memory_space<vmem>>
    %dma_start3A_147 = arith.constant 0 : i32
    %dma_start3A_148 = arith.constant 0 : i32
    %dma_start3A_149 = tpu.memref_slice %arg19[%dma_start3A_147, %dma_start3A_148] : memref<10000x32xf32, #tpu.memory_space<vmem_shared>> -> memref<10000x32xf32, #tpu.memory_space<vmem_shared>>
    tpu.enqueue_indirect_dma source(%arg13 : memref<200x32xf32, #tpu.memory_space<vmem>>) target(%dma_start3A_149 : memref<10000x32xf32, #tpu.memory_space<vmem_shared>>) offsets(%dma_start3A_146 : memref<200xi32, #tpu.memory_space<vmem>>) semaphore(%arg34 : memref<!tpu.dma_semaphore, #tpu.memory_space<semaphore_mem>>) {add = true}
    %dma_wait3A_150 = arith.constant 45 : i32
    %dma_wait3A_151 = arith.constant 0 : i32
    %dma_wait3A_152 = tpu.memref_slice %arg7[%dma_wait3A_150, %dma_wait3A_151] : memref<50x200xi32, #tpu.memory_space<vmem>> -> memref<1x200xi32, #tpu.memory_space<vmem>>
    %dma_wait3A_153 = tpu.memref_squeeze %dma_wait3A_152 : memref<1x200xi32, #tpu.memory_space<vmem>> -> memref<200xi32, #tpu.memory_space<vmem>>
    %dma_wait3A_154 = arith.constant 0 : i32
    %dma_wait3A_155 = arith.constant 0 : i32
    %dma_wait3A_156 = tpu.memref_slice %arg2[%dma_wait3A_154, %dma_wait3A_155] : memref<10000x32xf32, #tpu.memory_space<hbm>> -> memref<10000x32xf32, #tpu.memory_space<hbm>>
    tpu.wait_indirect_dma semaphore(%arg25 : memref<!tpu.dma_semaphore, #tpu.memory_space<semaphore_mem>>) src(%dma_wait3A_156 : memref<10000x32xf32, #tpu.memory_space<hbm>>) dst(%arg14 : memref<200x32xf32, #tpu.memory_space<vmem>>)
    %dma_start3A_157 = arith.constant 45 : i32
    %dma_start3A_158 = arith.constant 0 : i32
    %dma_start3A_159 = tpu.memref_slice %arg8[%dma_start3A_157, %dma_start3A_158] : memref<50x200xi32, #tpu.memory_space<vmem>> -> memref<1x200xi32, #tpu.memory_space<vmem>>
    %dma_start3A_160 = tpu.memref_squeeze %dma_start3A_159 : memref<1x200xi32, #tpu.memory_space<vmem>> -> memref<200xi32, #tpu.memory_space<vmem>>
    %dma_start3A_161 = arith.constant 0 : i32
    %dma_start3A_162 = arith.constant 0 : i32
    %dma_start3A_163 = tpu.memref_slice %arg19[%dma_start3A_161, %dma_start3A_162] : memref<10000x32xf32, #tpu.memory_space<vmem_shared>> -> memref<10000x32xf32, #tpu.memory_space<vmem_shared>>
    tpu.enqueue_indirect_dma source(%arg14 : memref<200x32xf32, #tpu.memory_space<vmem>>) target(%dma_start3A_163 : memref<10000x32xf32, #tpu.memory_space<vmem_shared>>) offsets(%dma_start3A_160 : memref<200xi32, #tpu.memory_space<vmem>>) semaphore(%arg35 : memref<!tpu.dma_semaphore, #tpu.memory_space<semaphore_mem>>) {add = true}
    %dma_wait3A_164 = arith.constant 46 : i32
    %dma_wait3A_165 = arith.constant 0 : i32
    %dma_wait3A_166 = tpu.memref_slice %arg7[%dma_wait3A_164, %dma_wait3A_165] : memref<50x200xi32, #tpu.memory_space<vmem>> -> memref<1x200xi32, #tpu.memory_space<vmem>>
    %dma_wait3A_167 = tpu.memref_squeeze %dma_wait3A_166 : memref<1x200xi32, #tpu.memory_space<vmem>> -> memref<200xi32, #tpu.memory_space<vmem>>
    %dma_wait3A_168 = arith.constant 0 : i32
    %dma_wait3A_169 = arith.constant 0 : i32
    %dma_wait3A_170 = tpu.memref_slice %arg2[%dma_wait3A_168, %dma_wait3A_169] : memref<10000x32xf32, #tpu.memory_space<hbm>> -> memref<10000x32xf32, #tpu.memory_space<hbm>>
    tpu.wait_indirect_dma semaphore(%arg26 : memref<!tpu.dma_semaphore, #tpu.memory_space<semaphore_mem>>) src(%dma_wait3A_170 : memref<10000x32xf32, #tpu.memory_space<hbm>>) dst(%arg15 : memref<200x32xf32, #tpu.memory_space<vmem>>)
    %dma_start3A_171 = arith.constant 46 : i32
    %dma_start3A_172 = arith.constant 0 : i32
    %dma_start3A_173 = tpu.memref_slice %arg8[%dma_start3A_171, %dma_start3A_172] : memref<50x200xi32, #tpu.memory_space<vmem>> -> memref<1x200xi32, #tpu.memory_space<vmem>>
    %dma_start3A_174 = tpu.memref_squeeze %dma_start3A_173 : memref<1x200xi32, #tpu.memory_space<vmem>> -> memref<200xi32, #tpu.memory_space<vmem>>
    %dma_start3A_175 = arith.constant 0 : i32
    %dma_start3A_176 = arith.constant 0 : i32
    %dma_start3A_177 = tpu.memref_slice %arg19[%dma_start3A_175, %dma_start3A_176] : memref<10000x32xf32, #tpu.memory_space<vmem_shared>> -> memref<10000x32xf32, #tpu.memory_space<vmem_shared>>
    tpu.enqueue_indirect_dma source(%arg15 : memref<200x32xf32, #tpu.memory_space<vmem>>) target(%dma_start3A_177 : memref<10000x32xf32, #tpu.memory_space<vmem_shared>>) offsets(%dma_start3A_174 : memref<200xi32, #tpu.memory_space<vmem>>) semaphore(%arg36 : memref<!tpu.dma_semaphore, #tpu.memory_space<semaphore_mem>>) {add = true}
    %dma_wait3A_178 = arith.constant 47 : i32
    %dma_wait3A_179 = arith.constant 0 : i32
    %dma_wait3A_180 = tpu.memref_slice %arg7[%dma_wait3A_178, %dma_wait3A_179] : memref<50x200xi32, #tpu.memory_space<vmem>> -> memref<1x200xi32, #tpu.memory_space<vmem>>
    %dma_wait3A_181 = tpu.memref_squeeze %dma_wait3A_180 : memref<1x200xi32, #tpu.memory_space<vmem>> -> memref<200xi32, #tpu.memory_space<vmem>>
    %dma_wait3A_182 = arith.constant 0 : i32
    %dma_wait3A_183 = arith.constant 0 : i32
    %dma_wait3A_184 = tpu.memref_slice %arg2[%dma_wait3A_182, %dma_wait3A_183] : memref<10000x32xf32, #tpu.memory_space<hbm>> -> memref<10000x32xf32, #tpu.memory_space<hbm>>
    tpu.wait_indirect_dma semaphore(%arg27 : memref<!tpu.dma_semaphore, #tpu.memory_space<semaphore_mem>>) src(%dma_wait3A_184 : memref<10000x32xf32, #tpu.memory_space<hbm>>) dst(%arg16 : memref<200x32xf32, #tpu.memory_space<vmem>>)
    %dma_start3A_185 = arith.constant 47 : i32
    %dma_start3A_186 = arith.constant 0 : i32
    %dma_start3A_187 = tpu.memref_slice %arg8[%dma_start3A_185, %dma_start3A_186] : memref<50x200xi32, #tpu.memory_space<vmem>> -> memref<1x200xi32, #tpu.memory_space<vmem>>
    %dma_start3A_188 = tpu.memref_squeeze %dma_start3A_187 : memref<1x200xi32, #tpu.memory_space<vmem>> -> memref<200xi32, #tpu.memory_space<vmem>>
    %dma_start3A_189 = arith.constant 0 : i32
    %dma_start3A_190 = arith.constant 0 : i32
    %dma_start3A_191 = tpu.memref_slice %arg19[%dma_start3A_189, %dma_start3A_190] : memref<10000x32xf32, #tpu.memory_space<vmem_shared>> -> memref<10000x32xf32, #tpu.memory_space<vmem_shared>>
    tpu.enqueue_indirect_dma source(%arg16 : memref<200x32xf32, #tpu.memory_space<vmem>>) target(%dma_start3A_191 : memref<10000x32xf32, #tpu.memory_space<vmem_shared>>) offsets(%dma_start3A_188 : memref<200xi32, #tpu.memory_space<vmem>>) semaphore(%arg37 : memref<!tpu.dma_semaphore, #tpu.memory_space<semaphore_mem>>) {add = true}
    %dma_wait3A_192 = arith.constant 48 : i32
    %dma_wait3A_193 = arith.constant 0 : i32
    %dma_wait3A_194 = tpu.memref_slice %arg7[%dma_wait3A_192, %dma_wait3A_193] : memref<50x200xi32, #tpu.memory_space<vmem>> -> memref<1x200xi32, #tpu.memory_space<vmem>>
    %dma_wait3A_195 = tpu.memref_squeeze %dma_wait3A_194 : memref<1x200xi32, #tpu.memory_space<vmem>> -> memref<200xi32, #tpu.memory_space<vmem>>
    %dma_wait3A_196 = arith.constant 0 : i32
    %dma_wait3A_197 = arith.constant 0 : i32
    %dma_wait3A_198 = tpu.memref_slice %arg2[%dma_wait3A_196, %dma_wait3A_197] : memref<10000x32xf32, #tpu.memory_space<hbm>> -> memref<10000x32xf32, #tpu.memory_space<hbm>>
    tpu.wait_indirect_dma semaphore(%arg28 : memref<!tpu.dma_semaphore, #tpu.memory_space<semaphore_mem>>) src(%dma_wait3A_198 : memref<10000x32xf32, #tpu.memory_space<hbm>>) dst(%arg17 : memref<200x32xf32, #tpu.memory_space<vmem>>)
    %dma_start3A_199 = arith.constant 48 : i32
    %dma_start3A_200 = arith.constant 0 : i32
    %dma_start3A_201 = tpu.memref_slice %arg8[%dma_start3A_199, %dma_start3A_200] : memref<50x200xi32, #tpu.memory_space<vmem>> -> memref<1x200xi32, #tpu.memory_space<vmem>>
    %dma_start3A_202 = tpu.memref_squeeze %dma_start3A_201 : memref<1x200xi32, #tpu.memory_space<vmem>> -> memref<200xi32, #tpu.memory_space<vmem>>
    %dma_start3A_203 = arith.constant 0 : i32
    %dma_start3A_204 = arith.constant 0 : i32
    %dma_start3A_205 = tpu.memref_slice %arg19[%dma_start3A_203, %dma_start3A_204] : memref<10000x32xf32, #tpu.memory_space<vmem_shared>> -> memref<10000x32xf32, #tpu.memory_space<vmem_shared>>
    tpu.enqueue_indirect_dma source(%arg17 : memref<200x32xf32, #tpu.memory_space<vmem>>) target(%dma_start3A_205 : memref<10000x32xf32, #tpu.memory_space<vmem_shared>>) offsets(%dma_start3A_202 : memref<200xi32, #tpu.memory_space<vmem>>) semaphore(%arg38 : memref<!tpu.dma_semaphore, #tpu.memory_space<semaphore_mem>>) {add = true}
    %dma_wait3A_206 = arith.constant 49 : i32
    %dma_wait3A_207 = arith.constant 0 : i32
    %dma_wait3A_208 = tpu.memref_slice %arg7[%dma_wait3A_206, %dma_wait3A_207] : memref<50x200xi32, #tpu.memory_space<vmem>> -> memref<1x200xi32, #tpu.memory_space<vmem>>
    %dma_wait3A_209 = tpu.memref_squeeze %dma_wait3A_208 : memref<1x200xi32, #tpu.memory_space<vmem>> -> memref<200xi32, #tpu.memory_space<vmem>>
    %dma_wait3A_210 = arith.constant 0 : i32
    %dma_wait3A_211 = arith.constant 0 : i32
    %dma_wait3A_212 = tpu.memref_slice %arg2[%dma_wait3A_210, %dma_wait3A_211] : memref<10000x32xf32, #tpu.memory_space<hbm>> -> memref<10000x32xf32, #tpu.memory_space<hbm>>
    tpu.wait_indirect_dma semaphore(%arg29 : memref<!tpu.dma_semaphore, #tpu.memory_space<semaphore_mem>>) src(%dma_wait3A_212 : memref<10000x32xf32, #tpu.memory_space<hbm>>) dst(%arg18 : memref<200x32xf32, #tpu.memory_space<vmem>>)
    %dma_start3A_213 = arith.constant 49 : i32
    %dma_start3A_214 = arith.constant 0 : i32
    %dma_start3A_215 = tpu.memref_slice %arg8[%dma_start3A_213, %dma_start3A_214] : memref<50x200xi32, #tpu.memory_space<vmem>> -> memref<1x200xi32, #tpu.memory_space<vmem>>
    %dma_start3A_216 = tpu.memref_squeeze %dma_start3A_215 : memref<1x200xi32, #tpu.memory_space<vmem>> -> memref<200xi32, #tpu.memory_space<vmem>>
    %dma_start3A_217 = arith.constant 0 : i32
    %dma_start3A_218 = arith.constant 0 : i32
    %dma_start3A_219 = tpu.memref_slice %arg19[%dma_start3A_217, %dma_start3A_218] : memref<10000x32xf32, #tpu.memory_space<vmem_shared>> -> memref<10000x32xf32, #tpu.memory_space<vmem_shared>>
    tpu.enqueue_indirect_dma source(%arg18 : memref<200x32xf32, #tpu.memory_space<vmem>>) target(%dma_start3A_219 : memref<10000x32xf32, #tpu.memory_space<vmem_shared>>) offsets(%dma_start3A_216 : memref<200xi32, #tpu.memory_space<vmem>>) semaphore(%arg39 : memref<!tpu.dma_semaphore, #tpu.memory_space<semaphore_mem>>) {add = true}
    %dma_wait3A_220 = arith.constant 40 : i32
    %dma_wait3A_221 = arith.constant 0 : i32
    %dma_wait3A_222 = tpu.memref_slice %arg8[%dma_wait3A_220, %dma_wait3A_221] : memref<50x200xi32, #tpu.memory_space<vmem>> -> memref<1x200xi32, #tpu.memory_space<vmem>>
    %dma_wait3A_223 = tpu.memref_squeeze %dma_wait3A_222 : memref<1x200xi32, #tpu.memory_space<vmem>> -> memref<200xi32, #tpu.memory_space<vmem>>
    %dma_wait3A_224 = arith.constant 0 : i32
    %dma_wait3A_225 = arith.constant 0 : i32
    %dma_wait3A_226 = tpu.memref_slice %arg19[%dma_wait3A_224, %dma_wait3A_225] : memref<10000x32xf32, #tpu.memory_space<vmem_shared>> -> memref<10000x32xf32, #tpu.memory_space<vmem_shared>>
    tpu.wait_indirect_dma semaphore(%arg30 : memref<!tpu.dma_semaphore, #tpu.memory_space<semaphore_mem>>) src(%arg9 : memref<200x32xf32, #tpu.memory_space<vmem>>) dst(%dma_wait3A_226 : memref<10000x32xf32, #tpu.memory_space<vmem_shared>>)
    %dma_wait3A_227 = arith.constant 41 : i32
    %dma_wait3A_228 = arith.constant 0 : i32
    %dma_wait3A_229 = tpu.memref_slice %arg8[%dma_wait3A_227, %dma_wait3A_228] : memref<50x200xi32, #tpu.memory_space<vmem>> -> memref<1x200xi32, #tpu.memory_space<vmem>>
    %dma_wait3A_230 = tpu.memref_squeeze %dma_wait3A_229 : memref<1x200xi32, #tpu.memory_space<vmem>> -> memref<200xi32, #tpu.memory_space<vmem>>
    %dma_wait3A_231 = arith.constant 0 : i32
    %dma_wait3A_232 = arith.constant 0 : i32
    %dma_wait3A_233 = tpu.memref_slice %arg19[%dma_wait3A_231, %dma_wait3A_232] : memref<10000x32xf32, #tpu.memory_space<vmem_shared>> -> memref<10000x32xf32, #tpu.memory_space<vmem_shared>>
    tpu.wait_indirect_dma semaphore(%arg31 : memref<!tpu.dma_semaphore, #tpu.memory_space<semaphore_mem>>) src(%arg10 : memref<200x32xf32, #tpu.memory_space<vmem>>) dst(%dma_wait3A_233 : memref<10000x32xf32, #tpu.memory_space<vmem_shared>>)
    %dma_wait3A_234 = arith.constant 42 : i32
    %dma_wait3A_235 = arith.constant 0 : i32
    %dma_wait3A_236 = tpu.memref_slice %arg8[%dma_wait3A_234, %dma_wait3A_235] : memref<50x200xi32, #tpu.memory_space<vmem>> -> memref<1x200xi32, #tpu.memory_space<vmem>>
    %dma_wait3A_237 = tpu.memref_squeeze %dma_wait3A_236 : memref<1x200xi32, #tpu.memory_space<vmem>> -> memref<200xi32, #tpu.memory_space<vmem>>
    %dma_wait3A_238 = arith.constant 0 : i32
    %dma_wait3A_239 = arith.constant 0 : i32
    %dma_wait3A_240 = tpu.memref_slice %arg19[%dma_wait3A_238, %dma_wait3A_239] : memref<10000x32xf32, #tpu.memory_space<vmem_shared>> -> memref<10000x32xf32, #tpu.memory_space<vmem_shared>>
    tpu.wait_indirect_dma semaphore(%arg32 : memref<!tpu.dma_semaphore, #tpu.memory_space<semaphore_mem>>) src(%arg11 : memref<200x32xf32, #tpu.memory_space<vmem>>) dst(%dma_wait3A_240 : memref<10000x32xf32, #tpu.memory_space<vmem_shared>>)
    %dma_wait3A_241 = arith.constant 43 : i32
    %dma_wait3A_242 = arith.constant 0 : i32
    %dma_wait3A_243 = tpu.memref_slice %arg8[%dma_wait3A_241, %dma_wait3A_242] : memref<50x200xi32, #tpu.memory_space<vmem>> -> memref<1x200xi32, #tpu.memory_space<vmem>>
    %dma_wait3A_244 = tpu.memref_squeeze %dma_wait3A_243 : memref<1x200xi32, #tpu.memory_space<vmem>> -> memref<200xi32, #tpu.memory_space<vmem>>
    %dma_wait3A_245 = arith.constant 0 : i32
    %dma_wait3A_246 = arith.constant 0 : i32
    %dma_wait3A_247 = tpu.memref_slice %arg19[%dma_wait3A_245, %dma_wait3A_246] : memref<10000x32xf32, #tpu.memory_space<vmem_shared>> -> memref<10000x32xf32, #tpu.memory_space<vmem_shared>>
    tpu.wait_indirect_dma semaphore(%arg33 : memref<!tpu.dma_semaphore, #tpu.memory_space<semaphore_mem>>) src(%arg12 : memref<200x32xf32, #tpu.memory_space<vmem>>) dst(%dma_wait3A_247 : memref<10000x32xf32, #tpu.memory_space<vmem_shared>>)
    %dma_wait3A_248 = arith.constant 44 : i32
    %dma_wait3A_249 = arith.constant 0 : i32
    %dma_wait3A_250 = tpu.memref_slice %arg8[%dma_wait3A_248, %dma_wait3A_249] : memref<50x200xi32, #tpu.memory_space<vmem>> -> memref<1x200xi32, #tpu.memory_space<vmem>>
    %dma_wait3A_251 = tpu.memref_squeeze %dma_wait3A_250 : memref<1x200xi32, #tpu.memory_space<vmem>> -> memref<200xi32, #tpu.memory_space<vmem>>
    %dma_wait3A_252 = arith.constant 0 : i32
    %dma_wait3A_253 = arith.constant 0 : i32
    %dma_wait3A_254 = tpu.memref_slice %arg19[%dma_wait3A_252, %dma_wait3A_253] : memref<10000x32xf32, #tpu.memory_space<vmem_shared>> -> memref<10000x32xf32, #tpu.memory_space<vmem_shared>>
    tpu.wait_indirect_dma semaphore(%arg34 : memref<!tpu.dma_semaphore, #tpu.memory_space<semaphore_mem>>) src(%arg13 : memref<200x32xf32, #tpu.memory_space<vmem>>) dst(%dma_wait3A_254 : memref<10000x32xf32, #tpu.memory_space<vmem_shared>>)
    %dma_wait3A_255 = arith.constant 45 : i32
    %dma_wait3A_256 = arith.constant 0 : i32
    %dma_wait3A_257 = tpu.memref_slice %arg8[%dma_wait3A_255, %dma_wait3A_256] : memref<50x200xi32, #tpu.memory_space<vmem>> -> memref<1x200xi32, #tpu.memory_space<vmem>>
    %dma_wait3A_258 = tpu.memref_squeeze %dma_wait3A_257 : memref<1x200xi32, #tpu.memory_space<vmem>> -> memref<200xi32, #tpu.memory_space<vmem>>
    %dma_wait3A_259 = arith.constant 0 : i32
    %dma_wait3A_260 = arith.constant 0 : i32
    %dma_wait3A_261 = tpu.memref_slice %arg19[%dma_wait3A_259, %dma_wait3A_260] : memref<10000x32xf32, #tpu.memory_space<vmem_shared>> -> memref<10000x32xf32, #tpu.memory_space<vmem_shared>>
    tpu.wait_indirect_dma semaphore(%arg35 : memref<!tpu.dma_semaphore, #tpu.memory_space<semaphore_mem>>) src(%arg14 : memref<200x32xf32, #tpu.memory_space<vmem>>) dst(%dma_wait3A_261 : memref<10000x32xf32, #tpu.memory_space<vmem_shared>>)
    %dma_wait3A_262 = arith.constant 46 : i32
    %dma_wait3A_263 = arith.constant 0 : i32
    %dma_wait3A_264 = tpu.memref_slice %arg8[%dma_wait3A_262, %dma_wait3A_263] : memref<50x200xi32, #tpu.memory_space<vmem>> -> memref<1x200xi32, #tpu.memory_space<vmem>>
    %dma_wait3A_265 = tpu.memref_squeeze %dma_wait3A_264 : memref<1x200xi32, #tpu.memory_space<vmem>> -> memref<200xi32, #tpu.memory_space<vmem>>
    %dma_wait3A_266 = arith.constant 0 : i32
    %dma_wait3A_267 = arith.constant 0 : i32
    %dma_wait3A_268 = tpu.memref_slice %arg19[%dma_wait3A_266, %dma_wait3A_267] : memref<10000x32xf32, #tpu.memory_space<vmem_shared>> -> memref<10000x32xf32, #tpu.memory_space<vmem_shared>>
    tpu.wait_indirect_dma semaphore(%arg36 : memref<!tpu.dma_semaphore, #tpu.memory_space<semaphore_mem>>) src(%arg15 : memref<200x32xf32, #tpu.memory_space<vmem>>) dst(%dma_wait3A_268 : memref<10000x32xf32, #tpu.memory_space<vmem_shared>>)
    %dma_wait3A_269 = arith.constant 47 : i32
    %dma_wait3A_270 = arith.constant 0 : i32
    %dma_wait3A_271 = tpu.memref_slice %arg8[%dma_wait3A_269, %dma_wait3A_270] : memref<50x200xi32, #tpu.memory_space<vmem>> -> memref<1x200xi32, #tpu.memory_space<vmem>>
    %dma_wait3A_272 = tpu.memref_squeeze %dma_wait3A_271 : memref<1x200xi32, #tpu.memory_space<vmem>> -> memref<200xi32, #tpu.memory_space<vmem>>
    %dma_wait3A_273 = arith.constant 0 : i32
    %dma_wait3A_274 = arith.constant 0 : i32
    %dma_wait3A_275 = tpu.memref_slice %arg19[%dma_wait3A_273, %dma_wait3A_274] : memref<10000x32xf32, #tpu.memory_space<vmem_shared>> -> memref<10000x32xf32, #tpu.memory_space<vmem_shared>>
    tpu.wait_indirect_dma semaphore(%arg37 : memref<!tpu.dma_semaphore, #tpu.memory_space<semaphore_mem>>) src(%arg16 : memref<200x32xf32, #tpu.memory_space<vmem>>) dst(%dma_wait3A_275 : memref<10000x32xf32, #tpu.memory_space<vmem_shared>>)
    %dma_wait3A_276 = arith.constant 48 : i32
    %dma_wait3A_277 = arith.constant 0 : i32
    %dma_wait3A_278 = tpu.memref_slice %arg8[%dma_wait3A_276, %dma_wait3A_277] : memref<50x200xi32, #tpu.memory_space<vmem>> -> memref<1x200xi32, #tpu.memory_space<vmem>>
    %dma_wait3A_279 = tpu.memref_squeeze %dma_wait3A_278 : memref<1x200xi32, #tpu.memory_space<vmem>> -> memref<200xi32, #tpu.memory_space<vmem>>
    %dma_wait3A_280 = arith.constant 0 : i32
    %dma_wait3A_281 = arith.constant 0 : i32
    %dma_wait3A_282 = tpu.memref_slice %arg19[%dma_wait3A_280, %dma_wait3A_281] : memref<10000x32xf32, #tpu.memory_space<vmem_shared>> -> memref<10000x32xf32, #tpu.memory_space<vmem_shared>>
    tpu.wait_indirect_dma semaphore(%arg38 : memref<!tpu.dma_semaphore, #tpu.memory_space<semaphore_mem>>) src(%arg17 : memref<200x32xf32, #tpu.memory_space<vmem>>) dst(%dma_wait3A_282 : memref<10000x32xf32, #tpu.memory_space<vmem_shared>>)
    %dma_wait3A_283 = arith.constant 49 : i32
    %dma_wait3A_284 = arith.constant 0 : i32
    %dma_wait3A_285 = tpu.memref_slice %arg8[%dma_wait3A_283, %dma_wait3A_284] : memref<50x200xi32, #tpu.memory_space<vmem>> -> memref<1x200xi32, #tpu.memory_space<vmem>>
    %dma_wait3A_286 = tpu.memref_squeeze %dma_wait3A_285 : memref<1x200xi32, #tpu.memory_space<vmem>> -> memref<200xi32, #tpu.memory_space<vmem>>
    %dma_wait3A_287 = arith.constant 0 : i32
    %dma_wait3A_288 = arith.constant 0 : i32
    %dma_wait3A_289 = tpu.memref_slice %arg19[%dma_wait3A_287, %dma_wait3A_288] : memref<10000x32xf32, #tpu.memory_space<vmem_shared>> -> memref<10000x32xf32, #tpu.memory_space<vmem_shared>>
    tpu.wait_indirect_dma semaphore(%arg39 : memref<!tpu.dma_semaphore, #tpu.memory_space<semaphore_mem>>) src(%arg18 : memref<200x32xf32, #tpu.memory_space<vmem>>) dst(%dma_wait3A_289 : memref<10000x32xf32, #tpu.memory_space<vmem_shared>>)
    %barrier3A_290 = arith.constant 0 : index
    tpu.barrier barrier_id(%barrier3A_290)
    %mul3A_291 = arith.constant 625 : i32
    %mul3A_292 = arith.muli %arg1, %mul3A_291 : i32
    %mul3A_293 = arith.constant 625 : i32
    %mul3A_294 = arith.muli %arg1, %mul3A_293 : i32
    "tpu.region"() ({
      %run_scoped3A = tpu.sem_alloc : memref<!tpu.dma_semaphore, #tpu.memory_space<semaphore_mem>>
      %dma_start3A_295 = arith.constant 0 : i32
      %dma_start3A_296 = tpu.memref_slice %arg6[%arg0, %mul3A_294, %dma_start3A_295] : memref<2x10000x32xf32, #tpu.memory_space<hbm>> -> memref<1x625x32xf32, #tpu.memory_space<hbm>>
      %dma_start3A_297 = tpu.memref_squeeze %dma_start3A_296 : memref<1x625x32xf32, #tpu.memory_space<hbm>> -> memref<625x32xf32, #tpu.memory_space<hbm>>
      %dma_start3A_298 = arith.constant 0 : i32
      %dma_start3A_299 = tpu.memref_slice %arg19[%mul3A_292, %dma_start3A_298] : memref<10000x32xf32, #tpu.memory_space<vmem_shared>> -> memref<625x32xf32, #tpu.memory_space<vmem_shared>>
      tpu.enqueue_dma source(%dma_start3A_299 : memref<625x32xf32, #tpu.memory_space<vmem_shared>>) target(%dma_start3A_297 : memref<625x32xf32, #tpu.memory_space<hbm>>) target_semaphore(%run_scoped3A : memref<!tpu.dma_semaphore, #tpu.memory_space<semaphore_mem>>)
      %dma_wait3A_300 = arith.constant 0 : i32
      %dma_wait3A_301 = tpu.memref_slice %arg6[%arg0, %mul3A_294, %dma_wait3A_300] : memref<2x10000x32xf32, #tpu.memory_space<hbm>> -> memref<1x625x32xf32, #tpu.memory_space<hbm>>
      %dma_wait3A_302 = tpu.memref_squeeze %dma_wait3A_301 : memref<1x625x32xf32, #tpu.memory_space<hbm>> -> memref<625x32xf32, #tpu.memory_space<hbm>>
      %dma_wait3A_303 = arith.constant 0 : i32
      %dma_wait3A_304 = tpu.memref_slice %arg19[%mul3A_292, %dma_wait3A_303] : memref<10000x32xf32, #tpu.memory_space<vmem_shared>> -> memref<625x32xf32, #tpu.memory_space<vmem_shared>>
      tpu.wait_dma2 semaphore(%run_scoped3A : memref<!tpu.dma_semaphore, #tpu.memory_space<semaphore_mem>>) src(%dma_wait3A_304 : memref<625x32xf32, #tpu.memory_space<vmem_shared>>) dst(%dma_wait3A_302 : memref<625x32xf32, #tpu.memory_space<hbm>>)
      tpu.yield
    }) : () -> ()
    return
  }
}

#map = affine_map<(d0, d1) -> (0, 0)>
#map1 = affine_map<(d0, d1) -> (0, 0, 0)>
module attributes {stable_mosaic.version = 14 : i64} {
  func.func @body(%arg0: i32, %arg1: i32, %arg2: memref<10000x40xf32, #tpu.memory_space<hbm>>, %arg3: memref<1600x200xi32, #tpu.memory_space<hbm>>, %arg4: memref<1600x200xi32, #tpu.memory_space<hbm>>, %arg5: memref<625x40xf32, #tpu.memory_space<hbm>>, %arg6: memref<2x10000x40xf32, #tpu.memory_space<hbm>>, %arg7: memref<50x200xi32, #tpu.memory_space<vmem>>, %arg8: memref<50x200xi32, #tpu.memory_space<vmem>>, %arg9: memref<200x40xf32, #tpu.memory_space<vmem>>, %arg10: memref<200x40xf32, #tpu.memory_space<vmem>>, %arg11: memref<200x40xf32, #tpu.memory_space<vmem>>, %arg12: memref<200x40xf32, #tpu.memory_space<vmem>>, %arg13: memref<200x40xf32, #tpu.memory_space<vmem>>, %arg14: memref<200x40xf32, #tpu.memory_space<vmem>>, %arg15: memref<200x40xf32, #tpu.memory_space<vmem>>, %arg16: memref<200x40xf32, #tpu.memory_space<vmem>>, %arg17: memref<200x40xf32, #tpu.memory_space<vmem>>, %arg18: memref<200x40xf32, #tpu.memory_space<vmem>>, %arg19: memref<10000x40xf32, #tpu.memory_space<vmem_shared>>, %arg20: memref<!tpu.dma_semaphore, #tpu.memory_space<semaphore_mem>>, %arg21: memref<!tpu.dma_semaphore, #tpu.memory_space<semaphore_mem>>, %arg22: memref<!tpu.dma_semaphore, #tpu.memory_space<semaphore_mem>>, %arg23: memref<!tpu.dma_semaphore, #tpu.memory_space<semaphore_mem>>, %arg24: memref<!tpu.dma_semaphore, #tpu.memory_space<semaphore_mem>>, %arg25: memref<!tpu.dma_semaphore, #tpu.memory_space<semaphore_mem>>, %arg26: memref<!tpu.dma_semaphore, #tpu.memory_space<semaphore_mem>>, %arg27: memref<!tpu.dma_semaphore, #tpu.memory_space<semaphore_mem>>, %arg28: memref<!tpu.dma_semaphore, #tpu.memory_space<semaphore_mem>>, %arg29: memref<!tpu.dma_semaphore, #tpu.memory_space<semaphore_mem>>, %arg30: memref<!tpu.dma_semaphore, #tpu.memory_space<semaphore_mem>>, %arg31: memref<!tpu.dma_semaphore, #tpu.memory_space<semaphore_mem>>, %arg32: memref<!tpu.dma_semaphore, #tpu.memory_space<semaphore_mem>>, %arg33: memref<!tpu.dma_semaphore, #tpu.memory_space<semaphore_mem>>, %arg34: memref<!tpu.dma_semaphore, #tpu.memory_space<semaphore_mem>>, %arg35: memref<!tpu.dma_semaphore, #tpu.memory_space<semaphore_mem>>, %arg36: memref<!tpu.dma_semaphore, #tpu.memory_space<semaphore_mem>>, %arg37: memref<!tpu.dma_semaphore, #tpu.memory_space<semaphore_mem>>, %arg38: memref<!tpu.dma_semaphore, #tpu.memory_space<semaphore_mem>>, %arg39: memref<!tpu.dma_semaphore, #tpu.memory_space<semaphore_mem>>) attributes {dimension_semantics = [#tpu.dimension_semantics<core_parallel>, #tpu.dimension_semantics<subcore_parallel>], iteration_bounds = array<i64: 2, 16>, scalar_prefetch = 0 : i64, scratch_operands = 33 : i64, tpu.core_type = #tpu.core_type<sc_vector_subcore>, window_params = [{transform_indices = #map}, {transform_indices = #map}, {transform_indices = #map}, {transform_indices = #map}, {transform_indices = #map1}]} {
    %mul3A = arith.constant 2 : i32
    %mul3A_0 = arith.muli %arg1, %mul3A : i32
    %add3A = arith.addi %mul3A_0, %arg0 : i32
    %mul3A_1 = arith.constant 625 : i32
    %mul3A_2 = arith.muli %arg1, %mul3A_1 : i32
    "tpu.region"() ({
      %run_scoped3A = tpu.sem_alloc : memref<!tpu.dma_semaphore, #tpu.memory_space<semaphore_mem>>
      %dma_start3A_295 = arith.constant 0 : i32
      %dma_start3A_296 = tpu.memref_slice %arg19[%mul3A_2, %dma_start3A_295] : memref<10000x40xf32, #tpu.memory_space<vmem_shared>> -> memref<625x40xf32, #tpu.memory_space<vmem_shared>>
      tpu.enqueue_dma source(%arg5 : memref<625x40xf32, #tpu.memory_space<hbm>>) target(%dma_start3A_296 : memref<625x40xf32, #tpu.memory_space<vmem_shared>>) target_semaphore(%run_scoped3A : memref<!tpu.dma_semaphore, #tpu.memory_space<semaphore_mem>>)
      %dma_wait3A_297 = arith.constant 0 : i32
      %dma_wait3A_298 = tpu.memref_slice %arg19[%mul3A_2, %dma_wait3A_297] : memref<10000x40xf32, #tpu.memory_space<vmem_shared>> -> memref<625x40xf32, #tpu.memory_space<vmem_shared>>
      tpu.wait_dma2 semaphore(%run_scoped3A : memref<!tpu.dma_semaphore, #tpu.memory_space<semaphore_mem>>) src(%arg5 : memref<625x40xf32, #tpu.memory_space<hbm>>) dst(%dma_wait3A_298 : memref<625x40xf32, #tpu.memory_space<vmem_shared>>)
      tpu.yield
    }) : () -> ()
    %mul3A_3 = arith.constant 50 : i32
    %mul3A_4 = arith.muli %add3A, %mul3A_3 : i32
    "tpu.region"() ({
      %run_scoped3A = tpu.sem_alloc : memref<!tpu.dma_semaphore, #tpu.memory_space<semaphore_mem>>
      %dma_start3A_295 = arith.constant 0 : i32
      %dma_start3A_296 = tpu.memref_slice %arg3[%mul3A_4, %dma_start3A_295] : memref<1600x200xi32, #tpu.memory_space<hbm>> -> memref<50x200xi32, #tpu.memory_space<hbm>>
      %dma_start3A_297 = arith.constant 0 : i32
      %dma_start3A_298 = tpu.memref_slice %arg3[%mul3A_4, %dma_start3A_297] : memref<1600x200xi32, #tpu.memory_space<hbm>> -> memref<50x200xi32, #tpu.memory_space<hbm>>
      tpu.enqueue_dma source(%dma_start3A_298 : memref<50x200xi32, #tpu.memory_space<hbm>>) target(%arg7 : memref<50x200xi32, #tpu.memory_space<vmem>>) target_semaphore(%run_scoped3A : memref<!tpu.dma_semaphore, #tpu.memory_space<semaphore_mem>>)
      %dma_wait3A_299 = arith.constant 0 : i32
      %dma_wait3A_300 = tpu.memref_slice %arg3[%mul3A_4, %dma_wait3A_299] : memref<1600x200xi32, #tpu.memory_space<hbm>> -> memref<50x200xi32, #tpu.memory_space<hbm>>
      %dma_wait3A_301 = arith.constant 0 : i32
      %dma_wait3A_302 = tpu.memref_slice %arg3[%mul3A_4, %dma_wait3A_301] : memref<1600x200xi32, #tpu.memory_space<hbm>> -> memref<50x200xi32, #tpu.memory_space<hbm>>
      tpu.wait_dma2 semaphore(%run_scoped3A : memref<!tpu.dma_semaphore, #tpu.memory_space<semaphore_mem>>) src(%dma_wait3A_302 : memref<50x200xi32, #tpu.memory_space<hbm>>) dst(%arg7 : memref<50x200xi32, #tpu.memory_space<vmem>>)
      tpu.yield
    }) : () -> ()
    %mul3A_5 = arith.constant 50 : i32
    %mul3A_6 = arith.muli %add3A, %mul3A_5 : i32
    "tpu.region"() ({
      %run_scoped3A = tpu.sem_alloc : memref<!tpu.dma_semaphore, #tpu.memory_space<semaphore_mem>>
      %dma_start3A_295 = arith.constant 0 : i32
      %dma_start3A_296 = tpu.memref_slice %arg4[%mul3A_6, %dma_start3A_295] : memref<1600x200xi32, #tpu.memory_space<hbm>> -> memref<50x200xi32, #tpu.memory_space<hbm>>
      %dma_start3A_297 = arith.constant 0 : i32
      %dma_start3A_298 = tpu.memref_slice %arg4[%mul3A_6, %dma_start3A_297] : memref<1600x200xi32, #tpu.memory_space<hbm>> -> memref<50x200xi32, #tpu.memory_space<hbm>>
      tpu.enqueue_dma source(%dma_start3A_298 : memref<50x200xi32, #tpu.memory_space<hbm>>) target(%arg8 : memref<50x200xi32, #tpu.memory_space<vmem>>) target_semaphore(%run_scoped3A : memref<!tpu.dma_semaphore, #tpu.memory_space<semaphore_mem>>)
      %dma_wait3A_299 = arith.constant 0 : i32
      %dma_wait3A_300 = tpu.memref_slice %arg4[%mul3A_6, %dma_wait3A_299] : memref<1600x200xi32, #tpu.memory_space<hbm>> -> memref<50x200xi32, #tpu.memory_space<hbm>>
      %dma_wait3A_301 = arith.constant 0 : i32
      %dma_wait3A_302 = tpu.memref_slice %arg4[%mul3A_6, %dma_wait3A_301] : memref<1600x200xi32, #tpu.memory_space<hbm>> -> memref<50x200xi32, #tpu.memory_space<hbm>>
      tpu.wait_dma2 semaphore(%run_scoped3A : memref<!tpu.dma_semaphore, #tpu.memory_space<semaphore_mem>>) src(%dma_wait3A_302 : memref<50x200xi32, #tpu.memory_space<hbm>>) dst(%arg8 : memref<50x200xi32, #tpu.memory_space<vmem>>)
      tpu.yield
    }) : () -> ()
    %barrier3A = arith.constant 0 : index
    tpu.barrier barrier_id(%barrier3A)
    %dma_start3A = arith.constant 0 : i32
    %dma_start3A_7 = arith.constant 0 : i32
    %dma_start3A_8 = tpu.memref_slice %arg7[%dma_start3A, %dma_start3A_7] : memref<50x200xi32, #tpu.memory_space<vmem>> -> memref<1x200xi32, #tpu.memory_space<vmem>>
    %dma_start3A_9 = tpu.memref_squeeze %dma_start3A_8 : memref<1x200xi32, #tpu.memory_space<vmem>> -> memref<200xi32, #tpu.memory_space<vmem>>
    %dma_start3A_10 = arith.constant 0 : i32
    %dma_start3A_11 = arith.constant 0 : i32
    %dma_start3A_12 = tpu.memref_slice %arg2[%dma_start3A_10, %dma_start3A_11] : memref<10000x40xf32, #tpu.memory_space<hbm>> -> memref<10000x40xf32, #tpu.memory_space<hbm>>
    tpu.enqueue_indirect_dma source(%dma_start3A_12 : memref<10000x40xf32, #tpu.memory_space<hbm>>) target(%arg9 : memref<200x40xf32, #tpu.memory_space<vmem>>) offsets(%dma_start3A_9 : memref<200xi32, #tpu.memory_space<vmem>>) semaphore(%arg20 : memref<!tpu.dma_semaphore, #tpu.memory_space<semaphore_mem>>)
    %dma_start3A_13 = arith.constant 1 : i32
    %dma_start3A_14 = arith.constant 0 : i32
    %dma_start3A_15 = tpu.memref_slice %arg7[%dma_start3A_13, %dma_start3A_14] : memref<50x200xi32, #tpu.memory_space<vmem>> -> memref<1x200xi32, #tpu.memory_space<vmem>>
    %dma_start3A_16 = tpu.memref_squeeze %dma_start3A_15 : memref<1x200xi32, #tpu.memory_space<vmem>> -> memref<200xi32, #tpu.memory_space<vmem>>
    %dma_start3A_17 = arith.constant 0 : i32
    %dma_start3A_18 = arith.constant 0 : i32
    %dma_start3A_19 = tpu.memref_slice %arg2[%dma_start3A_17, %dma_start3A_18] : memref<10000x40xf32, #tpu.memory_space<hbm>> -> memref<10000x40xf32, #tpu.memory_space<hbm>>
    tpu.enqueue_indirect_dma source(%dma_start3A_19 : memref<10000x40xf32, #tpu.memory_space<hbm>>) target(%arg10 : memref<200x40xf32, #tpu.memory_space<vmem>>) offsets(%dma_start3A_16 : memref<200xi32, #tpu.memory_space<vmem>>) semaphore(%arg21 : memref<!tpu.dma_semaphore, #tpu.memory_space<semaphore_mem>>)
    %dma_start3A_20 = arith.constant 2 : i32
    %dma_start3A_21 = arith.constant 0 : i32
    %dma_start3A_22 = tpu.memref_slice %arg7[%dma_start3A_20, %dma_start3A_21] : memref<50x200xi32, #tpu.memory_space<vmem>> -> memref<1x200xi32, #tpu.memory_space<vmem>>
    %dma_start3A_23 = tpu.memref_squeeze %dma_start3A_22 : memref<1x200xi32, #tpu.memory_space<vmem>> -> memref<200xi32, #tpu.memory_space<vmem>>
    %dma_start3A_24 = arith.constant 0 : i32
    %dma_start3A_25 = arith.constant 0 : i32
    %dma_start3A_26 = tpu.memref_slice %arg2[%dma_start3A_24, %dma_start3A_25] : memref<10000x40xf32, #tpu.memory_space<hbm>> -> memref<10000x40xf32, #tpu.memory_space<hbm>>
    tpu.enqueue_indirect_dma source(%dma_start3A_26 : memref<10000x40xf32, #tpu.memory_space<hbm>>) target(%arg11 : memref<200x40xf32, #tpu.memory_space<vmem>>) offsets(%dma_start3A_23 : memref<200xi32, #tpu.memory_space<vmem>>) semaphore(%arg22 : memref<!tpu.dma_semaphore, #tpu.memory_space<semaphore_mem>>)
    %dma_start3A_27 = arith.constant 3 : i32
    %dma_start3A_28 = arith.constant 0 : i32
    %dma_start3A_29 = tpu.memref_slice %arg7[%dma_start3A_27, %dma_start3A_28] : memref<50x200xi32, #tpu.memory_space<vmem>> -> memref<1x200xi32, #tpu.memory_space<vmem>>
    %dma_start3A_30 = tpu.memref_squeeze %dma_start3A_29 : memref<1x200xi32, #tpu.memory_space<vmem>> -> memref<200xi32, #tpu.memory_space<vmem>>
    %dma_start3A_31 = arith.constant 0 : i32
    %dma_start3A_32 = arith.constant 0 : i32
    %dma_start3A_33 = tpu.memref_slice %arg2[%dma_start3A_31, %dma_start3A_32] : memref<10000x40xf32, #tpu.memory_space<hbm>> -> memref<10000x40xf32, #tpu.memory_space<hbm>>
    tpu.enqueue_indirect_dma source(%dma_start3A_33 : memref<10000x40xf32, #tpu.memory_space<hbm>>) target(%arg12 : memref<200x40xf32, #tpu.memory_space<vmem>>) offsets(%dma_start3A_30 : memref<200xi32, #tpu.memory_space<vmem>>) semaphore(%arg23 : memref<!tpu.dma_semaphore, #tpu.memory_space<semaphore_mem>>)
    %dma_start3A_34 = arith.constant 4 : i32
    %dma_start3A_35 = arith.constant 0 : i32
    %dma_start3A_36 = tpu.memref_slice %arg7[%dma_start3A_34, %dma_start3A_35] : memref<50x200xi32, #tpu.memory_space<vmem>> -> memref<1x200xi32, #tpu.memory_space<vmem>>
    %dma_start3A_37 = tpu.memref_squeeze %dma_start3A_36 : memref<1x200xi32, #tpu.memory_space<vmem>> -> memref<200xi32, #tpu.memory_space<vmem>>
    %dma_start3A_38 = arith.constant 0 : i32
    %dma_start3A_39 = arith.constant 0 : i32
    %dma_start3A_40 = tpu.memref_slice %arg2[%dma_start3A_38, %dma_start3A_39] : memref<10000x40xf32, #tpu.memory_space<hbm>> -> memref<10000x40xf32, #tpu.memory_space<hbm>>
    tpu.enqueue_indirect_dma source(%dma_start3A_40 : memref<10000x40xf32, #tpu.memory_space<hbm>>) target(%arg13 : memref<200x40xf32, #tpu.memory_space<vmem>>) offsets(%dma_start3A_37 : memref<200xi32, #tpu.memory_space<vmem>>) semaphore(%arg24 : memref<!tpu.dma_semaphore, #tpu.memory_space<semaphore_mem>>)
    %dma_start3A_41 = arith.constant 5 : i32
    %dma_start3A_42 = arith.constant 0 : i32
    %dma_start3A_43 = tpu.memref_slice %arg7[%dma_start3A_41, %dma_start3A_42] : memref<50x200xi32, #tpu.memory_space<vmem>> -> memref<1x200xi32, #tpu.memory_space<vmem>>
    %dma_start3A_44 = tpu.memref_squeeze %dma_start3A_43 : memref<1x200xi32, #tpu.memory_space<vmem>> -> memref<200xi32, #tpu.memory_space<vmem>>
    %dma_start3A_45 = arith.constant 0 : i32
    %dma_start3A_46 = arith.constant 0 : i32
    %dma_start3A_47 = tpu.memref_slice %arg2[%dma_start3A_45, %dma_start3A_46] : memref<10000x40xf32, #tpu.memory_space<hbm>> -> memref<10000x40xf32, #tpu.memory_space<hbm>>
    tpu.enqueue_indirect_dma source(%dma_start3A_47 : memref<10000x40xf32, #tpu.memory_space<hbm>>) target(%arg14 : memref<200x40xf32, #tpu.memory_space<vmem>>) offsets(%dma_start3A_44 : memref<200xi32, #tpu.memory_space<vmem>>) semaphore(%arg25 : memref<!tpu.dma_semaphore, #tpu.memory_space<semaphore_mem>>)
    %dma_start3A_48 = arith.constant 6 : i32
    %dma_start3A_49 = arith.constant 0 : i32
    %dma_start3A_50 = tpu.memref_slice %arg7[%dma_start3A_48, %dma_start3A_49] : memref<50x200xi32, #tpu.memory_space<vmem>> -> memref<1x200xi32, #tpu.memory_space<vmem>>
    %dma_start3A_51 = tpu.memref_squeeze %dma_start3A_50 : memref<1x200xi32, #tpu.memory_space<vmem>> -> memref<200xi32, #tpu.memory_space<vmem>>
    %dma_start3A_52 = arith.constant 0 : i32
    %dma_start3A_53 = arith.constant 0 : i32
    %dma_start3A_54 = tpu.memref_slice %arg2[%dma_start3A_52, %dma_start3A_53] : memref<10000x40xf32, #tpu.memory_space<hbm>> -> memref<10000x40xf32, #tpu.memory_space<hbm>>
    tpu.enqueue_indirect_dma source(%dma_start3A_54 : memref<10000x40xf32, #tpu.memory_space<hbm>>) target(%arg15 : memref<200x40xf32, #tpu.memory_space<vmem>>) offsets(%dma_start3A_51 : memref<200xi32, #tpu.memory_space<vmem>>) semaphore(%arg26 : memref<!tpu.dma_semaphore, #tpu.memory_space<semaphore_mem>>)
    %dma_start3A_55 = arith.constant 7 : i32
    %dma_start3A_56 = arith.constant 0 : i32
    %dma_start3A_57 = tpu.memref_slice %arg7[%dma_start3A_55, %dma_start3A_56] : memref<50x200xi32, #tpu.memory_space<vmem>> -> memref<1x200xi32, #tpu.memory_space<vmem>>
    %dma_start3A_58 = tpu.memref_squeeze %dma_start3A_57 : memref<1x200xi32, #tpu.memory_space<vmem>> -> memref<200xi32, #tpu.memory_space<vmem>>
    %dma_start3A_59 = arith.constant 0 : i32
    %dma_start3A_60 = arith.constant 0 : i32
    %dma_start3A_61 = tpu.memref_slice %arg2[%dma_start3A_59, %dma_start3A_60] : memref<10000x40xf32, #tpu.memory_space<hbm>> -> memref<10000x40xf32, #tpu.memory_space<hbm>>
    tpu.enqueue_indirect_dma source(%dma_start3A_61 : memref<10000x40xf32, #tpu.memory_space<hbm>>) target(%arg16 : memref<200x40xf32, #tpu.memory_space<vmem>>) offsets(%dma_start3A_58 : memref<200xi32, #tpu.memory_space<vmem>>) semaphore(%arg27 : memref<!tpu.dma_semaphore, #tpu.memory_space<semaphore_mem>>)
    %dma_start3A_62 = arith.constant 8 : i32
    %dma_start3A_63 = arith.constant 0 : i32
    %dma_start3A_64 = tpu.memref_slice %arg7[%dma_start3A_62, %dma_start3A_63] : memref<50x200xi32, #tpu.memory_space<vmem>> -> memref<1x200xi32, #tpu.memory_space<vmem>>
    %dma_start3A_65 = tpu.memref_squeeze %dma_start3A_64 : memref<1x200xi32, #tpu.memory_space<vmem>> -> memref<200xi32, #tpu.memory_space<vmem>>
    %dma_start3A_66 = arith.constant 0 : i32
    %dma_start3A_67 = arith.constant 0 : i32
    %dma_start3A_68 = tpu.memref_slice %arg2[%dma_start3A_66, %dma_start3A_67] : memref<10000x40xf32, #tpu.memory_space<hbm>> -> memref<10000x40xf32, #tpu.memory_space<hbm>>
    tpu.enqueue_indirect_dma source(%dma_start3A_68 : memref<10000x40xf32, #tpu.memory_space<hbm>>) target(%arg17 : memref<200x40xf32, #tpu.memory_space<vmem>>) offsets(%dma_start3A_65 : memref<200xi32, #tpu.memory_space<vmem>>) semaphore(%arg28 : memref<!tpu.dma_semaphore, #tpu.memory_space<semaphore_mem>>)
    %dma_start3A_69 = arith.constant 9 : i32
    %dma_start3A_70 = arith.constant 0 : i32
    %dma_start3A_71 = tpu.memref_slice %arg7[%dma_start3A_69, %dma_start3A_70] : memref<50x200xi32, #tpu.memory_space<vmem>> -> memref<1x200xi32, #tpu.memory_space<vmem>>
    %dma_start3A_72 = tpu.memref_squeeze %dma_start3A_71 : memref<1x200xi32, #tpu.memory_space<vmem>> -> memref<200xi32, #tpu.memory_space<vmem>>
    %dma_start3A_73 = arith.constant 0 : i32
    %dma_start3A_74 = arith.constant 0 : i32
    %dma_start3A_75 = tpu.memref_slice %arg2[%dma_start3A_73, %dma_start3A_74] : memref<10000x40xf32, #tpu.memory_space<hbm>> -> memref<10000x40xf32, #tpu.memory_space<hbm>>
    tpu.enqueue_indirect_dma source(%dma_start3A_75 : memref<10000x40xf32, #tpu.memory_space<hbm>>) target(%arg18 : memref<200x40xf32, #tpu.memory_space<vmem>>) offsets(%dma_start3A_72 : memref<200xi32, #tpu.memory_space<vmem>>) semaphore(%arg29 : memref<!tpu.dma_semaphore, #tpu.memory_space<semaphore_mem>>)
    %scan3A = arith.constant 0 : i32
    %scan3A_76 = arith.constant 0 : i32
    %scan3A_77 = arith.constant 4 : i32
    %scan3A_78 = arith.addi %scan3A_76, %scan3A_77 : i32
    %scan3A_79 = arith.constant 1 : i32
    scf.for %scan3A_295 = %scan3A_76 to %scan3A_78 step %scan3A_79  : i32 {
      %mul3A_296 = arith.constant 10 : i32
      %mul3A_297 = arith.muli %scan3A_295, %mul3A_296 : i32
      %add3A_298 = arith.constant 0 : i32
      %add3A_299 = arith.addi %mul3A_297, %add3A_298 : i32
      %dma_wait3A_300 = arith.constant 0 : i32
      %dma_wait3A_301 = tpu.memref_slice %arg7[%add3A_299, %dma_wait3A_300] : memref<50x200xi32, #tpu.memory_space<vmem>> -> memref<1x200xi32, #tpu.memory_space<vmem>>
      %dma_wait3A_302 = tpu.memref_squeeze %dma_wait3A_301 : memref<1x200xi32, #tpu.memory_space<vmem>> -> memref<200xi32, #tpu.memory_space<vmem>>
      %dma_wait3A_303 = arith.constant 0 : i32
      %dma_wait3A_304 = arith.constant 0 : i32
      %dma_wait3A_305 = tpu.memref_slice %arg2[%dma_wait3A_303, %dma_wait3A_304] : memref<10000x40xf32, #tpu.memory_space<hbm>> -> memref<10000x40xf32, #tpu.memory_space<hbm>>
      tpu.wait_indirect_dma semaphore(%arg20 : memref<!tpu.dma_semaphore, #tpu.memory_space<semaphore_mem>>) src(%dma_wait3A_305 : memref<10000x40xf32, #tpu.memory_space<hbm>>) dst(%arg9 : memref<200x40xf32, #tpu.memory_space<vmem>>)
      %add3A_306 = arith.constant 0 : i32
      %add3A_307 = arith.addi %mul3A_297, %add3A_306 : i32
      %dma_start3A_308 = arith.constant 0 : i32
      %dma_start3A_309 = tpu.memref_slice %arg8[%add3A_307, %dma_start3A_308] : memref<50x200xi32, #tpu.memory_space<vmem>> -> memref<1x200xi32, #tpu.memory_space<vmem>>
      %dma_start3A_310 = tpu.memref_squeeze %dma_start3A_309 : memref<1x200xi32, #tpu.memory_space<vmem>> -> memref<200xi32, #tpu.memory_space<vmem>>
      %dma_start3A_311 = arith.constant 0 : i32
      %dma_start3A_312 = arith.constant 0 : i32
      %dma_start3A_313 = tpu.memref_slice %arg19[%dma_start3A_311, %dma_start3A_312] : memref<10000x40xf32, #tpu.memory_space<vmem_shared>> -> memref<10000x40xf32, #tpu.memory_space<vmem_shared>>
      tpu.enqueue_indirect_dma source(%arg9 : memref<200x40xf32, #tpu.memory_space<vmem>>) target(%dma_start3A_313 : memref<10000x40xf32, #tpu.memory_space<vmem_shared>>) offsets(%dma_start3A_310 : memref<200xi32, #tpu.memory_space<vmem>>) semaphore(%arg30 : memref<!tpu.dma_semaphore, #tpu.memory_space<semaphore_mem>>) {add = true}
      %add3A_314 = arith.constant 1 : i32
      %add3A_315 = arith.addi %mul3A_297, %add3A_314 : i32
      %dma_wait3A_316 = arith.constant 0 : i32
      %dma_wait3A_317 = tpu.memref_slice %arg7[%add3A_315, %dma_wait3A_316] : memref<50x200xi32, #tpu.memory_space<vmem>> -> memref<1x200xi32, #tpu.memory_space<vmem>>
      %dma_wait3A_318 = tpu.memref_squeeze %dma_wait3A_317 : memref<1x200xi32, #tpu.memory_space<vmem>> -> memref<200xi32, #tpu.memory_space<vmem>>
      %dma_wait3A_319 = arith.constant 0 : i32
      %dma_wait3A_320 = arith.constant 0 : i32
      %dma_wait3A_321 = tpu.memref_slice %arg2[%dma_wait3A_319, %dma_wait3A_320] : memref<10000x40xf32, #tpu.memory_space<hbm>> -> memref<10000x40xf32, #tpu.memory_space<hbm>>
      tpu.wait_indirect_dma semaphore(%arg21 : memref<!tpu.dma_semaphore, #tpu.memory_space<semaphore_mem>>) src(%dma_wait3A_321 : memref<10000x40xf32, #tpu.memory_space<hbm>>) dst(%arg10 : memref<200x40xf32, #tpu.memory_space<vmem>>)
      %add3A_322 = arith.constant 1 : i32
      %add3A_323 = arith.addi %mul3A_297, %add3A_322 : i32
      %dma_start3A_324 = arith.constant 0 : i32
      %dma_start3A_325 = tpu.memref_slice %arg8[%add3A_323, %dma_start3A_324] : memref<50x200xi32, #tpu.memory_space<vmem>> -> memref<1x200xi32, #tpu.memory_space<vmem>>
      %dma_start3A_326 = tpu.memref_squeeze %dma_start3A_325 : memref<1x200xi32, #tpu.memory_space<vmem>> -> memref<200xi32, #tpu.memory_space<vmem>>
      %dma_start3A_327 = arith.constant 0 : i32
      %dma_start3A_328 = arith.constant 0 : i32
      %dma_start3A_329 = tpu.memref_slice %arg19[%dma_start3A_327, %dma_start3A_328] : memref<10000x40xf32, #tpu.memory_space<vmem_shared>> -> memref<10000x40xf32, #tpu.memory_space<vmem_shared>>
      tpu.enqueue_indirect_dma source(%arg10 : memref<200x40xf32, #tpu.memory_space<vmem>>) target(%dma_start3A_329 : memref<10000x40xf32, #tpu.memory_space<vmem_shared>>) offsets(%dma_start3A_326 : memref<200xi32, #tpu.memory_space<vmem>>) semaphore(%arg31 : memref<!tpu.dma_semaphore, #tpu.memory_space<semaphore_mem>>) {add = true}
      %add3A_330 = arith.constant 2 : i32
      %add3A_331 = arith.addi %mul3A_297, %add3A_330 : i32
      %dma_wait3A_332 = arith.constant 0 : i32
      %dma_wait3A_333 = tpu.memref_slice %arg7[%add3A_331, %dma_wait3A_332] : memref<50x200xi32, #tpu.memory_space<vmem>> -> memref<1x200xi32, #tpu.memory_space<vmem>>
      %dma_wait3A_334 = tpu.memref_squeeze %dma_wait3A_333 : memref<1x200xi32, #tpu.memory_space<vmem>> -> memref<200xi32, #tpu.memory_space<vmem>>
      %dma_wait3A_335 = arith.constant 0 : i32
      %dma_wait3A_336 = arith.constant 0 : i32
      %dma_wait3A_337 = tpu.memref_slice %arg2[%dma_wait3A_335, %dma_wait3A_336] : memref<10000x40xf32, #tpu.memory_space<hbm>> -> memref<10000x40xf32, #tpu.memory_space<hbm>>
      tpu.wait_indirect_dma semaphore(%arg22 : memref<!tpu.dma_semaphore, #tpu.memory_space<semaphore_mem>>) src(%dma_wait3A_337 : memref<10000x40xf32, #tpu.memory_space<hbm>>) dst(%arg11 : memref<200x40xf32, #tpu.memory_space<vmem>>)
      %add3A_338 = arith.constant 2 : i32
      %add3A_339 = arith.addi %mul3A_297, %add3A_338 : i32
      %dma_start3A_340 = arith.constant 0 : i32
      %dma_start3A_341 = tpu.memref_slice %arg8[%add3A_339, %dma_start3A_340] : memref<50x200xi32, #tpu.memory_space<vmem>> -> memref<1x200xi32, #tpu.memory_space<vmem>>
      %dma_start3A_342 = tpu.memref_squeeze %dma_start3A_341 : memref<1x200xi32, #tpu.memory_space<vmem>> -> memref<200xi32, #tpu.memory_space<vmem>>
      %dma_start3A_343 = arith.constant 0 : i32
      %dma_start3A_344 = arith.constant 0 : i32
      %dma_start3A_345 = tpu.memref_slice %arg19[%dma_start3A_343, %dma_start3A_344] : memref<10000x40xf32, #tpu.memory_space<vmem_shared>> -> memref<10000x40xf32, #tpu.memory_space<vmem_shared>>
      tpu.enqueue_indirect_dma source(%arg11 : memref<200x40xf32, #tpu.memory_space<vmem>>) target(%dma_start3A_345 : memref<10000x40xf32, #tpu.memory_space<vmem_shared>>) offsets(%dma_start3A_342 : memref<200xi32, #tpu.memory_space<vmem>>) semaphore(%arg32 : memref<!tpu.dma_semaphore, #tpu.memory_space<semaphore_mem>>) {add = true}
      %add3A_346 = arith.constant 3 : i32
      %add3A_347 = arith.addi %mul3A_297, %add3A_346 : i32
      %dma_wait3A_348 = arith.constant 0 : i32
      %dma_wait3A_349 = tpu.memref_slice %arg7[%add3A_347, %dma_wait3A_348] : memref<50x200xi32, #tpu.memory_space<vmem>> -> memref<1x200xi32, #tpu.memory_space<vmem>>
      %dma_wait3A_350 = tpu.memref_squeeze %dma_wait3A_349 : memref<1x200xi32, #tpu.memory_space<vmem>> -> memref<200xi32, #tpu.memory_space<vmem>>
      %dma_wait3A_351 = arith.constant 0 : i32
      %dma_wait3A_352 = arith.constant 0 : i32
      %dma_wait3A_353 = tpu.memref_slice %arg2[%dma_wait3A_351, %dma_wait3A_352] : memref<10000x40xf32, #tpu.memory_space<hbm>> -> memref<10000x40xf32, #tpu.memory_space<hbm>>
      tpu.wait_indirect_dma semaphore(%arg23 : memref<!tpu.dma_semaphore, #tpu.memory_space<semaphore_mem>>) src(%dma_wait3A_353 : memref<10000x40xf32, #tpu.memory_space<hbm>>) dst(%arg12 : memref<200x40xf32, #tpu.memory_space<vmem>>)
      %add3A_354 = arith.constant 3 : i32
      %add3A_355 = arith.addi %mul3A_297, %add3A_354 : i32
      %dma_start3A_356 = arith.constant 0 : i32
      %dma_start3A_357 = tpu.memref_slice %arg8[%add3A_355, %dma_start3A_356] : memref<50x200xi32, #tpu.memory_space<vmem>> -> memref<1x200xi32, #tpu.memory_space<vmem>>
      %dma_start3A_358 = tpu.memref_squeeze %dma_start3A_357 : memref<1x200xi32, #tpu.memory_space<vmem>> -> memref<200xi32, #tpu.memory_space<vmem>>
      %dma_start3A_359 = arith.constant 0 : i32
      %dma_start3A_360 = arith.constant 0 : i32
      %dma_start3A_361 = tpu.memref_slice %arg19[%dma_start3A_359, %dma_start3A_360] : memref<10000x40xf32, #tpu.memory_space<vmem_shared>> -> memref<10000x40xf32, #tpu.memory_space<vmem_shared>>
      tpu.enqueue_indirect_dma source(%arg12 : memref<200x40xf32, #tpu.memory_space<vmem>>) target(%dma_start3A_361 : memref<10000x40xf32, #tpu.memory_space<vmem_shared>>) offsets(%dma_start3A_358 : memref<200xi32, #tpu.memory_space<vmem>>) semaphore(%arg33 : memref<!tpu.dma_semaphore, #tpu.memory_space<semaphore_mem>>) {add = true}
      %add3A_362 = arith.constant 4 : i32
      %add3A_363 = arith.addi %mul3A_297, %add3A_362 : i32
      %dma_wait3A_364 = arith.constant 0 : i32
      %dma_wait3A_365 = tpu.memref_slice %arg7[%add3A_363, %dma_wait3A_364] : memref<50x200xi32, #tpu.memory_space<vmem>> -> memref<1x200xi32, #tpu.memory_space<vmem>>
      %dma_wait3A_366 = tpu.memref_squeeze %dma_wait3A_365 : memref<1x200xi32, #tpu.memory_space<vmem>> -> memref<200xi32, #tpu.memory_space<vmem>>
      %dma_wait3A_367 = arith.constant 0 : i32
      %dma_wait3A_368 = arith.constant 0 : i32
      %dma_wait3A_369 = tpu.memref_slice %arg2[%dma_wait3A_367, %dma_wait3A_368] : memref<10000x40xf32, #tpu.memory_space<hbm>> -> memref<10000x40xf32, #tpu.memory_space<hbm>>
      tpu.wait_indirect_dma semaphore(%arg24 : memref<!tpu.dma_semaphore, #tpu.memory_space<semaphore_mem>>) src(%dma_wait3A_369 : memref<10000x40xf32, #tpu.memory_space<hbm>>) dst(%arg13 : memref<200x40xf32, #tpu.memory_space<vmem>>)
      %add3A_370 = arith.constant 4 : i32
      %add3A_371 = arith.addi %mul3A_297, %add3A_370 : i32
      %dma_start3A_372 = arith.constant 0 : i32
      %dma_start3A_373 = tpu.memref_slice %arg8[%add3A_371, %dma_start3A_372] : memref<50x200xi32, #tpu.memory_space<vmem>> -> memref<1x200xi32, #tpu.memory_space<vmem>>
      %dma_start3A_374 = tpu.memref_squeeze %dma_start3A_373 : memref<1x200xi32, #tpu.memory_space<vmem>> -> memref<200xi32, #tpu.memory_space<vmem>>
      %dma_start3A_375 = arith.constant 0 : i32
      %dma_start3A_376 = arith.constant 0 : i32
      %dma_start3A_377 = tpu.memref_slice %arg19[%dma_start3A_375, %dma_start3A_376] : memref<10000x40xf32, #tpu.memory_space<vmem_shared>> -> memref<10000x40xf32, #tpu.memory_space<vmem_shared>>
      tpu.enqueue_indirect_dma source(%arg13 : memref<200x40xf32, #tpu.memory_space<vmem>>) target(%dma_start3A_377 : memref<10000x40xf32, #tpu.memory_space<vmem_shared>>) offsets(%dma_start3A_374 : memref<200xi32, #tpu.memory_space<vmem>>) semaphore(%arg34 : memref<!tpu.dma_semaphore, #tpu.memory_space<semaphore_mem>>) {add = true}
      %add3A_378 = arith.constant 5 : i32
      %add3A_379 = arith.addi %mul3A_297, %add3A_378 : i32
      %dma_wait3A_380 = arith.constant 0 : i32
      %dma_wait3A_381 = tpu.memref_slice %arg7[%add3A_379, %dma_wait3A_380] : memref<50x200xi32, #tpu.memory_space<vmem>> -> memref<1x200xi32, #tpu.memory_space<vmem>>
      %dma_wait3A_382 = tpu.memref_squeeze %dma_wait3A_381 : memref<1x200xi32, #tpu.memory_space<vmem>> -> memref<200xi32, #tpu.memory_space<vmem>>
      %dma_wait3A_383 = arith.constant 0 : i32
      %dma_wait3A_384 = arith.constant 0 : i32
      %dma_wait3A_385 = tpu.memref_slice %arg2[%dma_wait3A_383, %dma_wait3A_384] : memref<10000x40xf32, #tpu.memory_space<hbm>> -> memref<10000x40xf32, #tpu.memory_space<hbm>>
      tpu.wait_indirect_dma semaphore(%arg25 : memref<!tpu.dma_semaphore, #tpu.memory_space<semaphore_mem>>) src(%dma_wait3A_385 : memref<10000x40xf32, #tpu.memory_space<hbm>>) dst(%arg14 : memref<200x40xf32, #tpu.memory_space<vmem>>)
      %add3A_386 = arith.constant 5 : i32
      %add3A_387 = arith.addi %mul3A_297, %add3A_386 : i32
      %dma_start3A_388 = arith.constant 0 : i32
      %dma_start3A_389 = tpu.memref_slice %arg8[%add3A_387, %dma_start3A_388] : memref<50x200xi32, #tpu.memory_space<vmem>> -> memref<1x200xi32, #tpu.memory_space<vmem>>
      %dma_start3A_390 = tpu.memref_squeeze %dma_start3A_389 : memref<1x200xi32, #tpu.memory_space<vmem>> -> memref<200xi32, #tpu.memory_space<vmem>>
      %dma_start3A_391 = arith.constant 0 : i32
      %dma_start3A_392 = arith.constant 0 : i32
      %dma_start3A_393 = tpu.memref_slice %arg19[%dma_start3A_391, %dma_start3A_392] : memref<10000x40xf32, #tpu.memory_space<vmem_shared>> -> memref<10000x40xf32, #tpu.memory_space<vmem_shared>>
      tpu.enqueue_indirect_dma source(%arg14 : memref<200x40xf32, #tpu.memory_space<vmem>>) target(%dma_start3A_393 : memref<10000x40xf32, #tpu.memory_space<vmem_shared>>) offsets(%dma_start3A_390 : memref<200xi32, #tpu.memory_space<vmem>>) semaphore(%arg35 : memref<!tpu.dma_semaphore, #tpu.memory_space<semaphore_mem>>) {add = true}
      %add3A_394 = arith.constant 6 : i32
      %add3A_395 = arith.addi %mul3A_297, %add3A_394 : i32
      %dma_wait3A_396 = arith.constant 0 : i32
      %dma_wait3A_397 = tpu.memref_slice %arg7[%add3A_395, %dma_wait3A_396] : memref<50x200xi32, #tpu.memory_space<vmem>> -> memref<1x200xi32, #tpu.memory_space<vmem>>
      %dma_wait3A_398 = tpu.memref_squeeze %dma_wait3A_397 : memref<1x200xi32, #tpu.memory_space<vmem>> -> memref<200xi32, #tpu.memory_space<vmem>>
      %dma_wait3A_399 = arith.constant 0 : i32
      %dma_wait3A_400 = arith.constant 0 : i32
      %dma_wait3A_401 = tpu.memref_slice %arg2[%dma_wait3A_399, %dma_wait3A_400] : memref<10000x40xf32, #tpu.memory_space<hbm>> -> memref<10000x40xf32, #tpu.memory_space<hbm>>
      tpu.wait_indirect_dma semaphore(%arg26 : memref<!tpu.dma_semaphore, #tpu.memory_space<semaphore_mem>>) src(%dma_wait3A_401 : memref<10000x40xf32, #tpu.memory_space<hbm>>) dst(%arg15 : memref<200x40xf32, #tpu.memory_space<vmem>>)
      %add3A_402 = arith.constant 6 : i32
      %add3A_403 = arith.addi %mul3A_297, %add3A_402 : i32
      %dma_start3A_404 = arith.constant 0 : i32
      %dma_start3A_405 = tpu.memref_slice %arg8[%add3A_403, %dma_start3A_404] : memref<50x200xi32, #tpu.memory_space<vmem>> -> memref<1x200xi32, #tpu.memory_space<vmem>>
      %dma_start3A_406 = tpu.memref_squeeze %dma_start3A_405 : memref<1x200xi32, #tpu.memory_space<vmem>> -> memref<200xi32, #tpu.memory_space<vmem>>
      %dma_start3A_407 = arith.constant 0 : i32
      %dma_start3A_408 = arith.constant 0 : i32
      %dma_start3A_409 = tpu.memref_slice %arg19[%dma_start3A_407, %dma_start3A_408] : memref<10000x40xf32, #tpu.memory_space<vmem_shared>> -> memref<10000x40xf32, #tpu.memory_space<vmem_shared>>
      tpu.enqueue_indirect_dma source(%arg15 : memref<200x40xf32, #tpu.memory_space<vmem>>) target(%dma_start3A_409 : memref<10000x40xf32, #tpu.memory_space<vmem_shared>>) offsets(%dma_start3A_406 : memref<200xi32, #tpu.memory_space<vmem>>) semaphore(%arg36 : memref<!tpu.dma_semaphore, #tpu.memory_space<semaphore_mem>>) {add = true}
      %add3A_410 = arith.constant 7 : i32
      %add3A_411 = arith.addi %mul3A_297, %add3A_410 : i32
      %dma_wait3A_412 = arith.constant 0 : i32
      %dma_wait3A_413 = tpu.memref_slice %arg7[%add3A_411, %dma_wait3A_412] : memref<50x200xi32, #tpu.memory_space<vmem>> -> memref<1x200xi32, #tpu.memory_space<vmem>>
      %dma_wait3A_414 = tpu.memref_squeeze %dma_wait3A_413 : memref<1x200xi32, #tpu.memory_space<vmem>> -> memref<200xi32, #tpu.memory_space<vmem>>
      %dma_wait3A_415 = arith.constant 0 : i32
      %dma_wait3A_416 = arith.constant 0 : i32
      %dma_wait3A_417 = tpu.memref_slice %arg2[%dma_wait3A_415, %dma_wait3A_416] : memref<10000x40xf32, #tpu.memory_space<hbm>> -> memref<10000x40xf32, #tpu.memory_space<hbm>>
      tpu.wait_indirect_dma semaphore(%arg27 : memref<!tpu.dma_semaphore, #tpu.memory_space<semaphore_mem>>) src(%dma_wait3A_417 : memref<10000x40xf32, #tpu.memory_space<hbm>>) dst(%arg16 : memref<200x40xf32, #tpu.memory_space<vmem>>)
      %add3A_418 = arith.constant 7 : i32
      %add3A_419 = arith.addi %mul3A_297, %add3A_418 : i32
      %dma_start3A_420 = arith.constant 0 : i32
      %dma_start3A_421 = tpu.memref_slice %arg8[%add3A_419, %dma_start3A_420] : memref<50x200xi32, #tpu.memory_space<vmem>> -> memref<1x200xi32, #tpu.memory_space<vmem>>
      %dma_start3A_422 = tpu.memref_squeeze %dma_start3A_421 : memref<1x200xi32, #tpu.memory_space<vmem>> -> memref<200xi32, #tpu.memory_space<vmem>>
      %dma_start3A_423 = arith.constant 0 : i32
      %dma_start3A_424 = arith.constant 0 : i32
      %dma_start3A_425 = tpu.memref_slice %arg19[%dma_start3A_423, %dma_start3A_424] : memref<10000x40xf32, #tpu.memory_space<vmem_shared>> -> memref<10000x40xf32, #tpu.memory_space<vmem_shared>>
      tpu.enqueue_indirect_dma source(%arg16 : memref<200x40xf32, #tpu.memory_space<vmem>>) target(%dma_start3A_425 : memref<10000x40xf32, #tpu.memory_space<vmem_shared>>) offsets(%dma_start3A_422 : memref<200xi32, #tpu.memory_space<vmem>>) semaphore(%arg37 : memref<!tpu.dma_semaphore, #tpu.memory_space<semaphore_mem>>) {add = true}
      %add3A_426 = arith.constant 8 : i32
      %add3A_427 = arith.addi %mul3A_297, %add3A_426 : i32
      %dma_wait3A_428 = arith.constant 0 : i32
      %dma_wait3A_429 = tpu.memref_slice %arg7[%add3A_427, %dma_wait3A_428] : memref<50x200xi32, #tpu.memory_space<vmem>> -> memref<1x200xi32, #tpu.memory_space<vmem>>
      %dma_wait3A_430 = tpu.memref_squeeze %dma_wait3A_429 : memref<1x200xi32, #tpu.memory_space<vmem>> -> memref<200xi32, #tpu.memory_space<vmem>>
      %dma_wait3A_431 = arith.constant 0 : i32
      %dma_wait3A_432 = arith.constant 0 : i32
      %dma_wait3A_433 = tpu.memref_slice %arg2[%dma_wait3A_431, %dma_wait3A_432] : memref<10000x40xf32, #tpu.memory_space<hbm>> -> memref<10000x40xf32, #tpu.memory_space<hbm>>
      tpu.wait_indirect_dma semaphore(%arg28 : memref<!tpu.dma_semaphore, #tpu.memory_space<semaphore_mem>>) src(%dma_wait3A_433 : memref<10000x40xf32, #tpu.memory_space<hbm>>) dst(%arg17 : memref<200x40xf32, #tpu.memory_space<vmem>>)
      %add3A_434 = arith.constant 8 : i32
      %add3A_435 = arith.addi %mul3A_297, %add3A_434 : i32
      %dma_start3A_436 = arith.constant 0 : i32
      %dma_start3A_437 = tpu.memref_slice %arg8[%add3A_435, %dma_start3A_436] : memref<50x200xi32, #tpu.memory_space<vmem>> -> memref<1x200xi32, #tpu.memory_space<vmem>>
      %dma_start3A_438 = tpu.memref_squeeze %dma_start3A_437 : memref<1x200xi32, #tpu.memory_space<vmem>> -> memref<200xi32, #tpu.memory_space<vmem>>
      %dma_start3A_439 = arith.constant 0 : i32
      %dma_start3A_440 = arith.constant 0 : i32
      %dma_start3A_441 = tpu.memref_slice %arg19[%dma_start3A_439, %dma_start3A_440] : memref<10000x40xf32, #tpu.memory_space<vmem_shared>> -> memref<10000x40xf32, #tpu.memory_space<vmem_shared>>
      tpu.enqueue_indirect_dma source(%arg17 : memref<200x40xf32, #tpu.memory_space<vmem>>) target(%dma_start3A_441 : memref<10000x40xf32, #tpu.memory_space<vmem_shared>>) offsets(%dma_start3A_438 : memref<200xi32, #tpu.memory_space<vmem>>) semaphore(%arg38 : memref<!tpu.dma_semaphore, #tpu.memory_space<semaphore_mem>>) {add = true}
      %add3A_442 = arith.constant 9 : i32
      %add3A_443 = arith.addi %mul3A_297, %add3A_442 : i32
      %dma_wait3A_444 = arith.constant 0 : i32
      %dma_wait3A_445 = tpu.memref_slice %arg7[%add3A_443, %dma_wait3A_444] : memref<50x200xi32, #tpu.memory_space<vmem>> -> memref<1x200xi32, #tpu.memory_space<vmem>>
      %dma_wait3A_446 = tpu.memref_squeeze %dma_wait3A_445 : memref<1x200xi32, #tpu.memory_space<vmem>> -> memref<200xi32, #tpu.memory_space<vmem>>
      %dma_wait3A_447 = arith.constant 0 : i32
      %dma_wait3A_448 = arith.constant 0 : i32
      %dma_wait3A_449 = tpu.memref_slice %arg2[%dma_wait3A_447, %dma_wait3A_448] : memref<10000x40xf32, #tpu.memory_space<hbm>> -> memref<10000x40xf32, #tpu.memory_space<hbm>>
      tpu.wait_indirect_dma semaphore(%arg29 : memref<!tpu.dma_semaphore, #tpu.memory_space<semaphore_mem>>) src(%dma_wait3A_449 : memref<10000x40xf32, #tpu.memory_space<hbm>>) dst(%arg18 : memref<200x40xf32, #tpu.memory_space<vmem>>)
      %add3A_450 = arith.constant 9 : i32
      %add3A_451 = arith.addi %mul3A_297, %add3A_450 : i32
      %dma_start3A_452 = arith.constant 0 : i32
      %dma_start3A_453 = tpu.memref_slice %arg8[%add3A_451, %dma_start3A_452] : memref<50x200xi32, #tpu.memory_space<vmem>> -> memref<1x200xi32, #tpu.memory_space<vmem>>
      %dma_start3A_454 = tpu.memref_squeeze %dma_start3A_453 : memref<1x200xi32, #tpu.memory_space<vmem>> -> memref<200xi32, #tpu.memory_space<vmem>>
      %dma_start3A_455 = arith.constant 0 : i32
      %dma_start3A_456 = arith.constant 0 : i32
      %dma_start3A_457 = tpu.memref_slice %arg19[%dma_start3A_455, %dma_start3A_456] : memref<10000x40xf32, #tpu.memory_space<vmem_shared>> -> memref<10000x40xf32, #tpu.memory_space<vmem_shared>>
      tpu.enqueue_indirect_dma source(%arg18 : memref<200x40xf32, #tpu.memory_space<vmem>>) target(%dma_start3A_457 : memref<10000x40xf32, #tpu.memory_space<vmem_shared>>) offsets(%dma_start3A_454 : memref<200xi32, #tpu.memory_space<vmem>>) semaphore(%arg39 : memref<!tpu.dma_semaphore, #tpu.memory_space<semaphore_mem>>) {add = true}
      %add3A_458 = arith.constant 0 : i32
      %add3A_459 = arith.addi %mul3A_297, %add3A_458 : i32
      %dma_wait3A_460 = arith.constant 0 : i32
      %dma_wait3A_461 = tpu.memref_slice %arg8[%add3A_459, %dma_wait3A_460] : memref<50x200xi32, #tpu.memory_space<vmem>> -> memref<1x200xi32, #tpu.memory_space<vmem>>
      %dma_wait3A_462 = tpu.memref_squeeze %dma_wait3A_461 : memref<1x200xi32, #tpu.memory_space<vmem>> -> memref<200xi32, #tpu.memory_space<vmem>>
      %dma_wait3A_463 = arith.constant 0 : i32
      %dma_wait3A_464 = arith.constant 0 : i32
      %dma_wait3A_465 = tpu.memref_slice %arg19[%dma_wait3A_463, %dma_wait3A_464] : memref<10000x40xf32, #tpu.memory_space<vmem_shared>> -> memref<10000x40xf32, #tpu.memory_space<vmem_shared>>
      tpu.wait_indirect_dma semaphore(%arg30 : memref<!tpu.dma_semaphore, #tpu.memory_space<semaphore_mem>>) src(%arg9 : memref<200x40xf32, #tpu.memory_space<vmem>>) dst(%dma_wait3A_465 : memref<10000x40xf32, #tpu.memory_space<vmem_shared>>)
      %add3A_466 = arith.constant 10 : i32
      %add3A_467 = arith.addi %mul3A_297, %add3A_466 : i32
      %add3A_468 = arith.constant 0 : i32
      %add3A_469 = arith.addi %add3A_467, %add3A_468 : i32
      %dma_start3A_470 = arith.constant 0 : i32
      %dma_start3A_471 = tpu.memref_slice %arg7[%add3A_469, %dma_start3A_470] : memref<50x200xi32, #tpu.memory_space<vmem>> -> memref<1x200xi32, #tpu.memory_space<vmem>>
      %dma_start3A_472 = tpu.memref_squeeze %dma_start3A_471 : memref<1x200xi32, #tpu.memory_space<vmem>> -> memref<200xi32, #tpu.memory_space<vmem>>
      %dma_start3A_473 = arith.constant 0 : i32
      %dma_start3A_474 = arith.constant 0 : i32
      %dma_start3A_475 = tpu.memref_slice %arg2[%dma_start3A_473, %dma_start3A_474] : memref<10000x40xf32, #tpu.memory_space<hbm>> -> memref<10000x40xf32, #tpu.memory_space<hbm>>
      tpu.enqueue_indirect_dma source(%dma_start3A_475 : memref<10000x40xf32, #tpu.memory_space<hbm>>) target(%arg9 : memref<200x40xf32, #tpu.memory_space<vmem>>) offsets(%dma_start3A_472 : memref<200xi32, #tpu.memory_space<vmem>>) semaphore(%arg20 : memref<!tpu.dma_semaphore, #tpu.memory_space<semaphore_mem>>)
      %add3A_476 = arith.constant 1 : i32
      %add3A_477 = arith.addi %mul3A_297, %add3A_476 : i32
      %dma_wait3A_478 = arith.constant 0 : i32
      %dma_wait3A_479 = tpu.memref_slice %arg8[%add3A_477, %dma_wait3A_478] : memref<50x200xi32, #tpu.memory_space<vmem>> -> memref<1x200xi32, #tpu.memory_space<vmem>>
      %dma_wait3A_480 = tpu.memref_squeeze %dma_wait3A_479 : memref<1x200xi32, #tpu.memory_space<vmem>> -> memref<200xi32, #tpu.memory_space<vmem>>
      %dma_wait3A_481 = arith.constant 0 : i32
      %dma_wait3A_482 = arith.constant 0 : i32
      %dma_wait3A_483 = tpu.memref_slice %arg19[%dma_wait3A_481, %dma_wait3A_482] : memref<10000x40xf32, #tpu.memory_space<vmem_shared>> -> memref<10000x40xf32, #tpu.memory_space<vmem_shared>>
      tpu.wait_indirect_dma semaphore(%arg31 : memref<!tpu.dma_semaphore, #tpu.memory_space<semaphore_mem>>) src(%arg10 : memref<200x40xf32, #tpu.memory_space<vmem>>) dst(%dma_wait3A_483 : memref<10000x40xf32, #tpu.memory_space<vmem_shared>>)
      %add3A_484 = arith.constant 10 : i32
      %add3A_485 = arith.addi %mul3A_297, %add3A_484 : i32
      %add3A_486 = arith.constant 1 : i32
      %add3A_487 = arith.addi %add3A_485, %add3A_486 : i32
      %dma_start3A_488 = arith.constant 0 : i32
      %dma_start3A_489 = tpu.memref_slice %arg7[%add3A_487, %dma_start3A_488] : memref<50x200xi32, #tpu.memory_space<vmem>> -> memref<1x200xi32, #tpu.memory_space<vmem>>
      %dma_start3A_490 = tpu.memref_squeeze %dma_start3A_489 : memref<1x200xi32, #tpu.memory_space<vmem>> -> memref<200xi32, #tpu.memory_space<vmem>>
      %dma_start3A_491 = arith.constant 0 : i32
      %dma_start3A_492 = arith.constant 0 : i32
      %dma_start3A_493 = tpu.memref_slice %arg2[%dma_start3A_491, %dma_start3A_492] : memref<10000x40xf32, #tpu.memory_space<hbm>> -> memref<10000x40xf32, #tpu.memory_space<hbm>>
      tpu.enqueue_indirect_dma source(%dma_start3A_493 : memref<10000x40xf32, #tpu.memory_space<hbm>>) target(%arg10 : memref<200x40xf32, #tpu.memory_space<vmem>>) offsets(%dma_start3A_490 : memref<200xi32, #tpu.memory_space<vmem>>) semaphore(%arg21 : memref<!tpu.dma_semaphore, #tpu.memory_space<semaphore_mem>>)
      %add3A_494 = arith.constant 2 : i32
      %add3A_495 = arith.addi %mul3A_297, %add3A_494 : i32
      %dma_wait3A_496 = arith.constant 0 : i32
      %dma_wait3A_497 = tpu.memref_slice %arg8[%add3A_495, %dma_wait3A_496] : memref<50x200xi32, #tpu.memory_space<vmem>> -> memref<1x200xi32, #tpu.memory_space<vmem>>
      %dma_wait3A_498 = tpu.memref_squeeze %dma_wait3A_497 : memref<1x200xi32, #tpu.memory_space<vmem>> -> memref<200xi32, #tpu.memory_space<vmem>>
      %dma_wait3A_499 = arith.constant 0 : i32
      %dma_wait3A_500 = arith.constant 0 : i32
      %dma_wait3A_501 = tpu.memref_slice %arg19[%dma_wait3A_499, %dma_wait3A_500] : memref<10000x40xf32, #tpu.memory_space<vmem_shared>> -> memref<10000x40xf32, #tpu.memory_space<vmem_shared>>
      tpu.wait_indirect_dma semaphore(%arg32 : memref<!tpu.dma_semaphore, #tpu.memory_space<semaphore_mem>>) src(%arg11 : memref<200x40xf32, #tpu.memory_space<vmem>>) dst(%dma_wait3A_501 : memref<10000x40xf32, #tpu.memory_space<vmem_shared>>)
      %add3A_502 = arith.constant 10 : i32
      %add3A_503 = arith.addi %mul3A_297, %add3A_502 : i32
      %add3A_504 = arith.constant 2 : i32
      %add3A_505 = arith.addi %add3A_503, %add3A_504 : i32
      %dma_start3A_506 = arith.constant 0 : i32
      %dma_start3A_507 = tpu.memref_slice %arg7[%add3A_505, %dma_start3A_506] : memref<50x200xi32, #tpu.memory_space<vmem>> -> memref<1x200xi32, #tpu.memory_space<vmem>>
      %dma_start3A_508 = tpu.memref_squeeze %dma_start3A_507 : memref<1x200xi32, #tpu.memory_space<vmem>> -> memref<200xi32, #tpu.memory_space<vmem>>
      %dma_start3A_509 = arith.constant 0 : i32
      %dma_start3A_510 = arith.constant 0 : i32
      %dma_start3A_511 = tpu.memref_slice %arg2[%dma_start3A_509, %dma_start3A_510] : memref<10000x40xf32, #tpu.memory_space<hbm>> -> memref<10000x40xf32, #tpu.memory_space<hbm>>
      tpu.enqueue_indirect_dma source(%dma_start3A_511 : memref<10000x40xf32, #tpu.memory_space<hbm>>) target(%arg11 : memref<200x40xf32, #tpu.memory_space<vmem>>) offsets(%dma_start3A_508 : memref<200xi32, #tpu.memory_space<vmem>>) semaphore(%arg22 : memref<!tpu.dma_semaphore, #tpu.memory_space<semaphore_mem>>)
      %add3A_512 = arith.constant 3 : i32
      %add3A_513 = arith.addi %mul3A_297, %add3A_512 : i32
      %dma_wait3A_514 = arith.constant 0 : i32
      %dma_wait3A_515 = tpu.memref_slice %arg8[%add3A_513, %dma_wait3A_514] : memref<50x200xi32, #tpu.memory_space<vmem>> -> memref<1x200xi32, #tpu.memory_space<vmem>>
      %dma_wait3A_516 = tpu.memref_squeeze %dma_wait3A_515 : memref<1x200xi32, #tpu.memory_space<vmem>> -> memref<200xi32, #tpu.memory_space<vmem>>
      %dma_wait3A_517 = arith.constant 0 : i32
      %dma_wait3A_518 = arith.constant 0 : i32
      %dma_wait3A_519 = tpu.memref_slice %arg19[%dma_wait3A_517, %dma_wait3A_518] : memref<10000x40xf32, #tpu.memory_space<vmem_shared>> -> memref<10000x40xf32, #tpu.memory_space<vmem_shared>>
      tpu.wait_indirect_dma semaphore(%arg33 : memref<!tpu.dma_semaphore, #tpu.memory_space<semaphore_mem>>) src(%arg12 : memref<200x40xf32, #tpu.memory_space<vmem>>) dst(%dma_wait3A_519 : memref<10000x40xf32, #tpu.memory_space<vmem_shared>>)
      %add3A_520 = arith.constant 10 : i32
      %add3A_521 = arith.addi %mul3A_297, %add3A_520 : i32
      %add3A_522 = arith.constant 3 : i32
      %add3A_523 = arith.addi %add3A_521, %add3A_522 : i32
      %dma_start3A_524 = arith.constant 0 : i32
      %dma_start3A_525 = tpu.memref_slice %arg7[%add3A_523, %dma_start3A_524] : memref<50x200xi32, #tpu.memory_space<vmem>> -> memref<1x200xi32, #tpu.memory_space<vmem>>
      %dma_start3A_526 = tpu.memref_squeeze %dma_start3A_525 : memref<1x200xi32, #tpu.memory_space<vmem>> -> memref<200xi32, #tpu.memory_space<vmem>>
      %dma_start3A_527 = arith.constant 0 : i32
      %dma_start3A_528 = arith.constant 0 : i32
      %dma_start3A_529 = tpu.memref_slice %arg2[%dma_start3A_527, %dma_start3A_528] : memref<10000x40xf32, #tpu.memory_space<hbm>> -> memref<10000x40xf32, #tpu.memory_space<hbm>>
      tpu.enqueue_indirect_dma source(%dma_start3A_529 : memref<10000x40xf32, #tpu.memory_space<hbm>>) target(%arg12 : memref<200x40xf32, #tpu.memory_space<vmem>>) offsets(%dma_start3A_526 : memref<200xi32, #tpu.memory_space<vmem>>) semaphore(%arg23 : memref<!tpu.dma_semaphore, #tpu.memory_space<semaphore_mem>>)
      %add3A_530 = arith.constant 4 : i32
      %add3A_531 = arith.addi %mul3A_297, %add3A_530 : i32
      %dma_wait3A_532 = arith.constant 0 : i32
      %dma_wait3A_533 = tpu.memref_slice %arg8[%add3A_531, %dma_wait3A_532] : memref<50x200xi32, #tpu.memory_space<vmem>> -> memref<1x200xi32, #tpu.memory_space<vmem>>
      %dma_wait3A_534 = tpu.memref_squeeze %dma_wait3A_533 : memref<1x200xi32, #tpu.memory_space<vmem>> -> memref<200xi32, #tpu.memory_space<vmem>>
      %dma_wait3A_535 = arith.constant 0 : i32
      %dma_wait3A_536 = arith.constant 0 : i32
      %dma_wait3A_537 = tpu.memref_slice %arg19[%dma_wait3A_535, %dma_wait3A_536] : memref<10000x40xf32, #tpu.memory_space<vmem_shared>> -> memref<10000x40xf32, #tpu.memory_space<vmem_shared>>
      tpu.wait_indirect_dma semaphore(%arg34 : memref<!tpu.dma_semaphore, #tpu.memory_space<semaphore_mem>>) src(%arg13 : memref<200x40xf32, #tpu.memory_space<vmem>>) dst(%dma_wait3A_537 : memref<10000x40xf32, #tpu.memory_space<vmem_shared>>)
      %add3A_538 = arith.constant 10 : i32
      %add3A_539 = arith.addi %mul3A_297, %add3A_538 : i32
      %add3A_540 = arith.constant 4 : i32
      %add3A_541 = arith.addi %add3A_539, %add3A_540 : i32
      %dma_start3A_542 = arith.constant 0 : i32
      %dma_start3A_543 = tpu.memref_slice %arg7[%add3A_541, %dma_start3A_542] : memref<50x200xi32, #tpu.memory_space<vmem>> -> memref<1x200xi32, #tpu.memory_space<vmem>>
      %dma_start3A_544 = tpu.memref_squeeze %dma_start3A_543 : memref<1x200xi32, #tpu.memory_space<vmem>> -> memref<200xi32, #tpu.memory_space<vmem>>
      %dma_start3A_545 = arith.constant 0 : i32
      %dma_start3A_546 = arith.constant 0 : i32
      %dma_start3A_547 = tpu.memref_slice %arg2[%dma_start3A_545, %dma_start3A_546] : memref<10000x40xf32, #tpu.memory_space<hbm>> -> memref<10000x40xf32, #tpu.memory_space<hbm>>
      tpu.enqueue_indirect_dma source(%dma_start3A_547 : memref<10000x40xf32, #tpu.memory_space<hbm>>) target(%arg13 : memref<200x40xf32, #tpu.memory_space<vmem>>) offsets(%dma_start3A_544 : memref<200xi32, #tpu.memory_space<vmem>>) semaphore(%arg24 : memref<!tpu.dma_semaphore, #tpu.memory_space<semaphore_mem>>)
      %add3A_548 = arith.constant 5 : i32
      %add3A_549 = arith.addi %mul3A_297, %add3A_548 : i32
      %dma_wait3A_550 = arith.constant 0 : i32
      %dma_wait3A_551 = tpu.memref_slice %arg8[%add3A_549, %dma_wait3A_550] : memref<50x200xi32, #tpu.memory_space<vmem>> -> memref<1x200xi32, #tpu.memory_space<vmem>>
      %dma_wait3A_552 = tpu.memref_squeeze %dma_wait3A_551 : memref<1x200xi32, #tpu.memory_space<vmem>> -> memref<200xi32, #tpu.memory_space<vmem>>
      %dma_wait3A_553 = arith.constant 0 : i32
      %dma_wait3A_554 = arith.constant 0 : i32
      %dma_wait3A_555 = tpu.memref_slice %arg19[%dma_wait3A_553, %dma_wait3A_554] : memref<10000x40xf32, #tpu.memory_space<vmem_shared>> -> memref<10000x40xf32, #tpu.memory_space<vmem_shared>>
      tpu.wait_indirect_dma semaphore(%arg35 : memref<!tpu.dma_semaphore, #tpu.memory_space<semaphore_mem>>) src(%arg14 : memref<200x40xf32, #tpu.memory_space<vmem>>) dst(%dma_wait3A_555 : memref<10000x40xf32, #tpu.memory_space<vmem_shared>>)
      %add3A_556 = arith.constant 10 : i32
      %add3A_557 = arith.addi %mul3A_297, %add3A_556 : i32
      %add3A_558 = arith.constant 5 : i32
      %add3A_559 = arith.addi %add3A_557, %add3A_558 : i32
      %dma_start3A_560 = arith.constant 0 : i32
      %dma_start3A_561 = tpu.memref_slice %arg7[%add3A_559, %dma_start3A_560] : memref<50x200xi32, #tpu.memory_space<vmem>> -> memref<1x200xi32, #tpu.memory_space<vmem>>
      %dma_start3A_562 = tpu.memref_squeeze %dma_start3A_561 : memref<1x200xi32, #tpu.memory_space<vmem>> -> memref<200xi32, #tpu.memory_space<vmem>>
      %dma_start3A_563 = arith.constant 0 : i32
      %dma_start3A_564 = arith.constant 0 : i32
      %dma_start3A_565 = tpu.memref_slice %arg2[%dma_start3A_563, %dma_start3A_564] : memref<10000x40xf32, #tpu.memory_space<hbm>> -> memref<10000x40xf32, #tpu.memory_space<hbm>>
      tpu.enqueue_indirect_dma source(%dma_start3A_565 : memref<10000x40xf32, #tpu.memory_space<hbm>>) target(%arg14 : memref<200x40xf32, #tpu.memory_space<vmem>>) offsets(%dma_start3A_562 : memref<200xi32, #tpu.memory_space<vmem>>) semaphore(%arg25 : memref<!tpu.dma_semaphore, #tpu.memory_space<semaphore_mem>>)
      %add3A_566 = arith.constant 6 : i32
      %add3A_567 = arith.addi %mul3A_297, %add3A_566 : i32
      %dma_wait3A_568 = arith.constant 0 : i32
      %dma_wait3A_569 = tpu.memref_slice %arg8[%add3A_567, %dma_wait3A_568] : memref<50x200xi32, #tpu.memory_space<vmem>> -> memref<1x200xi32, #tpu.memory_space<vmem>>
      %dma_wait3A_570 = tpu.memref_squeeze %dma_wait3A_569 : memref<1x200xi32, #tpu.memory_space<vmem>> -> memref<200xi32, #tpu.memory_space<vmem>>
      %dma_wait3A_571 = arith.constant 0 : i32
      %dma_wait3A_572 = arith.constant 0 : i32
      %dma_wait3A_573 = tpu.memref_slice %arg19[%dma_wait3A_571, %dma_wait3A_572] : memref<10000x40xf32, #tpu.memory_space<vmem_shared>> -> memref<10000x40xf32, #tpu.memory_space<vmem_shared>>
      tpu.wait_indirect_dma semaphore(%arg36 : memref<!tpu.dma_semaphore, #tpu.memory_space<semaphore_mem>>) src(%arg15 : memref<200x40xf32, #tpu.memory_space<vmem>>) dst(%dma_wait3A_573 : memref<10000x40xf32, #tpu.memory_space<vmem_shared>>)
      %add3A_574 = arith.constant 10 : i32
      %add3A_575 = arith.addi %mul3A_297, %add3A_574 : i32
      %add3A_576 = arith.constant 6 : i32
      %add3A_577 = arith.addi %add3A_575, %add3A_576 : i32
      %dma_start3A_578 = arith.constant 0 : i32
      %dma_start3A_579 = tpu.memref_slice %arg7[%add3A_577, %dma_start3A_578] : memref<50x200xi32, #tpu.memory_space<vmem>> -> memref<1x200xi32, #tpu.memory_space<vmem>>
      %dma_start3A_580 = tpu.memref_squeeze %dma_start3A_579 : memref<1x200xi32, #tpu.memory_space<vmem>> -> memref<200xi32, #tpu.memory_space<vmem>>
      %dma_start3A_581 = arith.constant 0 : i32
      %dma_start3A_582 = arith.constant 0 : i32
      %dma_start3A_583 = tpu.memref_slice %arg2[%dma_start3A_581, %dma_start3A_582] : memref<10000x40xf32, #tpu.memory_space<hbm>> -> memref<10000x40xf32, #tpu.memory_space<hbm>>
      tpu.enqueue_indirect_dma source(%dma_start3A_583 : memref<10000x40xf32, #tpu.memory_space<hbm>>) target(%arg15 : memref<200x40xf32, #tpu.memory_space<vmem>>) offsets(%dma_start3A_580 : memref<200xi32, #tpu.memory_space<vmem>>) semaphore(%arg26 : memref<!tpu.dma_semaphore, #tpu.memory_space<semaphore_mem>>)
      %add3A_584 = arith.constant 7 : i32
      %add3A_585 = arith.addi %mul3A_297, %add3A_584 : i32
      %dma_wait3A_586 = arith.constant 0 : i32
      %dma_wait3A_587 = tpu.memref_slice %arg8[%add3A_585, %dma_wait3A_586] : memref<50x200xi32, #tpu.memory_space<vmem>> -> memref<1x200xi32, #tpu.memory_space<vmem>>
      %dma_wait3A_588 = tpu.memref_squeeze %dma_wait3A_587 : memref<1x200xi32, #tpu.memory_space<vmem>> -> memref<200xi32, #tpu.memory_space<vmem>>
      %dma_wait3A_589 = arith.constant 0 : i32
      %dma_wait3A_590 = arith.constant 0 : i32
      %dma_wait3A_591 = tpu.memref_slice %arg19[%dma_wait3A_589, %dma_wait3A_590] : memref<10000x40xf32, #tpu.memory_space<vmem_shared>> -> memref<10000x40xf32, #tpu.memory_space<vmem_shared>>
      tpu.wait_indirect_dma semaphore(%arg37 : memref<!tpu.dma_semaphore, #tpu.memory_space<semaphore_mem>>) src(%arg16 : memref<200x40xf32, #tpu.memory_space<vmem>>) dst(%dma_wait3A_591 : memref<10000x40xf32, #tpu.memory_space<vmem_shared>>)
      %add3A_592 = arith.constant 10 : i32
      %add3A_593 = arith.addi %mul3A_297, %add3A_592 : i32
      %add3A_594 = arith.constant 7 : i32
      %add3A_595 = arith.addi %add3A_593, %add3A_594 : i32
      %dma_start3A_596 = arith.constant 0 : i32
      %dma_start3A_597 = tpu.memref_slice %arg7[%add3A_595, %dma_start3A_596] : memref<50x200xi32, #tpu.memory_space<vmem>> -> memref<1x200xi32, #tpu.memory_space<vmem>>
      %dma_start3A_598 = tpu.memref_squeeze %dma_start3A_597 : memref<1x200xi32, #tpu.memory_space<vmem>> -> memref<200xi32, #tpu.memory_space<vmem>>
      %dma_start3A_599 = arith.constant 0 : i32
      %dma_start3A_600 = arith.constant 0 : i32
      %dma_start3A_601 = tpu.memref_slice %arg2[%dma_start3A_599, %dma_start3A_600] : memref<10000x40xf32, #tpu.memory_space<hbm>> -> memref<10000x40xf32, #tpu.memory_space<hbm>>
      tpu.enqueue_indirect_dma source(%dma_start3A_601 : memref<10000x40xf32, #tpu.memory_space<hbm>>) target(%arg16 : memref<200x40xf32, #tpu.memory_space<vmem>>) offsets(%dma_start3A_598 : memref<200xi32, #tpu.memory_space<vmem>>) semaphore(%arg27 : memref<!tpu.dma_semaphore, #tpu.memory_space<semaphore_mem>>)
      %add3A_602 = arith.constant 8 : i32
      %add3A_603 = arith.addi %mul3A_297, %add3A_602 : i32
      %dma_wait3A_604 = arith.constant 0 : i32
      %dma_wait3A_605 = tpu.memref_slice %arg8[%add3A_603, %dma_wait3A_604] : memref<50x200xi32, #tpu.memory_space<vmem>> -> memref<1x200xi32, #tpu.memory_space<vmem>>
      %dma_wait3A_606 = tpu.memref_squeeze %dma_wait3A_605 : memref<1x200xi32, #tpu.memory_space<vmem>> -> memref<200xi32, #tpu.memory_space<vmem>>
      %dma_wait3A_607 = arith.constant 0 : i32
      %dma_wait3A_608 = arith.constant 0 : i32
      %dma_wait3A_609 = tpu.memref_slice %arg19[%dma_wait3A_607, %dma_wait3A_608] : memref<10000x40xf32, #tpu.memory_space<vmem_shared>> -> memref<10000x40xf32, #tpu.memory_space<vmem_shared>>
      tpu.wait_indirect_dma semaphore(%arg38 : memref<!tpu.dma_semaphore, #tpu.memory_space<semaphore_mem>>) src(%arg17 : memref<200x40xf32, #tpu.memory_space<vmem>>) dst(%dma_wait3A_609 : memref<10000x40xf32, #tpu.memory_space<vmem_shared>>)
      %add3A_610 = arith.constant 10 : i32
      %add3A_611 = arith.addi %mul3A_297, %add3A_610 : i32
      %add3A_612 = arith.constant 8 : i32
      %add3A_613 = arith.addi %add3A_611, %add3A_612 : i32
      %dma_start3A_614 = arith.constant 0 : i32
      %dma_start3A_615 = tpu.memref_slice %arg7[%add3A_613, %dma_start3A_614] : memref<50x200xi32, #tpu.memory_space<vmem>> -> memref<1x200xi32, #tpu.memory_space<vmem>>
      %dma_start3A_616 = tpu.memref_squeeze %dma_start3A_615 : memref<1x200xi32, #tpu.memory_space<vmem>> -> memref<200xi32, #tpu.memory_space<vmem>>
      %dma_start3A_617 = arith.constant 0 : i32
      %dma_start3A_618 = arith.constant 0 : i32
      %dma_start3A_619 = tpu.memref_slice %arg2[%dma_start3A_617, %dma_start3A_618] : memref<10000x40xf32, #tpu.memory_space<hbm>> -> memref<10000x40xf32, #tpu.memory_space<hbm>>
      tpu.enqueue_indirect_dma source(%dma_start3A_619 : memref<10000x40xf32, #tpu.memory_space<hbm>>) target(%arg17 : memref<200x40xf32, #tpu.memory_space<vmem>>) offsets(%dma_start3A_616 : memref<200xi32, #tpu.memory_space<vmem>>) semaphore(%arg28 : memref<!tpu.dma_semaphore, #tpu.memory_space<semaphore_mem>>)
      %add3A_620 = arith.constant 9 : i32
      %add3A_621 = arith.addi %mul3A_297, %add3A_620 : i32
      %dma_wait3A_622 = arith.constant 0 : i32
      %dma_wait3A_623 = tpu.memref_slice %arg8[%add3A_621, %dma_wait3A_622] : memref<50x200xi32, #tpu.memory_space<vmem>> -> memref<1x200xi32, #tpu.memory_space<vmem>>
      %dma_wait3A_624 = tpu.memref_squeeze %dma_wait3A_623 : memref<1x200xi32, #tpu.memory_space<vmem>> -> memref<200xi32, #tpu.memory_space<vmem>>
      %dma_wait3A_625 = arith.constant 0 : i32
      %dma_wait3A_626 = arith.constant 0 : i32
      %dma_wait3A_627 = tpu.memref_slice %arg19[%dma_wait3A_625, %dma_wait3A_626] : memref<10000x40xf32, #tpu.memory_space<vmem_shared>> -> memref<10000x40xf32, #tpu.memory_space<vmem_shared>>
      tpu.wait_indirect_dma semaphore(%arg39 : memref<!tpu.dma_semaphore, #tpu.memory_space<semaphore_mem>>) src(%arg18 : memref<200x40xf32, #tpu.memory_space<vmem>>) dst(%dma_wait3A_627 : memref<10000x40xf32, #tpu.memory_space<vmem_shared>>)
      %add3A_628 = arith.constant 10 : i32
      %add3A_629 = arith.addi %mul3A_297, %add3A_628 : i32
      %add3A_630 = arith.constant 9 : i32
      %add3A_631 = arith.addi %add3A_629, %add3A_630 : i32
      %dma_start3A_632 = arith.constant 0 : i32
      %dma_start3A_633 = tpu.memref_slice %arg7[%add3A_631, %dma_start3A_632] : memref<50x200xi32, #tpu.memory_space<vmem>> -> memref<1x200xi32, #tpu.memory_space<vmem>>
      %dma_start3A_634 = tpu.memref_squeeze %dma_start3A_633 : memref<1x200xi32, #tpu.memory_space<vmem>> -> memref<200xi32, #tpu.memory_space<vmem>>
      %dma_start3A_635 = arith.constant 0 : i32
      %dma_start3A_636 = arith.constant 0 : i32
      %dma_start3A_637 = tpu.memref_slice %arg2[%dma_start3A_635, %dma_start3A_636] : memref<10000x40xf32, #tpu.memory_space<hbm>> -> memref<10000x40xf32, #tpu.memory_space<hbm>>
      tpu.enqueue_indirect_dma source(%dma_start3A_637 : memref<10000x40xf32, #tpu.memory_space<hbm>>) target(%arg18 : memref<200x40xf32, #tpu.memory_space<vmem>>) offsets(%dma_start3A_634 : memref<200xi32, #tpu.memory_space<vmem>>) semaphore(%arg29 : memref<!tpu.dma_semaphore, #tpu.memory_space<semaphore_mem>>)
    }
    %scan3A_80 = arith.constant 4 : i32
    %dma_wait3A = arith.constant 40 : i32
    %dma_wait3A_81 = arith.constant 0 : i32
    %dma_wait3A_82 = tpu.memref_slice %arg7[%dma_wait3A, %dma_wait3A_81] : memref<50x200xi32, #tpu.memory_space<vmem>> -> memref<1x200xi32, #tpu.memory_space<vmem>>
    %dma_wait3A_83 = tpu.memref_squeeze %dma_wait3A_82 : memref<1x200xi32, #tpu.memory_space<vmem>> -> memref<200xi32, #tpu.memory_space<vmem>>
    %dma_wait3A_84 = arith.constant 0 : i32
    %dma_wait3A_85 = arith.constant 0 : i32
    %dma_wait3A_86 = tpu.memref_slice %arg2[%dma_wait3A_84, %dma_wait3A_85] : memref<10000x40xf32, #tpu.memory_space<hbm>> -> memref<10000x40xf32, #tpu.memory_space<hbm>>
    tpu.wait_indirect_dma semaphore(%arg20 : memref<!tpu.dma_semaphore, #tpu.memory_space<semaphore_mem>>) src(%dma_wait3A_86 : memref<10000x40xf32, #tpu.memory_space<hbm>>) dst(%arg9 : memref<200x40xf32, #tpu.memory_space<vmem>>)
    %dma_start3A_87 = arith.constant 40 : i32
    %dma_start3A_88 = arith.constant 0 : i32
    %dma_start3A_89 = tpu.memref_slice %arg8[%dma_start3A_87, %dma_start3A_88] : memref<50x200xi32, #tpu.memory_space<vmem>> -> memref<1x200xi32, #tpu.memory_space<vmem>>
    %dma_start3A_90 = tpu.memref_squeeze %dma_start3A_89 : memref<1x200xi32, #tpu.memory_space<vmem>> -> memref<200xi32, #tpu.memory_space<vmem>>
    %dma_start3A_91 = arith.constant 0 : i32
    %dma_start3A_92 = arith.constant 0 : i32
    %dma_start3A_93 = tpu.memref_slice %arg19[%dma_start3A_91, %dma_start3A_92] : memref<10000x40xf32, #tpu.memory_space<vmem_shared>> -> memref<10000x40xf32, #tpu.memory_space<vmem_shared>>
    tpu.enqueue_indirect_dma source(%arg9 : memref<200x40xf32, #tpu.memory_space<vmem>>) target(%dma_start3A_93 : memref<10000x40xf32, #tpu.memory_space<vmem_shared>>) offsets(%dma_start3A_90 : memref<200xi32, #tpu.memory_space<vmem>>) semaphore(%arg30 : memref<!tpu.dma_semaphore, #tpu.memory_space<semaphore_mem>>) {add = true}
    %dma_wait3A_94 = arith.constant 41 : i32
    %dma_wait3A_95 = arith.constant 0 : i32
    %dma_wait3A_96 = tpu.memref_slice %arg7[%dma_wait3A_94, %dma_wait3A_95] : memref<50x200xi32, #tpu.memory_space<vmem>> -> memref<1x200xi32, #tpu.memory_space<vmem>>
    %dma_wait3A_97 = tpu.memref_squeeze %dma_wait3A_96 : memref<1x200xi32, #tpu.memory_space<vmem>> -> memref<200xi32, #tpu.memory_space<vmem>>
    %dma_wait3A_98 = arith.constant 0 : i32
    %dma_wait3A_99 = arith.constant 0 : i32
    %dma_wait3A_100 = tpu.memref_slice %arg2[%dma_wait3A_98, %dma_wait3A_99] : memref<10000x40xf32, #tpu.memory_space<hbm>> -> memref<10000x40xf32, #tpu.memory_space<hbm>>
    tpu.wait_indirect_dma semaphore(%arg21 : memref<!tpu.dma_semaphore, #tpu.memory_space<semaphore_mem>>) src(%dma_wait3A_100 : memref<10000x40xf32, #tpu.memory_space<hbm>>) dst(%arg10 : memref<200x40xf32, #tpu.memory_space<vmem>>)
    %dma_start3A_101 = arith.constant 41 : i32
    %dma_start3A_102 = arith.constant 0 : i32
    %dma_start3A_103 = tpu.memref_slice %arg8[%dma_start3A_101, %dma_start3A_102] : memref<50x200xi32, #tpu.memory_space<vmem>> -> memref<1x200xi32, #tpu.memory_space<vmem>>
    %dma_start3A_104 = tpu.memref_squeeze %dma_start3A_103 : memref<1x200xi32, #tpu.memory_space<vmem>> -> memref<200xi32, #tpu.memory_space<vmem>>
    %dma_start3A_105 = arith.constant 0 : i32
    %dma_start3A_106 = arith.constant 0 : i32
    %dma_start3A_107 = tpu.memref_slice %arg19[%dma_start3A_105, %dma_start3A_106] : memref<10000x40xf32, #tpu.memory_space<vmem_shared>> -> memref<10000x40xf32, #tpu.memory_space<vmem_shared>>
    tpu.enqueue_indirect_dma source(%arg10 : memref<200x40xf32, #tpu.memory_space<vmem>>) target(%dma_start3A_107 : memref<10000x40xf32, #tpu.memory_space<vmem_shared>>) offsets(%dma_start3A_104 : memref<200xi32, #tpu.memory_space<vmem>>) semaphore(%arg31 : memref<!tpu.dma_semaphore, #tpu.memory_space<semaphore_mem>>) {add = true}
    %dma_wait3A_108 = arith.constant 42 : i32
    %dma_wait3A_109 = arith.constant 0 : i32
    %dma_wait3A_110 = tpu.memref_slice %arg7[%dma_wait3A_108, %dma_wait3A_109] : memref<50x200xi32, #tpu.memory_space<vmem>> -> memref<1x200xi32, #tpu.memory_space<vmem>>
    %dma_wait3A_111 = tpu.memref_squeeze %dma_wait3A_110 : memref<1x200xi32, #tpu.memory_space<vmem>> -> memref<200xi32, #tpu.memory_space<vmem>>
    %dma_wait3A_112 = arith.constant 0 : i32
    %dma_wait3A_113 = arith.constant 0 : i32
    %dma_wait3A_114 = tpu.memref_slice %arg2[%dma_wait3A_112, %dma_wait3A_113] : memref<10000x40xf32, #tpu.memory_space<hbm>> -> memref<10000x40xf32, #tpu.memory_space<hbm>>
    tpu.wait_indirect_dma semaphore(%arg22 : memref<!tpu.dma_semaphore, #tpu.memory_space<semaphore_mem>>) src(%dma_wait3A_114 : memref<10000x40xf32, #tpu.memory_space<hbm>>) dst(%arg11 : memref<200x40xf32, #tpu.memory_space<vmem>>)
    %dma_start3A_115 = arith.constant 42 : i32
    %dma_start3A_116 = arith.constant 0 : i32
    %dma_start3A_117 = tpu.memref_slice %arg8[%dma_start3A_115, %dma_start3A_116] : memref<50x200xi32, #tpu.memory_space<vmem>> -> memref<1x200xi32, #tpu.memory_space<vmem>>
    %dma_start3A_118 = tpu.memref_squeeze %dma_start3A_117 : memref<1x200xi32, #tpu.memory_space<vmem>> -> memref<200xi32, #tpu.memory_space<vmem>>
    %dma_start3A_119 = arith.constant 0 : i32
    %dma_start3A_120 = arith.constant 0 : i32
    %dma_start3A_121 = tpu.memref_slice %arg19[%dma_start3A_119, %dma_start3A_120] : memref<10000x40xf32, #tpu.memory_space<vmem_shared>> -> memref<10000x40xf32, #tpu.memory_space<vmem_shared>>
    tpu.enqueue_indirect_dma source(%arg11 : memref<200x40xf32, #tpu.memory_space<vmem>>) target(%dma_start3A_121 : memref<10000x40xf32, #tpu.memory_space<vmem_shared>>) offsets(%dma_start3A_118 : memref<200xi32, #tpu.memory_space<vmem>>) semaphore(%arg32 : memref<!tpu.dma_semaphore, #tpu.memory_space<semaphore_mem>>) {add = true}
    %dma_wait3A_122 = arith.constant 43 : i32
    %dma_wait3A_123 = arith.constant 0 : i32
    %dma_wait3A_124 = tpu.memref_slice %arg7[%dma_wait3A_122, %dma_wait3A_123] : memref<50x200xi32, #tpu.memory_space<vmem>> -> memref<1x200xi32, #tpu.memory_space<vmem>>
    %dma_wait3A_125 = tpu.memref_squeeze %dma_wait3A_124 : memref<1x200xi32, #tpu.memory_space<vmem>> -> memref<200xi32, #tpu.memory_space<vmem>>
    %dma_wait3A_126 = arith.constant 0 : i32
    %dma_wait3A_127 = arith.constant 0 : i32
    %dma_wait3A_128 = tpu.memref_slice %arg2[%dma_wait3A_126, %dma_wait3A_127] : memref<10000x40xf32, #tpu.memory_space<hbm>> -> memref<10000x40xf32, #tpu.memory_space<hbm>>
    tpu.wait_indirect_dma semaphore(%arg23 : memref<!tpu.dma_semaphore, #tpu.memory_space<semaphore_mem>>) src(%dma_wait3A_128 : memref<10000x40xf32, #tpu.memory_space<hbm>>) dst(%arg12 : memref<200x40xf32, #tpu.memory_space<vmem>>)
    %dma_start3A_129 = arith.constant 43 : i32
    %dma_start3A_130 = arith.constant 0 : i32
    %dma_start3A_131 = tpu.memref_slice %arg8[%dma_start3A_129, %dma_start3A_130] : memref<50x200xi32, #tpu.memory_space<vmem>> -> memref<1x200xi32, #tpu.memory_space<vmem>>
    %dma_start3A_132 = tpu.memref_squeeze %dma_start3A_131 : memref<1x200xi32, #tpu.memory_space<vmem>> -> memref<200xi32, #tpu.memory_space<vmem>>
    %dma_start3A_133 = arith.constant 0 : i32
    %dma_start3A_134 = arith.constant 0 : i32
    %dma_start3A_135 = tpu.memref_slice %arg19[%dma_start3A_133, %dma_start3A_134] : memref<10000x40xf32, #tpu.memory_space<vmem_shared>> -> memref<10000x40xf32, #tpu.memory_space<vmem_shared>>
    tpu.enqueue_indirect_dma source(%arg12 : memref<200x40xf32, #tpu.memory_space<vmem>>) target(%dma_start3A_135 : memref<10000x40xf32, #tpu.memory_space<vmem_shared>>) offsets(%dma_start3A_132 : memref<200xi32, #tpu.memory_space<vmem>>) semaphore(%arg33 : memref<!tpu.dma_semaphore, #tpu.memory_space<semaphore_mem>>) {add = true}
    %dma_wait3A_136 = arith.constant 44 : i32
    %dma_wait3A_137 = arith.constant 0 : i32
    %dma_wait3A_138 = tpu.memref_slice %arg7[%dma_wait3A_136, %dma_wait3A_137] : memref<50x200xi32, #tpu.memory_space<vmem>> -> memref<1x200xi32, #tpu.memory_space<vmem>>
    %dma_wait3A_139 = tpu.memref_squeeze %dma_wait3A_138 : memref<1x200xi32, #tpu.memory_space<vmem>> -> memref<200xi32, #tpu.memory_space<vmem>>
    %dma_wait3A_140 = arith.constant 0 : i32
    %dma_wait3A_141 = arith.constant 0 : i32
    %dma_wait3A_142 = tpu.memref_slice %arg2[%dma_wait3A_140, %dma_wait3A_141] : memref<10000x40xf32, #tpu.memory_space<hbm>> -> memref<10000x40xf32, #tpu.memory_space<hbm>>
    tpu.wait_indirect_dma semaphore(%arg24 : memref<!tpu.dma_semaphore, #tpu.memory_space<semaphore_mem>>) src(%dma_wait3A_142 : memref<10000x40xf32, #tpu.memory_space<hbm>>) dst(%arg13 : memref<200x40xf32, #tpu.memory_space<vmem>>)
    %dma_start3A_143 = arith.constant 44 : i32
    %dma_start3A_144 = arith.constant 0 : i32
    %dma_start3A_145 = tpu.memref_slice %arg8[%dma_start3A_143, %dma_start3A_144] : memref<50x200xi32, #tpu.memory_space<vmem>> -> memref<1x200xi32, #tpu.memory_space<vmem>>
    %dma_start3A_146 = tpu.memref_squeeze %dma_start3A_145 : memref<1x200xi32, #tpu.memory_space<vmem>> -> memref<200xi32, #tpu.memory_space<vmem>>
    %dma_start3A_147 = arith.constant 0 : i32
    %dma_start3A_148 = arith.constant 0 : i32
    %dma_start3A_149 = tpu.memref_slice %arg19[%dma_start3A_147, %dma_start3A_148] : memref<10000x40xf32, #tpu.memory_space<vmem_shared>> -> memref<10000x40xf32, #tpu.memory_space<vmem_shared>>
    tpu.enqueue_indirect_dma source(%arg13 : memref<200x40xf32, #tpu.memory_space<vmem>>) target(%dma_start3A_149 : memref<10000x40xf32, #tpu.memory_space<vmem_shared>>) offsets(%dma_start3A_146 : memref<200xi32, #tpu.memory_space<vmem>>) semaphore(%arg34 : memref<!tpu.dma_semaphore, #tpu.memory_space<semaphore_mem>>) {add = true}
    %dma_wait3A_150 = arith.constant 45 : i32
    %dma_wait3A_151 = arith.constant 0 : i32
    %dma_wait3A_152 = tpu.memref_slice %arg7[%dma_wait3A_150, %dma_wait3A_151] : memref<50x200xi32, #tpu.memory_space<vmem>> -> memref<1x200xi32, #tpu.memory_space<vmem>>
    %dma_wait3A_153 = tpu.memref_squeeze %dma_wait3A_152 : memref<1x200xi32, #tpu.memory_space<vmem>> -> memref<200xi32, #tpu.memory_space<vmem>>
    %dma_wait3A_154 = arith.constant 0 : i32
    %dma_wait3A_155 = arith.constant 0 : i32
    %dma_wait3A_156 = tpu.memref_slice %arg2[%dma_wait3A_154, %dma_wait3A_155] : memref<10000x40xf32, #tpu.memory_space<hbm>> -> memref<10000x40xf32, #tpu.memory_space<hbm>>
    tpu.wait_indirect_dma semaphore(%arg25 : memref<!tpu.dma_semaphore, #tpu.memory_space<semaphore_mem>>) src(%dma_wait3A_156 : memref<10000x40xf32, #tpu.memory_space<hbm>>) dst(%arg14 : memref<200x40xf32, #tpu.memory_space<vmem>>)
    %dma_start3A_157 = arith.constant 45 : i32
    %dma_start3A_158 = arith.constant 0 : i32
    %dma_start3A_159 = tpu.memref_slice %arg8[%dma_start3A_157, %dma_start3A_158] : memref<50x200xi32, #tpu.memory_space<vmem>> -> memref<1x200xi32, #tpu.memory_space<vmem>>
    %dma_start3A_160 = tpu.memref_squeeze %dma_start3A_159 : memref<1x200xi32, #tpu.memory_space<vmem>> -> memref<200xi32, #tpu.memory_space<vmem>>
    %dma_start3A_161 = arith.constant 0 : i32
    %dma_start3A_162 = arith.constant 0 : i32
    %dma_start3A_163 = tpu.memref_slice %arg19[%dma_start3A_161, %dma_start3A_162] : memref<10000x40xf32, #tpu.memory_space<vmem_shared>> -> memref<10000x40xf32, #tpu.memory_space<vmem_shared>>
    tpu.enqueue_indirect_dma source(%arg14 : memref<200x40xf32, #tpu.memory_space<vmem>>) target(%dma_start3A_163 : memref<10000x40xf32, #tpu.memory_space<vmem_shared>>) offsets(%dma_start3A_160 : memref<200xi32, #tpu.memory_space<vmem>>) semaphore(%arg35 : memref<!tpu.dma_semaphore, #tpu.memory_space<semaphore_mem>>) {add = true}
    %dma_wait3A_164 = arith.constant 46 : i32
    %dma_wait3A_165 = arith.constant 0 : i32
    %dma_wait3A_166 = tpu.memref_slice %arg7[%dma_wait3A_164, %dma_wait3A_165] : memref<50x200xi32, #tpu.memory_space<vmem>> -> memref<1x200xi32, #tpu.memory_space<vmem>>
    %dma_wait3A_167 = tpu.memref_squeeze %dma_wait3A_166 : memref<1x200xi32, #tpu.memory_space<vmem>> -> memref<200xi32, #tpu.memory_space<vmem>>
    %dma_wait3A_168 = arith.constant 0 : i32
    %dma_wait3A_169 = arith.constant 0 : i32
    %dma_wait3A_170 = tpu.memref_slice %arg2[%dma_wait3A_168, %dma_wait3A_169] : memref<10000x40xf32, #tpu.memory_space<hbm>> -> memref<10000x40xf32, #tpu.memory_space<hbm>>
    tpu.wait_indirect_dma semaphore(%arg26 : memref<!tpu.dma_semaphore, #tpu.memory_space<semaphore_mem>>) src(%dma_wait3A_170 : memref<10000x40xf32, #tpu.memory_space<hbm>>) dst(%arg15 : memref<200x40xf32, #tpu.memory_space<vmem>>)
    %dma_start3A_171 = arith.constant 46 : i32
    %dma_start3A_172 = arith.constant 0 : i32
    %dma_start3A_173 = tpu.memref_slice %arg8[%dma_start3A_171, %dma_start3A_172] : memref<50x200xi32, #tpu.memory_space<vmem>> -> memref<1x200xi32, #tpu.memory_space<vmem>>
    %dma_start3A_174 = tpu.memref_squeeze %dma_start3A_173 : memref<1x200xi32, #tpu.memory_space<vmem>> -> memref<200xi32, #tpu.memory_space<vmem>>
    %dma_start3A_175 = arith.constant 0 : i32
    %dma_start3A_176 = arith.constant 0 : i32
    %dma_start3A_177 = tpu.memref_slice %arg19[%dma_start3A_175, %dma_start3A_176] : memref<10000x40xf32, #tpu.memory_space<vmem_shared>> -> memref<10000x40xf32, #tpu.memory_space<vmem_shared>>
    tpu.enqueue_indirect_dma source(%arg15 : memref<200x40xf32, #tpu.memory_space<vmem>>) target(%dma_start3A_177 : memref<10000x40xf32, #tpu.memory_space<vmem_shared>>) offsets(%dma_start3A_174 : memref<200xi32, #tpu.memory_space<vmem>>) semaphore(%arg36 : memref<!tpu.dma_semaphore, #tpu.memory_space<semaphore_mem>>) {add = true}
    %dma_wait3A_178 = arith.constant 47 : i32
    %dma_wait3A_179 = arith.constant 0 : i32
    %dma_wait3A_180 = tpu.memref_slice %arg7[%dma_wait3A_178, %dma_wait3A_179] : memref<50x200xi32, #tpu.memory_space<vmem>> -> memref<1x200xi32, #tpu.memory_space<vmem>>
    %dma_wait3A_181 = tpu.memref_squeeze %dma_wait3A_180 : memref<1x200xi32, #tpu.memory_space<vmem>> -> memref<200xi32, #tpu.memory_space<vmem>>
    %dma_wait3A_182 = arith.constant 0 : i32
    %dma_wait3A_183 = arith.constant 0 : i32
    %dma_wait3A_184 = tpu.memref_slice %arg2[%dma_wait3A_182, %dma_wait3A_183] : memref<10000x40xf32, #tpu.memory_space<hbm>> -> memref<10000x40xf32, #tpu.memory_space<hbm>>
    tpu.wait_indirect_dma semaphore(%arg27 : memref<!tpu.dma_semaphore, #tpu.memory_space<semaphore_mem>>) src(%dma_wait3A_184 : memref<10000x40xf32, #tpu.memory_space<hbm>>) dst(%arg16 : memref<200x40xf32, #tpu.memory_space<vmem>>)
    %dma_start3A_185 = arith.constant 47 : i32
    %dma_start3A_186 = arith.constant 0 : i32
    %dma_start3A_187 = tpu.memref_slice %arg8[%dma_start3A_185, %dma_start3A_186] : memref<50x200xi32, #tpu.memory_space<vmem>> -> memref<1x200xi32, #tpu.memory_space<vmem>>
    %dma_start3A_188 = tpu.memref_squeeze %dma_start3A_187 : memref<1x200xi32, #tpu.memory_space<vmem>> -> memref<200xi32, #tpu.memory_space<vmem>>
    %dma_start3A_189 = arith.constant 0 : i32
    %dma_start3A_190 = arith.constant 0 : i32
    %dma_start3A_191 = tpu.memref_slice %arg19[%dma_start3A_189, %dma_start3A_190] : memref<10000x40xf32, #tpu.memory_space<vmem_shared>> -> memref<10000x40xf32, #tpu.memory_space<vmem_shared>>
    tpu.enqueue_indirect_dma source(%arg16 : memref<200x40xf32, #tpu.memory_space<vmem>>) target(%dma_start3A_191 : memref<10000x40xf32, #tpu.memory_space<vmem_shared>>) offsets(%dma_start3A_188 : memref<200xi32, #tpu.memory_space<vmem>>) semaphore(%arg37 : memref<!tpu.dma_semaphore, #tpu.memory_space<semaphore_mem>>) {add = true}
    %dma_wait3A_192 = arith.constant 48 : i32
    %dma_wait3A_193 = arith.constant 0 : i32
    %dma_wait3A_194 = tpu.memref_slice %arg7[%dma_wait3A_192, %dma_wait3A_193] : memref<50x200xi32, #tpu.memory_space<vmem>> -> memref<1x200xi32, #tpu.memory_space<vmem>>
    %dma_wait3A_195 = tpu.memref_squeeze %dma_wait3A_194 : memref<1x200xi32, #tpu.memory_space<vmem>> -> memref<200xi32, #tpu.memory_space<vmem>>
    %dma_wait3A_196 = arith.constant 0 : i32
    %dma_wait3A_197 = arith.constant 0 : i32
    %dma_wait3A_198 = tpu.memref_slice %arg2[%dma_wait3A_196, %dma_wait3A_197] : memref<10000x40xf32, #tpu.memory_space<hbm>> -> memref<10000x40xf32, #tpu.memory_space<hbm>>
    tpu.wait_indirect_dma semaphore(%arg28 : memref<!tpu.dma_semaphore, #tpu.memory_space<semaphore_mem>>) src(%dma_wait3A_198 : memref<10000x40xf32, #tpu.memory_space<hbm>>) dst(%arg17 : memref<200x40xf32, #tpu.memory_space<vmem>>)
    %dma_start3A_199 = arith.constant 48 : i32
    %dma_start3A_200 = arith.constant 0 : i32
    %dma_start3A_201 = tpu.memref_slice %arg8[%dma_start3A_199, %dma_start3A_200] : memref<50x200xi32, #tpu.memory_space<vmem>> -> memref<1x200xi32, #tpu.memory_space<vmem>>
    %dma_start3A_202 = tpu.memref_squeeze %dma_start3A_201 : memref<1x200xi32, #tpu.memory_space<vmem>> -> memref<200xi32, #tpu.memory_space<vmem>>
    %dma_start3A_203 = arith.constant 0 : i32
    %dma_start3A_204 = arith.constant 0 : i32
    %dma_start3A_205 = tpu.memref_slice %arg19[%dma_start3A_203, %dma_start3A_204] : memref<10000x40xf32, #tpu.memory_space<vmem_shared>> -> memref<10000x40xf32, #tpu.memory_space<vmem_shared>>
    tpu.enqueue_indirect_dma source(%arg17 : memref<200x40xf32, #tpu.memory_space<vmem>>) target(%dma_start3A_205 : memref<10000x40xf32, #tpu.memory_space<vmem_shared>>) offsets(%dma_start3A_202 : memref<200xi32, #tpu.memory_space<vmem>>) semaphore(%arg38 : memref<!tpu.dma_semaphore, #tpu.memory_space<semaphore_mem>>) {add = true}
    %dma_wait3A_206 = arith.constant 49 : i32
    %dma_wait3A_207 = arith.constant 0 : i32
    %dma_wait3A_208 = tpu.memref_slice %arg7[%dma_wait3A_206, %dma_wait3A_207] : memref<50x200xi32, #tpu.memory_space<vmem>> -> memref<1x200xi32, #tpu.memory_space<vmem>>
    %dma_wait3A_209 = tpu.memref_squeeze %dma_wait3A_208 : memref<1x200xi32, #tpu.memory_space<vmem>> -> memref<200xi32, #tpu.memory_space<vmem>>
    %dma_wait3A_210 = arith.constant 0 : i32
    %dma_wait3A_211 = arith.constant 0 : i32
    %dma_wait3A_212 = tpu.memref_slice %arg2[%dma_wait3A_210, %dma_wait3A_211] : memref<10000x40xf32, #tpu.memory_space<hbm>> -> memref<10000x40xf32, #tpu.memory_space<hbm>>
    tpu.wait_indirect_dma semaphore(%arg29 : memref<!tpu.dma_semaphore, #tpu.memory_space<semaphore_mem>>) src(%dma_wait3A_212 : memref<10000x40xf32, #tpu.memory_space<hbm>>) dst(%arg18 : memref<200x40xf32, #tpu.memory_space<vmem>>)
    %dma_start3A_213 = arith.constant 49 : i32
    %dma_start3A_214 = arith.constant 0 : i32
    %dma_start3A_215 = tpu.memref_slice %arg8[%dma_start3A_213, %dma_start3A_214] : memref<50x200xi32, #tpu.memory_space<vmem>> -> memref<1x200xi32, #tpu.memory_space<vmem>>
    %dma_start3A_216 = tpu.memref_squeeze %dma_start3A_215 : memref<1x200xi32, #tpu.memory_space<vmem>> -> memref<200xi32, #tpu.memory_space<vmem>>
    %dma_start3A_217 = arith.constant 0 : i32
    %dma_start3A_218 = arith.constant 0 : i32
    %dma_start3A_219 = tpu.memref_slice %arg19[%dma_start3A_217, %dma_start3A_218] : memref<10000x40xf32, #tpu.memory_space<vmem_shared>> -> memref<10000x40xf32, #tpu.memory_space<vmem_shared>>
    tpu.enqueue_indirect_dma source(%arg18 : memref<200x40xf32, #tpu.memory_space<vmem>>) target(%dma_start3A_219 : memref<10000x40xf32, #tpu.memory_space<vmem_shared>>) offsets(%dma_start3A_216 : memref<200xi32, #tpu.memory_space<vmem>>) semaphore(%arg39 : memref<!tpu.dma_semaphore, #tpu.memory_space<semaphore_mem>>) {add = true}
    %dma_wait3A_220 = arith.constant 40 : i32
    %dma_wait3A_221 = arith.constant 0 : i32
    %dma_wait3A_222 = tpu.memref_slice %arg8[%dma_wait3A_220, %dma_wait3A_221] : memref<50x200xi32, #tpu.memory_space<vmem>> -> memref<1x200xi32, #tpu.memory_space<vmem>>
    %dma_wait3A_223 = tpu.memref_squeeze %dma_wait3A_222 : memref<1x200xi32, #tpu.memory_space<vmem>> -> memref<200xi32, #tpu.memory_space<vmem>>
    %dma_wait3A_224 = arith.constant 0 : i32
    %dma_wait3A_225 = arith.constant 0 : i32
    %dma_wait3A_226 = tpu.memref_slice %arg19[%dma_wait3A_224, %dma_wait3A_225] : memref<10000x40xf32, #tpu.memory_space<vmem_shared>> -> memref<10000x40xf32, #tpu.memory_space<vmem_shared>>
    tpu.wait_indirect_dma semaphore(%arg30 : memref<!tpu.dma_semaphore, #tpu.memory_space<semaphore_mem>>) src(%arg9 : memref<200x40xf32, #tpu.memory_space<vmem>>) dst(%dma_wait3A_226 : memref<10000x40xf32, #tpu.memory_space<vmem_shared>>)
    %dma_wait3A_227 = arith.constant 41 : i32
    %dma_wait3A_228 = arith.constant 0 : i32
    %dma_wait3A_229 = tpu.memref_slice %arg8[%dma_wait3A_227, %dma_wait3A_228] : memref<50x200xi32, #tpu.memory_space<vmem>> -> memref<1x200xi32, #tpu.memory_space<vmem>>
    %dma_wait3A_230 = tpu.memref_squeeze %dma_wait3A_229 : memref<1x200xi32, #tpu.memory_space<vmem>> -> memref<200xi32, #tpu.memory_space<vmem>>
    %dma_wait3A_231 = arith.constant 0 : i32
    %dma_wait3A_232 = arith.constant 0 : i32
    %dma_wait3A_233 = tpu.memref_slice %arg19[%dma_wait3A_231, %dma_wait3A_232] : memref<10000x40xf32, #tpu.memory_space<vmem_shared>> -> memref<10000x40xf32, #tpu.memory_space<vmem_shared>>
    tpu.wait_indirect_dma semaphore(%arg31 : memref<!tpu.dma_semaphore, #tpu.memory_space<semaphore_mem>>) src(%arg10 : memref<200x40xf32, #tpu.memory_space<vmem>>) dst(%dma_wait3A_233 : memref<10000x40xf32, #tpu.memory_space<vmem_shared>>)
    %dma_wait3A_234 = arith.constant 42 : i32
    %dma_wait3A_235 = arith.constant 0 : i32
    %dma_wait3A_236 = tpu.memref_slice %arg8[%dma_wait3A_234, %dma_wait3A_235] : memref<50x200xi32, #tpu.memory_space<vmem>> -> memref<1x200xi32, #tpu.memory_space<vmem>>
    %dma_wait3A_237 = tpu.memref_squeeze %dma_wait3A_236 : memref<1x200xi32, #tpu.memory_space<vmem>> -> memref<200xi32, #tpu.memory_space<vmem>>
    %dma_wait3A_238 = arith.constant 0 : i32
    %dma_wait3A_239 = arith.constant 0 : i32
    %dma_wait3A_240 = tpu.memref_slice %arg19[%dma_wait3A_238, %dma_wait3A_239] : memref<10000x40xf32, #tpu.memory_space<vmem_shared>> -> memref<10000x40xf32, #tpu.memory_space<vmem_shared>>
    tpu.wait_indirect_dma semaphore(%arg32 : memref<!tpu.dma_semaphore, #tpu.memory_space<semaphore_mem>>) src(%arg11 : memref<200x40xf32, #tpu.memory_space<vmem>>) dst(%dma_wait3A_240 : memref<10000x40xf32, #tpu.memory_space<vmem_shared>>)
    %dma_wait3A_241 = arith.constant 43 : i32
    %dma_wait3A_242 = arith.constant 0 : i32
    %dma_wait3A_243 = tpu.memref_slice %arg8[%dma_wait3A_241, %dma_wait3A_242] : memref<50x200xi32, #tpu.memory_space<vmem>> -> memref<1x200xi32, #tpu.memory_space<vmem>>
    %dma_wait3A_244 = tpu.memref_squeeze %dma_wait3A_243 : memref<1x200xi32, #tpu.memory_space<vmem>> -> memref<200xi32, #tpu.memory_space<vmem>>
    %dma_wait3A_245 = arith.constant 0 : i32
    %dma_wait3A_246 = arith.constant 0 : i32
    %dma_wait3A_247 = tpu.memref_slice %arg19[%dma_wait3A_245, %dma_wait3A_246] : memref<10000x40xf32, #tpu.memory_space<vmem_shared>> -> memref<10000x40xf32, #tpu.memory_space<vmem_shared>>
    tpu.wait_indirect_dma semaphore(%arg33 : memref<!tpu.dma_semaphore, #tpu.memory_space<semaphore_mem>>) src(%arg12 : memref<200x40xf32, #tpu.memory_space<vmem>>) dst(%dma_wait3A_247 : memref<10000x40xf32, #tpu.memory_space<vmem_shared>>)
    %dma_wait3A_248 = arith.constant 44 : i32
    %dma_wait3A_249 = arith.constant 0 : i32
    %dma_wait3A_250 = tpu.memref_slice %arg8[%dma_wait3A_248, %dma_wait3A_249] : memref<50x200xi32, #tpu.memory_space<vmem>> -> memref<1x200xi32, #tpu.memory_space<vmem>>
    %dma_wait3A_251 = tpu.memref_squeeze %dma_wait3A_250 : memref<1x200xi32, #tpu.memory_space<vmem>> -> memref<200xi32, #tpu.memory_space<vmem>>
    %dma_wait3A_252 = arith.constant 0 : i32
    %dma_wait3A_253 = arith.constant 0 : i32
    %dma_wait3A_254 = tpu.memref_slice %arg19[%dma_wait3A_252, %dma_wait3A_253] : memref<10000x40xf32, #tpu.memory_space<vmem_shared>> -> memref<10000x40xf32, #tpu.memory_space<vmem_shared>>
    tpu.wait_indirect_dma semaphore(%arg34 : memref<!tpu.dma_semaphore, #tpu.memory_space<semaphore_mem>>) src(%arg13 : memref<200x40xf32, #tpu.memory_space<vmem>>) dst(%dma_wait3A_254 : memref<10000x40xf32, #tpu.memory_space<vmem_shared>>)
    %dma_wait3A_255 = arith.constant 45 : i32
    %dma_wait3A_256 = arith.constant 0 : i32
    %dma_wait3A_257 = tpu.memref_slice %arg8[%dma_wait3A_255, %dma_wait3A_256] : memref<50x200xi32, #tpu.memory_space<vmem>> -> memref<1x200xi32, #tpu.memory_space<vmem>>
    %dma_wait3A_258 = tpu.memref_squeeze %dma_wait3A_257 : memref<1x200xi32, #tpu.memory_space<vmem>> -> memref<200xi32, #tpu.memory_space<vmem>>
    %dma_wait3A_259 = arith.constant 0 : i32
    %dma_wait3A_260 = arith.constant 0 : i32
    %dma_wait3A_261 = tpu.memref_slice %arg19[%dma_wait3A_259, %dma_wait3A_260] : memref<10000x40xf32, #tpu.memory_space<vmem_shared>> -> memref<10000x40xf32, #tpu.memory_space<vmem_shared>>
    tpu.wait_indirect_dma semaphore(%arg35 : memref<!tpu.dma_semaphore, #tpu.memory_space<semaphore_mem>>) src(%arg14 : memref<200x40xf32, #tpu.memory_space<vmem>>) dst(%dma_wait3A_261 : memref<10000x40xf32, #tpu.memory_space<vmem_shared>>)
    %dma_wait3A_262 = arith.constant 46 : i32
    %dma_wait3A_263 = arith.constant 0 : i32
    %dma_wait3A_264 = tpu.memref_slice %arg8[%dma_wait3A_262, %dma_wait3A_263] : memref<50x200xi32, #tpu.memory_space<vmem>> -> memref<1x200xi32, #tpu.memory_space<vmem>>
    %dma_wait3A_265 = tpu.memref_squeeze %dma_wait3A_264 : memref<1x200xi32, #tpu.memory_space<vmem>> -> memref<200xi32, #tpu.memory_space<vmem>>
    %dma_wait3A_266 = arith.constant 0 : i32
    %dma_wait3A_267 = arith.constant 0 : i32
    %dma_wait3A_268 = tpu.memref_slice %arg19[%dma_wait3A_266, %dma_wait3A_267] : memref<10000x40xf32, #tpu.memory_space<vmem_shared>> -> memref<10000x40xf32, #tpu.memory_space<vmem_shared>>
    tpu.wait_indirect_dma semaphore(%arg36 : memref<!tpu.dma_semaphore, #tpu.memory_space<semaphore_mem>>) src(%arg15 : memref<200x40xf32, #tpu.memory_space<vmem>>) dst(%dma_wait3A_268 : memref<10000x40xf32, #tpu.memory_space<vmem_shared>>)
    %dma_wait3A_269 = arith.constant 47 : i32
    %dma_wait3A_270 = arith.constant 0 : i32
    %dma_wait3A_271 = tpu.memref_slice %arg8[%dma_wait3A_269, %dma_wait3A_270] : memref<50x200xi32, #tpu.memory_space<vmem>> -> memref<1x200xi32, #tpu.memory_space<vmem>>
    %dma_wait3A_272 = tpu.memref_squeeze %dma_wait3A_271 : memref<1x200xi32, #tpu.memory_space<vmem>> -> memref<200xi32, #tpu.memory_space<vmem>>
    %dma_wait3A_273 = arith.constant 0 : i32
    %dma_wait3A_274 = arith.constant 0 : i32
    %dma_wait3A_275 = tpu.memref_slice %arg19[%dma_wait3A_273, %dma_wait3A_274] : memref<10000x40xf32, #tpu.memory_space<vmem_shared>> -> memref<10000x40xf32, #tpu.memory_space<vmem_shared>>
    tpu.wait_indirect_dma semaphore(%arg37 : memref<!tpu.dma_semaphore, #tpu.memory_space<semaphore_mem>>) src(%arg16 : memref<200x40xf32, #tpu.memory_space<vmem>>) dst(%dma_wait3A_275 : memref<10000x40xf32, #tpu.memory_space<vmem_shared>>)
    %dma_wait3A_276 = arith.constant 48 : i32
    %dma_wait3A_277 = arith.constant 0 : i32
    %dma_wait3A_278 = tpu.memref_slice %arg8[%dma_wait3A_276, %dma_wait3A_277] : memref<50x200xi32, #tpu.memory_space<vmem>> -> memref<1x200xi32, #tpu.memory_space<vmem>>
    %dma_wait3A_279 = tpu.memref_squeeze %dma_wait3A_278 : memref<1x200xi32, #tpu.memory_space<vmem>> -> memref<200xi32, #tpu.memory_space<vmem>>
    %dma_wait3A_280 = arith.constant 0 : i32
    %dma_wait3A_281 = arith.constant 0 : i32
    %dma_wait3A_282 = tpu.memref_slice %arg19[%dma_wait3A_280, %dma_wait3A_281] : memref<10000x40xf32, #tpu.memory_space<vmem_shared>> -> memref<10000x40xf32, #tpu.memory_space<vmem_shared>>
    tpu.wait_indirect_dma semaphore(%arg38 : memref<!tpu.dma_semaphore, #tpu.memory_space<semaphore_mem>>) src(%arg17 : memref<200x40xf32, #tpu.memory_space<vmem>>) dst(%dma_wait3A_282 : memref<10000x40xf32, #tpu.memory_space<vmem_shared>>)
    %dma_wait3A_283 = arith.constant 49 : i32
    %dma_wait3A_284 = arith.constant 0 : i32
    %dma_wait3A_285 = tpu.memref_slice %arg8[%dma_wait3A_283, %dma_wait3A_284] : memref<50x200xi32, #tpu.memory_space<vmem>> -> memref<1x200xi32, #tpu.memory_space<vmem>>
    %dma_wait3A_286 = tpu.memref_squeeze %dma_wait3A_285 : memref<1x200xi32, #tpu.memory_space<vmem>> -> memref<200xi32, #tpu.memory_space<vmem>>
    %dma_wait3A_287 = arith.constant 0 : i32
    %dma_wait3A_288 = arith.constant 0 : i32
    %dma_wait3A_289 = tpu.memref_slice %arg19[%dma_wait3A_287, %dma_wait3A_288] : memref<10000x40xf32, #tpu.memory_space<vmem_shared>> -> memref<10000x40xf32, #tpu.memory_space<vmem_shared>>
    tpu.wait_indirect_dma semaphore(%arg39 : memref<!tpu.dma_semaphore, #tpu.memory_space<semaphore_mem>>) src(%arg18 : memref<200x40xf32, #tpu.memory_space<vmem>>) dst(%dma_wait3A_289 : memref<10000x40xf32, #tpu.memory_space<vmem_shared>>)
    %barrier3A_290 = arith.constant 0 : index
    tpu.barrier barrier_id(%barrier3A_290)
    %mul3A_291 = arith.constant 625 : i32
    %mul3A_292 = arith.muli %arg1, %mul3A_291 : i32
    %mul3A_293 = arith.constant 625 : i32
    %mul3A_294 = arith.muli %arg1, %mul3A_293 : i32
    "tpu.region"() ({
      %run_scoped3A = tpu.sem_alloc : memref<!tpu.dma_semaphore, #tpu.memory_space<semaphore_mem>>
      %dma_start3A_295 = arith.constant 0 : i32
      %dma_start3A_296 = tpu.memref_slice %arg6[%arg0, %mul3A_294, %dma_start3A_295] : memref<2x10000x40xf32, #tpu.memory_space<hbm>> -> memref<1x625x40xf32, #tpu.memory_space<hbm>>
      %dma_start3A_297 = tpu.memref_squeeze %dma_start3A_296 : memref<1x625x40xf32, #tpu.memory_space<hbm>> -> memref<625x40xf32, #tpu.memory_space<hbm>>
      %dma_start3A_298 = arith.constant 0 : i32
      %dma_start3A_299 = tpu.memref_slice %arg19[%mul3A_292, %dma_start3A_298] : memref<10000x40xf32, #tpu.memory_space<vmem_shared>> -> memref<625x40xf32, #tpu.memory_space<vmem_shared>>
      tpu.enqueue_dma source(%dma_start3A_299 : memref<625x40xf32, #tpu.memory_space<vmem_shared>>) target(%dma_start3A_297 : memref<625x40xf32, #tpu.memory_space<hbm>>) target_semaphore(%run_scoped3A : memref<!tpu.dma_semaphore, #tpu.memory_space<semaphore_mem>>)
      %dma_wait3A_300 = arith.constant 0 : i32
      %dma_wait3A_301 = tpu.memref_slice %arg6[%arg0, %mul3A_294, %dma_wait3A_300] : memref<2x10000x40xf32, #tpu.memory_space<hbm>> -> memref<1x625x40xf32, #tpu.memory_space<hbm>>
      %dma_wait3A_302 = tpu.memref_squeeze %dma_wait3A_301 : memref<1x625x40xf32, #tpu.memory_space<hbm>> -> memref<625x40xf32, #tpu.memory_space<hbm>>
      %dma_wait3A_303 = arith.constant 0 : i32
      %dma_wait3A_304 = tpu.memref_slice %arg19[%mul3A_292, %dma_wait3A_303] : memref<10000x40xf32, #tpu.memory_space<vmem_shared>> -> memref<625x40xf32, #tpu.memory_space<vmem_shared>>
      tpu.wait_dma2 semaphore(%run_scoped3A : memref<!tpu.dma_semaphore, #tpu.memory_space<semaphore_mem>>) src(%dma_wait3A_304 : memref<625x40xf32, #tpu.memory_space<vmem_shared>>) dst(%dma_wait3A_302 : memref<625x40xf32, #tpu.memory_space<hbm>>)
      tpu.yield
    }) : () -> ()
    return
  }
}

module attributes {stable_mosaic.version = 14 : i64} {
  func.func @_pre_body(%arg0: i32, %arg1: memref<5000x128xf32, #tpu.memory_space<vmem>>, %arg2: memref<128x32xf32, #tpu.memory_space<vmem>>, %arg3: memref<128x32xf32, #tpu.memory_space<vmem>>, %arg4: memref<5000x40xf32, #tpu.memory_space<vmem>>, %arg5: memref<5000x32xf32, #tpu.memory_space<vmem>>) attributes {dimension_semantics = [#tpu.dimension_semantics<arbitrary>], iteration_bounds = array<i64: 2>, scalar_prefetch = 0 : i64, scratch_operands = 0 : i64, tpu.core_type = #tpu.core_type<tc>, window_params = [{transform_indices = @transform_0, window_bounds = array<i64: 5000, 128>}, {pipeline_mode = #tpu.pipeline_mode<synchronous>, transform_indices = @transform_1, window_bounds = array<i64: 128, 32>}, {pipeline_mode = #tpu.pipeline_mode<synchronous>, transform_indices = @transform_2, window_bounds = array<i64: 128, 32>}, {transform_indices = @transform_3, window_bounds = array<i64: 5000, 40>}, {transform_indices = @transform_4, window_bounds = array<i64: 5000, 32>}]} {
    %get3A = arith.constant 0 : index
    %get3A_0 = arith.constant 0 : index
    %get3A_1 = vector.load %arg1[%get3A, %get3A_0] : memref<5000x128xf32, #tpu.memory_space<vmem>>, vector<5000x128xf32>
    %get3A_2 = arith.constant 0 : index
    %get3A_3 = arith.constant 0 : index
    %get3A_4 = vector.load %arg2[%get3A_2, %get3A_3] : memref<128x32xf32, #tpu.memory_space<vmem>>, vector<128x32xf32>
    %dot_general3A = arith.constant dense<0.000000e+00> : vector<5000x32xf32>
    %dot_general3A_5 = tpu.matmul %get3A_1, %get3A_4, %dot_general3A {dimension_numbers = #tpu.dot_dimension_numbers<[1], [0], [0], [1], [0, 0, 1, 1], [], []>, transpose_lhs_hint = false} : vector<5000x128xf32>, vector<128x32xf32>, vector<5000x32xf32> -> vector<5000x32xf32>
    %get3A_6 = arith.constant 0 : index
    %get3A_7 = arith.constant 0 : index
    %get3A_8 = vector.load %arg3[%get3A_6, %get3A_7] : memref<128x32xf32, #tpu.memory_space<vmem>>, vector<128x32xf32>
    %dot_general3A_9 = arith.constant dense<0.000000e+00> : vector<5000x32xf32>
    %dot_general3A_10 = tpu.matmul %get3A_1, %get3A_8, %dot_general3A_9 {dimension_numbers = #tpu.dot_dimension_numbers<[1], [0], [0], [1], [0, 0, 1, 1], [], []>, transpose_lhs_hint = false} : vector<5000x128xf32>, vector<128x32xf32>, vector<5000x32xf32> -> vector<5000x32xf32>
    %broadcast_in_dim3A = arith.constant 1.000000e+00 : f32
    %broadcast_in_dim3A_11 = vector.broadcast %broadcast_in_dim3A : f32 to vector<5000x1xf32>
    %broadcast_in_dim3A_12 = arith.constant 0.000000e+00 : f32
    %broadcast_in_dim3A_13 = vector.broadcast %broadcast_in_dim3A_12 : f32 to vector<5000x7xf32>
    %concatenate3A = tpu.concatenate %dot_general3A_5, %broadcast_in_dim3A_11, %broadcast_in_dim3A_13 in 1 : vector<5000x32xf32>, vector<5000x1xf32>, vector<5000x7xf32> -> vector<5000x40xf32>
    %swap3A = arith.constant 0 : index
    %swap3A_14 = arith.constant 0 : index
    %swap3A_15 = vector.load %arg4[%swap3A, %swap3A_14] : memref<5000x40xf32, #tpu.memory_space<vmem>>, vector<5000x40xf32>
    tpu.vector_store %arg4[%swap3A, %swap3A_14], %concatenate3A {strides = array<i32>} : memref<5000x40xf32, #tpu.memory_space<vmem>>, vector<5000x40xf32>,
    %swap3A_16 = arith.constant 0 : index
    %swap3A_17 = arith.constant 0 : index
    %swap3A_18 = vector.load %arg5[%swap3A_16, %swap3A_17] : memref<5000x32xf32, #tpu.memory_space<vmem>>, vector<5000x32xf32>
    tpu.vector_store %arg5[%swap3A_16, %swap3A_17], %dot_general3A_10 {strides = array<i32>} : memref<5000x32xf32, #tpu.memory_space<vmem>>, vector<5000x32xf32>,
    return
  }
  func.func @transform_0(%arg0: i32) -> (i32, i32) {
    %c0_i32 = arith.constant 0 : i32
    %c0_i32_0 = arith.constant 0 : i32
    return %arg0, %c0_i32 : i32, i32
  }
  func.func @transform_1(%arg0: i32) -> (i32, i32) {
    %c0_i32 = arith.constant 0 : i32
    %c0_i32_0 = arith.constant 0 : i32
    %c0_i32_1 = arith.constant 0 : i32
    return %c0_i32, %c0_i32_0 : i32, i32
  }
  func.func @transform_2(%arg0: i32) -> (i32, i32) {
    %c0_i32 = arith.constant 0 : i32
    %c0_i32_0 = arith.constant 0 : i32
    %c0_i32_1 = arith.constant 0 : i32
    return %c0_i32, %c0_i32_0 : i32, i32
  }
  func.func @transform_3(%arg0: i32) -> (i32, i32) {
    %c0_i32 = arith.constant 0 : i32
    %c0_i32_0 = arith.constant 0 : i32
    return %arg0, %c0_i32 : i32, i32
  }
  func.func @transform_4(%arg0: i32) -> (i32, i32) {
    %c0_i32 = arith.constant 0 : i32
    %c0_i32_0 = arith.constant 0 : i32
    return %arg0, %c0_i32 : i32, i32
  }
}

module attributes {stable_mosaic.version = 14 : i64} {
  func.func @_mid_body(%arg0: i32, %arg1: memref<2x5000x40xf32, #tpu.memory_space<vmem>>, %arg2: memref<5000x32xf32, #tpu.memory_space<vmem>>, %arg3: memref<8x32xf32, #tpu.memory_space<vmem>>, %arg4: memref<32x32xf32, #tpu.memory_space<vmem>>, %arg5: memref<32x32xf32, #tpu.memory_space<vmem>>, %arg6: memref<5000x32xf32, #tpu.memory_space<vmem>>, %arg7: memref<5000x40xf32, #tpu.memory_space<vmem>>) attributes {dimension_semantics = [#tpu.dimension_semantics<arbitrary>], iteration_bounds = array<i64: 2>, scalar_prefetch = 0 : i64, scratch_operands = 0 : i64, tpu.core_type = #tpu.core_type<tc>, window_params = [{transform_indices = @transform_0, window_bounds = array<i64: 2, 5000, 40>}, {transform_indices = @transform_1, window_bounds = array<i64: 5000, 32>}, {pipeline_mode = #tpu.pipeline_mode<synchronous>, transform_indices = @transform_2, window_bounds = array<i64: 8, 32>}, {pipeline_mode = #tpu.pipeline_mode<synchronous>, transform_indices = @transform_3, window_bounds = array<i64: 32, 32>}, {pipeline_mode = #tpu.pipeline_mode<synchronous>, transform_indices = @transform_4, window_bounds = array<i64: 32, 32>}, {transform_indices = @transform_5, window_bounds = array<i64: 5000, 32>}, {transform_indices = @transform_6, window_bounds = array<i64: 5000, 40>}]} {
    %get3A = arith.constant 0 : index
    %get3A_0 = arith.constant 0 : index
    %get3A_1 = arith.constant 0 : index
    %get3A_2 = vector.load %arg1[%get3A, %get3A_0, %get3A_1] : memref<2x5000x40xf32, #tpu.memory_space<vmem>>, vector<1x5000x40xf32>
    %get3A_3 = vector.shape_cast %get3A_2 : vector<1x5000x40xf32> to vector<5000x40xf32>
    %get3A_4 = arith.constant 1 : index
    %get3A_5 = arith.constant 0 : index
    %get3A_6 = arith.constant 0 : index
    %get3A_7 = vector.load %arg1[%get3A_4, %get3A_5, %get3A_6] : memref<2x5000x40xf32, #tpu.memory_space<vmem>>, vector<1x5000x40xf32>
    %get3A_8 = vector.shape_cast %get3A_7 : vector<1x5000x40xf32> to vector<5000x40xf32>
    %add3A = arith.addf %get3A_3, %get3A_8 : vector<5000x40xf32>
    %slice3A = vector.extract_strided_slice %add3A {offsets = [0, 32], sizes = [5000, 1], strides = [1, 1]} : vector<5000x40xf32> to vector<5000x1xf32>
    %slice3A_9 = vector.extract_strided_slice %add3A {offsets = [0, 0], sizes = [5000, 32], strides = [1, 1]} : vector<5000x40xf32> to vector<5000x32xf32>
    %get3A_10 = arith.constant 0 : index
    %get3A_11 = arith.constant 0 : index
    %get3A_12 = vector.load %arg2[%get3A_10, %get3A_11] : memref<5000x32xf32, #tpu.memory_space<vmem>>, vector<5000x32xf32>
    %get3A_13 = arith.constant 0 : index
    %get3A_14 = arith.constant 0 : index
    %get3A_15 = vector.load %arg3[%get3A_13, %get3A_14] : memref<8x32xf32, #tpu.memory_space<vmem>>, vector<1x32xf32>
    %max3A = arith.constant 1.000000e+00 : f32
    %max3A_16 = vector.broadcast %max3A : f32 to vector<5000x1xf32>
    %max3A_17 = arith.maximumf %slice3A, %max3A_16 : vector<5000x1xf32>
    %div3A = vector.broadcast %max3A_17 : vector<5000x1xf32> to vector<5000x32xf32>
    %div3A_18 = arith.divf %slice3A_9, %div3A : vector<5000x32xf32>
    %add3A_19 = vector.broadcast %get3A_15 : vector<1x32xf32> to vector<5000x32xf32>
    %add3A_20 = arith.addf %div3A_18, %add3A_19 : vector<5000x32xf32>
    %add3A_21 = arith.addf %add3A_20, %get3A_12 : vector<5000x32xf32>
    %mul3A = arith.mulf %add3A_21, %add3A_21 : vector<5000x32xf32>
    %reduce_sum3A = arith.constant dense<0.000000e+00> : vector<5000xf32>
    %reduce_sum3A_22 = vector.multi_reduction <add>, %mul3A, %reduce_sum3A [1] : vector<5000x32xf32> to vector<5000xf32>
    %broadcast_in_dim3A = vector.shape_cast %reduce_sum3A_22 : vector<5000xf32> to vector<5000x1xf32>
    %sqrt3A = math.sqrt %broadcast_in_dim3A : vector<5000x1xf32>
    %max3A_23 = arith.constant 9.99999996E-13 : f32
    %max3A_24 = vector.broadcast %max3A_23 : f32 to vector<5000x1xf32>
    %max3A_25 = arith.maximumf %sqrt3A, %max3A_24 : vector<5000x1xf32>
    %div3A_26 = vector.broadcast %max3A_25 : vector<5000x1xf32> to vector<5000x32xf32>
    %div3A_27 = arith.divf %add3A_21, %div3A_26 : vector<5000x32xf32>
    %max3A_28 = arith.constant 0.000000e+00 : f32
    %max3A_29 = vector.broadcast %max3A_28 : f32 to vector<5000x32xf32>
    %max3A_30 = arith.maximumf %div3A_27, %max3A_29 : vector<5000x32xf32>
    %get3A_31 = arith.constant 0 : index
    %get3A_32 = arith.constant 0 : index
    %get3A_33 = vector.load %arg4[%get3A_31, %get3A_32] : memref<32x32xf32, #tpu.memory_space<vmem>>, vector<32x32xf32>
    %dot_general3A = arith.constant dense<0.000000e+00> : vector<5000x32xf32>
    %dot_general3A_34 = tpu.matmul %max3A_30, %get3A_33, %dot_general3A {dimension_numbers = #tpu.dot_dimension_numbers<[1], [0], [0], [1], [0, 0, 1, 1], [], []>, transpose_lhs_hint = false} : vector<5000x32xf32>, vector<32x32xf32>, vector<5000x32xf32> -> vector<5000x32xf32>
    %get3A_35 = arith.constant 0 : index
    %get3A_36 = arith.constant 0 : index
    %get3A_37 = vector.load %arg5[%get3A_35, %get3A_36] : memref<32x32xf32, #tpu.memory_space<vmem>>, vector<32x32xf32>
    %dot_general3A_38 = arith.constant dense<0.000000e+00> : vector<5000x32xf32>
    %dot_general3A_39 = tpu.matmul %max3A_30, %get3A_37, %dot_general3A_38 {dimension_numbers = #tpu.dot_dimension_numbers<[1], [0], [0], [1], [0, 0, 1, 1], [], []>, transpose_lhs_hint = false} : vector<5000x32xf32>, vector<32x32xf32>, vector<5000x32xf32> -> vector<5000x32xf32>
    %broadcast_in_dim3A_40 = arith.constant 0.000000e+00 : f32
    %broadcast_in_dim3A_41 = vector.broadcast %broadcast_in_dim3A_40 : f32 to vector<5000x7xf32>
    %swap3A = arith.constant 0 : index
    %swap3A_42 = arith.constant 0 : index
    %swap3A_43 = vector.load %arg6[%swap3A, %swap3A_42] : memref<5000x32xf32, #tpu.memory_space<vmem>>, vector<5000x32xf32>
    tpu.vector_store %arg6[%swap3A, %swap3A_42], %dot_general3A_34 {strides = array<i32>} : memref<5000x32xf32, #tpu.memory_space<vmem>>, vector<5000x32xf32>,
    %concatenate3A = tpu.concatenate %dot_general3A_39, %slice3A, %broadcast_in_dim3A_41 in 1 : vector<5000x32xf32>, vector<5000x1xf32>, vector<5000x7xf32> -> vector<5000x40xf32>
    %swap3A_44 = arith.constant 0 : index
    %swap3A_45 = arith.constant 0 : index
    %swap3A_46 = vector.load %arg7[%swap3A_44, %swap3A_45] : memref<5000x40xf32, #tpu.memory_space<vmem>>, vector<5000x40xf32>
    tpu.vector_store %arg7[%swap3A_44, %swap3A_45], %concatenate3A {strides = array<i32>} : memref<5000x40xf32, #tpu.memory_space<vmem>>, vector<5000x40xf32>,
    return
  }
  func.func @transform_0(%arg0: i32) -> (i32, i32, i32) {
    %c0_i32 = arith.constant 0 : i32
    %c0_i32_0 = arith.constant 0 : i32
    %c0_i32_1 = arith.constant 0 : i32
    return %c0_i32, %arg0, %c0_i32_0 : i32, i32, i32
  }
  func.func @transform_1(%arg0: i32) -> (i32, i32) {
    %c0_i32 = arith.constant 0 : i32
    %c0_i32_0 = arith.constant 0 : i32
    return %arg0, %c0_i32 : i32, i32
  }
  func.func @transform_2(%arg0: i32) -> (i32, i32) {
    %c0_i32 = arith.constant 0 : i32
    %c0_i32_0 = arith.constant 0 : i32
    %c0_i32_1 = arith.constant 0 : i32
    return %c0_i32, %c0_i32_0 : i32, i32
  }
  func.func @transform_3(%arg0: i32) -> (i32, i32) {
    %c0_i32 = arith.constant 0 : i32
    %c0_i32_0 = arith.constant 0 : i32
    %c0_i32_1 = arith.constant 0 : i32
    return %c0_i32, %c0_i32_0 : i32, i32
  }
  func.func @transform_4(%arg0: i32) -> (i32, i32) {
    %c0_i32 = arith.constant 0 : i32
    %c0_i32_0 = arith.constant 0 : i32
    %c0_i32_1 = arith.constant 0 : i32
    return %c0_i32, %c0_i32_0 : i32, i32
  }
  func.func @transform_5(%arg0: i32) -> (i32, i32) {
    %c0_i32 = arith.constant 0 : i32
    %c0_i32_0 = arith.constant 0 : i32
    return %arg0, %c0_i32 : i32, i32
  }
  func.func @transform_6(%arg0: i32) -> (i32, i32) {
    %c0_i32 = arith.constant 0 : i32
    %c0_i32_0 = arith.constant 0 : i32
    return %arg0, %c0_i32 : i32, i32
  }
}

module attributes {stable_mosaic.version = 14 : i64} {
  func.func @_post_body(%arg0: i32, %arg1: memref<2x5000x32xf32, #tpu.memory_space<vmem>>, %arg2: memref<5000x40xf32, #tpu.memory_space<vmem>>, %arg3: memref<8x32xf32, #tpu.memory_space<vmem>>, %arg4: memref<5000x32xf32, #tpu.memory_space<vmem>>) attributes {dimension_semantics = [#tpu.dimension_semantics<arbitrary>], iteration_bounds = array<i64: 2>, scalar_prefetch = 0 : i64, scratch_operands = 0 : i64, tpu.core_type = #tpu.core_type<tc>, window_params = [{transform_indices = @transform_0, window_bounds = array<i64: 2, 5000, 32>}, {transform_indices = @transform_1, window_bounds = array<i64: 5000, 40>}, {pipeline_mode = #tpu.pipeline_mode<synchronous>, transform_indices = @transform_2, window_bounds = array<i64: 8, 32>}, {transform_indices = @transform_3, window_bounds = array<i64: 5000, 32>}]} {
    %get3A = arith.constant 0 : index
    %get3A_0 = arith.constant 0 : index
    %get3A_1 = arith.constant 0 : index
    %get3A_2 = vector.load %arg1[%get3A, %get3A_0, %get3A_1] : memref<2x5000x32xf32, #tpu.memory_space<vmem>>, vector<1x5000x32xf32>
    %get3A_3 = vector.shape_cast %get3A_2 : vector<1x5000x32xf32> to vector<5000x32xf32>
    %get3A_4 = arith.constant 1 : index
    %get3A_5 = arith.constant 0 : index
    %get3A_6 = arith.constant 0 : index
    %get3A_7 = vector.load %arg1[%get3A_4, %get3A_5, %get3A_6] : memref<2x5000x32xf32, #tpu.memory_space<vmem>>, vector<1x5000x32xf32>
    %get3A_8 = vector.shape_cast %get3A_7 : vector<1x5000x32xf32> to vector<5000x32xf32>
    %add3A = arith.addf %get3A_3, %get3A_8 : vector<5000x32xf32>
    %get3A_9 = arith.constant 0 : index
    %get3A_10 = arith.constant 0 : index
    %get3A_11 = vector.load %arg2[%get3A_9, %get3A_10] : memref<5000x40xf32, #tpu.memory_space<vmem>>, vector<5000x40xf32>
    %slice3A = vector.extract_strided_slice %get3A_11 {offsets = [0, 32], sizes = [5000, 1], strides = [1, 1]} : vector<5000x40xf32> to vector<5000x1xf32>
    %slice3A_12 = vector.extract_strided_slice %get3A_11 {offsets = [0, 0], sizes = [5000, 32], strides = [1, 1]} : vector<5000x40xf32> to vector<5000x32xf32>
    %get3A_13 = arith.constant 0 : index
    %get3A_14 = arith.constant 0 : index
    %get3A_15 = vector.load %arg3[%get3A_13, %get3A_14] : memref<8x32xf32, #tpu.memory_space<vmem>>, vector<1x32xf32>
    %max3A = arith.constant 1.000000e+00 : f32
    %max3A_16 = vector.broadcast %max3A : f32 to vector<5000x1xf32>
    %max3A_17 = arith.maximumf %slice3A, %max3A_16 : vector<5000x1xf32>
    %div3A = vector.broadcast %max3A_17 : vector<5000x1xf32> to vector<5000x32xf32>
    %div3A_18 = arith.divf %add3A, %div3A : vector<5000x32xf32>
    %add3A_19 = vector.broadcast %get3A_15 : vector<1x32xf32> to vector<5000x32xf32>
    %add3A_20 = arith.addf %div3A_18, %add3A_19 : vector<5000x32xf32>
    %add3A_21 = arith.addf %add3A_20, %slice3A_12 : vector<5000x32xf32>
    %mul3A = arith.mulf %add3A_21, %add3A_21 : vector<5000x32xf32>
    %reduce_sum3A = arith.constant dense<0.000000e+00> : vector<5000xf32>
    %reduce_sum3A_22 = vector.multi_reduction <add>, %mul3A, %reduce_sum3A [1] : vector<5000x32xf32> to vector<5000xf32>
    %broadcast_in_dim3A = vector.shape_cast %reduce_sum3A_22 : vector<5000xf32> to vector<5000x1xf32>
    %sqrt3A = math.sqrt %broadcast_in_dim3A : vector<5000x1xf32>
    %max3A_23 = arith.constant 9.99999996E-13 : f32
    %max3A_24 = vector.broadcast %max3A_23 : f32 to vector<5000x1xf32>
    %max3A_25 = arith.maximumf %sqrt3A, %max3A_24 : vector<5000x1xf32>
    %div3A_26 = vector.broadcast %max3A_25 : vector<5000x1xf32> to vector<5000x32xf32>
    %div3A_27 = arith.divf %add3A_21, %div3A_26 : vector<5000x32xf32>
    %swap3A = arith.constant 0 : index
    %swap3A_28 = arith.constant 0 : index
    %swap3A_29 = vector.load %arg4[%swap3A, %swap3A_28] : memref<5000x32xf32, #tpu.memory_space<vmem>>, vector<5000x32xf32>
    tpu.vector_store %arg4[%swap3A, %swap3A_28], %div3A_27 {strides = array<i32>} : memref<5000x32xf32, #tpu.memory_space<vmem>>, vector<5000x32xf32>,
    return
  }
  func.func @transform_0(%arg0: i32) -> (i32, i32, i32) {
    %c0_i32 = arith.constant 0 : i32
    %c0_i32_0 = arith.constant 0 : i32
    %c0_i32_1 = arith.constant 0 : i32
    return %c0_i32, %arg0, %c0_i32_0 : i32, i32, i32
  }
  func.func @transform_1(%arg0: i32) -> (i32, i32) {
    %c0_i32 = arith.constant 0 : i32
    %c0_i32_0 = arith.constant 0 : i32
    return %arg0, %c0_i32 : i32, i32
  }
  func.func @transform_2(%arg0: i32) -> (i32, i32) {
    %c0_i32 = arith.constant 0 : i32
    %c0_i32_0 = arith.constant 0 : i32
    %c0_i32_1 = arith.constant 0 : i32
    return %c0_i32, %c0_i32_0 : i32, i32
  }
  func.func @transform_3(%arg0: i32) -> (i32, i32) {
    %c0_i32 = arith.constant 0 : i32
    %c0_i32_0 = arith.constant 0 : i32
    return %arg0, %c0_i32 : i32, i32
  }
}

</mosaic_0001>

<sc_bundles>
// kernel: kernel.10.cloned.1.call-start
scs
__scs_entry_jumppad:
0x0: {  	(pc) =	sbr.rel $0x88, $3  }
0x1: {  	(tag) =	ssettag $0x0;
	lr =	simm.s32 $0x1  }
0x2: {  	[smem:$0x3F99] =	sst lr;
	_ =	strace $0xD0000000  }
0x3: {  	_ = 	snop  }
0x4: {  	_ = 	snop  }
0x5: {  	_ = 	snop  }
0x6: {  	_ = 	snop  }
0x7: {  	_ = 	snop  }
__scs_overlays_trampoline_lowered:
0x8: {  	[smem:$0x3FA8] =	sst s0  }
0x9: {  	[smem:$0x3FA9] =	sst s1  }
0xa: {  	[smem:$0x3FAA] =	sst s2  }
0xb: {  	[smem:$0x3FAB] =	sst s3  }
0xc: {  	[smem:$0x3FAC] =	sst s4  }
0xd: {  	[smem:$0x3FAD] =	sst s5  }
0xe: {  	[smem:$0x3FAE] =	sst s6  }
0xf: {  	[smem:$0x3FAF] =	sst s7  }
0x10: {  	[smem:$0x3FB0] =	sst s8  }
0x11: {  	[smem:$0x3FB1] =	sst s9;
	s0 =	simm.s32 @!p0 $0x0  }
0x12: {  	s1 =	sld [smem:$0x3F97];
	s0 =	simm.s32 @p0 $0x1  }
0x13: {  	[smem:$0x3FB2] =	sst s0;
	s0 =	simm.s32 @!p1 $0x0  }
0x14: {  	s2 =	sld [smem:$0x3F96];
	s0 =	simm.s32 @p1 $0x1  }
0x15: {  	[smem:$0x3FB3] =	sst s0;
	s0 =	simm.s32 @!p2 $0x0  }
0x16: {  	s3 =	sld [smem:$0x3FDB];
	s0 =	simm.s32 @p2 $0x1  }
0x17: {  	s4 =	simm.s32 $0x1BF5;
	[smem:$0x3FB5] =	sst s0  }
0x18: {  	s0 =	sld [smem:$0x3F98];
	_ =	swait.ge [sflag:s4], $0x0  }
0x19: {  	s7 =	sld [smem:$0x3F99]  }
0x1a: {  	s8 =	sadd.s32 $0xFFFFE003, lr  }
0x1b: {  	s9 =	sadd.s32 $0xFFFFFEF7, lr;
	s5 =	simm.s32 $0xFFFFFFFF;
	p2 =	slt.u32 s8, $0xFFFFF086  }
0x1c: {  	p1 =	slt.u32 s9, $0xF7A;
	s5 =	simm.s32 @!p2 $0x0  }
0x1d: {  	s5 =	simm.s32 @p1 $0x1;
	p0 =	seq.s32 s7, s2  }
0x1e: {  	s7 =	smul.u32 @!p0 $0xF7A, s2;
	p2 =	seq.s32 @!p0 s5, $0x0  }
0x1f: {  	s9 =	smul.u32 $0xF7A, s1;
	s8 =	simm.s32 @!p0 $0x1BF5;
	p2 =	por !p2, p0  }
0x20: {  	[sflag:s8] =	ssyncset.s32 @!p0 $0xFFFFF086;
	s6 =	sadd.s32 @!p0 s3, s7;
	s7 =	simm.s32 @!p0 $0x108  }
0x21: {  	s3 =	sadd.s32 s3, s9;
	s6 =	sadd.s32 @!p0 $0x88, s6;
	s7 =	simm.s32 @p2 $0x1082  }
0x22: {  	[simem:s7], [sflag:s8] =	dma.local @!p0 [hbm:s6], $0xF7A  }
0x23: {  	s9 =	sor.u32 $0xD0000000, s2;
	s6 =	simm.s32 $0x108;
	_ =	swait.ge @!p0 [sflag:s8], $0x0  }
0x24: {  	s3 =	sadd.s32 $0x88, s3;
	s6 =	simm.s32 @!p1 $0x1082;
	[sflag:s4] =	ssyncset.s32 $0xFFFFF086  }
0x25: {  	[simem:s6], [sflag:s4] =	dma.local [hbm:s3], $0xF7A  }
0x26: {  	[smem:$0x3F99] =	sst s1;
	(tag) =	ssettag s2;
	_ =	strace s9  }
0x27: {  	s1 =	sld [smem:$0x3FA9]  }
0x28: {  	s2 =	sld [smem:$0x3FAA]  }
0x29: {  	s4 =	sld [smem:$0x3FAC]  }
0x2a: {  	p0 =	seq.s32 s5, $0x0;
	s5 =	sld [smem:$0x3FAD]  }
0x2b: {  	s6 =	sld [smem:$0x3FAE]  }
0x2c: {  	s7 =	sld [smem:$0x3FAF]  }
0x2d: {  	s3 =	simm.s32 $0x108;
	s8 =	sld [smem:$0x3FB0]  }
0x2e: {  	s3 =	simm.s32 @!p0 $0x1082;
	s9 =	sld [smem:$0x3FB1]  }
0x2f: {  	lr =	sadd.s32 s0, s3;
	s0 =	sld [smem:$0x3FA8]  }
0x30: {  	s3 =	sld [smem:$0x3FAB]  }
0x31: {  	[smem:$0x3FB4] =	sst s10  }
0x32: {  	s10 =	sld [smem:$0x3FB2];
	_ =	sdelay $0x3  }
0x33: {  	p0 =	seq.s32 s10, $0x1;
	s10 =	sld [smem:$0x3FB4];
	_ =	sdelay $0x3  }
0x34: {  	[smem:$0x3FB4] =	sst s10  }
0x35: {  	s10 =	sld [smem:$0x3FB3];
	_ =	sdelay $0x3  }
0x36: {  	p1 =	seq.s32 s10, $0x1;
	s10 =	sld [smem:$0x3FB4];
	_ =	sdelay $0x3  }
0x37: {  	[smem:$0x3FB4] =	sst s10  }
0x38: {  	s10 =	sld [smem:$0x3FB5]  }
0x39: {  	_ = 	snop;
	(pc) =	sbr.ind lr, $3  }
0x3a: {  	_ = 	snop  }
0x3b: {  	_ = 	snop  }
0x3c: {  	p2 =	seq.s32 s10, $0x1;
	s10 =	sld [smem:$0x3FB4]  }
0x3d: {  	_ =	shalt  }
0x3e: {  	_ =	shalt  }
0x3f: {  	_ =	shalt  }
0x40: {  	_ =	shalt  }
0x41: {  	_ =	shalt  }
0x42: {  	_ =	shalt  }
0x43: {  	_ =	shalt  }
0x44: {  	_ =	shalt  }
0x45: {  	_ =	shalt  }
0x46: {  	_ =	shalt  }
0x47: {  	_ =	shalt  }
0x48: {  	_ =	shalt  }
0x49: {  	_ =	shalt  }
0x4a: {  	_ =	shalt  }
0x4b: {  	_ =	shalt  }
0x4c: {  	_ =	shalt  }
0x4d: {  	_ =	shalt  }
0x4e: {  	_ =	shalt  }
0x4f: {  	_ =	shalt  }
0x50: {  	_ =	shalt  }
0x51: {  	_ =	shalt  }
0x52: {  	_ =	shalt  }
0x53: {  	_ =	shalt  }
0x54: {  	_ =	shalt  }
0x55: {  	_ =	shalt  }
0x56: {  	_ =	shalt  }
0x57: {  	_ =	shalt  }
0x58: {  	_ =	shalt  }
0x59: {  	_ =	shalt  }
0x5a: {  	_ =	shalt  }
0x5b: {  	_ =	shalt  }
0x5c: {  	_ =	shalt  }
0x5d: {  	_ =	shalt  }
0x5e: {  	_ =	shalt  }
0x5f: {  	_ =	shalt  }
0x60: {  	_ =	shalt  }
0x61: {  	_ =	shalt  }
0x62: {  	_ =	shalt  }
0x63: {  	_ =	shalt  }
0x64: {  	_ =	shalt  }
0x65: {  	_ =	shalt  }
0x66: {  	_ =	shalt  }
0x67: {  	_ =	shalt  }
0x68: {  	_ =	shalt  }
0x69: {  	_ =	shalt  }
0x6a: {  	_ =	shalt  }
0x6b: {  	_ =	shalt  }
0x6c: {  	_ =	shalt  }
0x6d: {  	_ =	shalt  }
0x6e: {  	_ =	shalt  }
0x6f: {  	_ =	shalt  }
0x70: {  	_ =	shalt  }
0x71: {  	_ =	shalt  }
0x72: {  	_ =	shalt  }
0x73: {  	_ =	shalt  }
0x74: {  	_ =	shalt  }
0x75: {  	_ =	shalt  }
0x76: {  	_ =	shalt  }
0x77: {  	_ =	shalt  }
0x78: {  	_ =	shalt  }
0x79: {  	_ =	shalt  }
0x7a: {  	_ =	shalt  }
0x7b: {  	_ =	shalt  }
0x7c: {  	_ =	shalt  }
0x7d: {  	_ =	shalt  }
0x7e: {  	_ =	shalt  }
0x7f: {  	_ =	shalt  }
0x80: {  	_ =	shalt  }
0x81: {  	_ =	shalt  }
0x82: {  	_ =	shalt  }
0x83: {  	_ =	shalt  }
0x84: {  	_ =	shalt  }
0x85: {  	_ =	shalt  }
0x86: {  	_ =	shalt  }
0x87: {  	_ =	shalt  }
.Lfunc_end0:
.L_simem_size_0:
called_computation.1_lowered:
.L_overlay_start_0:
0x88: {  	s2 =	sld [smem:$0x3FD9]  }
0x89: {  	s3 =	sld [smem:$0x3FFE];
	_ =	sdelay $0x1  }
0x8a: {  	s1 =	srdreg.scid  }
0x8b: {  	s0 =	sand.u32 $0x1, s1  }
0x8c: {  	s17 =	sshll.u32 s0, $0xA;
	s2 =	sadd.s32 s3, s2  }
0x8d: {  	s2 =	sadd.s32 s2, s17  }
0x8e: {  	[smem:$0x3FC0] =	sst s2  }
0x8f: {  	_ = 	snop  }
0x90: {  	s2 =	sld [smem:$0x3FD0];
	(tm) =	ssettm $0x1  }
0x91: {  	s18 =	sld [smem:$0x3FFB];
	_ =	sdelay $0x3  }
0x92: {  	_ =	strace s18  }
0x93: {  	s3 =	sld [smem:$0x3FFC];
	_ =	sdelay $0x3  }
0x94: {  	_ =	strace s3  }
0x95: {  	s3 =	sld [smem:$0x3FFD];
	_ =	sdelay $0x3  }
0x96: {  	_ =	strace s3  }
0x97: {  	_ =	strace $0x8FFFFFFF  }
0x98: {  	s19 =	sld [smem:$0x3FDB];
	_ =	sdelay $0x1  }
0x99: {  	s4 =	simm.s32 $_scs_section_size  }
0x9a: {  	s5 =	simm.s32 $_size__tile_overlayer_lowered;
	s6 =	simm.s32 $_tile_overlayer_lowered  }
0x9b: {  	s22 =	simm.s32 $0x1BFF;
	s21 =	sshll.u32 s6, $0x1;
	s3 =	sadd.s32 s4, s19  }
0x9c: {  	s7 =	simm.s32 $0x0;
	s20 =	sshll.u32 s5, $0x1;
	s5 =	sadd.s32 s21, s3  }
0x9d: {  	[timem:s7], [sflag:s22] =	dma.local [hbm:s5], s20  }
0x9e: {  	_ =	swait.ge [sflag:s22], s20  }
0x9f: {  	s4 =	ssub.s32 $0x0, s20;
	[sflag:s22] =	ssyncset.done $0x0  }
0xa0: {  	[sflag:s22] =	ssyncadd.s32 s4;
	_ =	sdelay $0x1  }
0xa1: {  	s23 =	simm.s32 $0x1B8B  }
0xa2: {  	_ =	swait.ge [sflag:s23], $0x1  }
0xa3: {  	[sflag:s23] =	ssyncset.done $0x0  }
0xa4: {  	s25 =	simm.s32 $0x1B8E;
	s24 =	sld [smem:$0x3FFE];
	[sflag:s23] =	ssyncadd.s32 $0xFFFFFFFF  }
0xa5: {  	s26 =	simm.s32 $execute0_lowered;
	[smem:$0x3FD2] =	sst s25  }
0xa6: {  	s5 =	sshll.u32 s26, $0x1;
	_ =	strace $0x80000049;
	[dreg:$0x1] =	wrdreg $0xFFFFFFFF  }
0xa7: {  	s28 =	simm.s32 $_size_execute0_lowered;
	s3 =	sadd.s32 s3, s5;
	[dreg:$0x0] =	wrdreg $0x0  }
0xa8: {  	s5 =	sshll.u32 s28, $0x1;
	[dreg:$0x2] =	wrdreg s3  }
0xa9: {  	[dreg:$0x3] =	wrdreg s5  }
0xaa: {  	[dreg:$0x4] =	wrdreg $0xC0  }
0xab: {  	_ =	task [dreg:s7], $0x5FFFF  }
0xac: {  	[dreg:$0x1] =	wrdreg $0xFFFFFFFF  }
0xad: {  	[dreg:$0x0] =	wrdreg $0x60  }
0xae: {  	[dreg:$0x2] =	wrdreg s24  }
0xaf: {  	[dreg:$0x3] =	wrdreg s2  }
0xb0: {  	[dreg:$0x4] =	wrdreg $0x148200  }
0xb1: {  	[dreg:$0x5] =	wrdreg $0x9  }
0xb2: {  	_ =	task.clear_ibuf [dreg:s7], $0x6FFFF;
	_ =	strace $0x90000049  }
0xb3: {  	s29 =	simm.s32 $0x9;
	_ =	strace $0x8000004B  }
0xb4: {  	_ =	swait.ge [sflag:s29], $0x1  }
0xb5: {  	[sflag:s29] =	ssyncadd.s32 $0xFFFFFFFF  }
0xb6: {  	_ =	strace $0x9000004B  }
0xb7: {  	_ =	sfence  }
0xb8: {  	s30 =	sld [smem:$0x0];
	_ =	sdelay $0x2  }
0xb9: {  	s31 =	sshll.u32 s1, $0xD;
	s1 =	sshrl.u32 s1, $0x2  }
0xba: {  	s3 =	sand.u32 $0x4000, s31;
	s1 =	sadd.s32 s1, s30  }
0xbb: {  	s0 =	sor.u32 s3, s0;
	s1 =	sshll.u32 s1, $0x11  }
0xbc: {  	s0 =	sor.u32 s1, s0  }
0xbd: {  	s0 =	sadd.s32 $0x8F2B, s0  }
0xbe: {  	[sflag:s0] =	ssyncadd.remote.s32 $0x1  }
0xbf: {  	_ =	sfence.sel $0xFFFF  }
0xc0: {  	[dreg:$0x0] =	wrdreg $0xFFFFFFFF;
	(pc) =	sbr.abs _section_cstart, $3  }
0xc1: {  	[dreg:$0x1] =	wrdreg $0xFFFFFFFF  }
0xc2: {  	_ =	task.clear_ibuf [dreg:s7], $0x2FFFF;
	_ =	strace $0x9FFFFFFF  }
0xc3: {  	(tm) =	ssettm $0x7FFFFFFF  }
tec
execute0_lowered:
.L_overlay_start_1:
0x0: {  	(tag) =	ssettag $0x1  }
0x1: {  	s0 =	srdreg.scid;
	s1 =	rddreg [dreg:$0x0]  }
0x2: {  	s9 =	stileid.u32;
	s3 =	rddreg [dreg:$0x1]  }
0x3: {  	s26 =	simm.s32 $0x0;
	s14 =	simm.s32 $0xC8;
	s25 =	simm.s32 $0x6  }
0x4: {  	s28 =	simm.s32 $0x7;
	s30 =	simm.s32 $0x8;
	s11 =	simm.s32 $0x11  }
0x5: {  	s12 =	simm.s32 $0x12;
	s15 =	simm.s32 $0x13;
	s16 =	simm.s32 $0x14  }
0x6: {  	s0 =	sand.u32 $0x1, s0;
	s2 =	sshll.u32 s9, $0x1;
	s6 =	smul.u32 $0x4E20, s9  }
0x7: {  	[smem:$0x7FF] =	sst s26;
	s10 =	sadd.s32 $0x14C00, s1;
	s9 =	sshll.u32 s9, $0x6  }
0x8: {  	s4 =	sor.u32 s0, s2;
	s2 =	rddreg [dreg:$0x2];
	s7 =	smul.u32 $0x4E200, s0  }
0x9: {  	_ =	strace $0x8000004A;
	[dreg:$0x4] =	wrdreg s10;
	s0 =	ssub.s32 $0x2, s0  }
0xa: {  	s13 =	sor.u32 $0x1C15, s9;
	s9 =	simm.s32 $0xD;
	s10 =	simm.s32 $0xE  }
0xb: {  	s5 =	smul.u32 $0x4E2, s4;
	s4 =	sadd.s32 $0xAE00, s1;
	s29 =	sshrl.u32 s0, $0x1  }
0xc: {  	[dreg:$0x5] =	wrdreg s13;
	s7 =	sadd.s32 s6, s7;
	s0 =	ssub.s32 s0, s29  }
0xd: {  	s6 =	sadd.s32 s6, s2;
	s8 =	sadd.s32 s5, s1;
	s7 =	sshrl.u32 s7, $0x3  }
0xe: {  	s3 =	sadd.s32 s3, s5;
	s0 =	smax.u32 s0, $0x1;
	s20 =	sshrl.u32 s6, $0x3  }
0xf: {  	s5 =	simm.s32 $0xA;
	s6 =	simm.s32 $0x10;
	[dreg:$0x7] =	wrdreg s3  }
0x10: {  	s1 =	sadd.s32 s7, s1;
	s31 =	sadd.s32 $0x1000, s8;
	[dreg:$0x9] =	wrdreg s0  }
0x11: {  	s7 =	simm.s32 $0xB;
	s8 =	simm.s32 $0xC;
	[dreg:$0xa] =	wrdreg s20  }
0x12: {  	s3 =	simm.s32 $0xF;
	[dreg:$0x6] =	wrdreg s31;
	s1 =	sadd.s32 $0x15600, s1  }
0x13: {  	s0 =	simm.s32 $0x0;
	[dreg:$0x8] =	wrdreg s1;
	s1 =	simm.s32 $0x9  }
.LBB2_1:
0x14: {  	[dreg:$0xb] =	wrdreg s0  }
0x15: {  	s22 =	simm.s32 $0x15;
	s18 =	rddreg [dreg:$0x4]  }
0x16: {  	[spmem:s20], [sflag:s13] =	dma.local [hbm:s18], $0x9C4  }
0x17: {  	_ =	swait.ge [sflag:s22], $0x9C4  }
0x18: {  	[sflag:s22] =	ssyncset.done $0x0  }
0x19: {  	s13 =	simm.s32 $0x0;
	s17 =	rddreg [dreg:$0x6];
	[sflag:s22] =	ssyncadd.s32 $0xFFFFF63C  }
0x1a: {  	[tilespmem:s13], [sflag:$0x15] =	stream.linear.gather [hbm4b:s17+s13], $0x2710, $0x38;
	[tilespmem:$0x19640] =	vst v63  }
0x1b: {  	_ =	swait.ge [sflag:s22], $0x2710  }
0x1c: {  	[sflag:s22] =	ssyncset.done $0x0  }
0x1d: {  	s19 =	simm.s32 $0x2710;
	s18 =	rddreg [dreg:$0x7];
	[sflag:s22] =	ssyncadd.s32 $0xFFFFD8F0  }
0x1e: {  	[tilespmem:s19], [sflag:$0x15] =	stream.linear.gather [hbm4b:s18+s13], $0x2710, $0x38;
	[tilespmem:$0x19640] =	vst v63  }
0x1f: {  	_ =	swait.ge [sflag:s22], $0x2710  }
0x20: {  	[sflag:s22] =	ssyncset.done $0x0  }
0x21: {  	[sflag:s22] =	ssyncadd.s32 $0xFFFFD8F0  }
0x22: {  	s20 =	simm.s32 $0x4E20;
	[bflag:$0x0] =	sbarrier.arrive $0xFFFF  }
0x23: {  	[tilespmem:s20], [sflag:$0x1] =	stream.indirect.gather [hbm4b:s4+s14], $0x20, s13, s14, $0xb8;
	[tilespmem:$0x19640] =	vst v63  }
0x24: {  	s22 =	simm.s32 $0x6720  }
0x25: {  	[tilespmem:s22], [sflag:$0x2] =	stream.indirect.gather [hbm4b:s4+s14], $0x20, s14, s14, $0xb8;
	[tilespmem:$0x19640] =	vst v63  }
0x26: {  	s21 =	simm.s32 $0x190;
	s24 =	simm.s32 $0x8020  }
0x27: {  	[tilespmem:s24], [sflag:$0x3] =	stream.indirect.gather [hbm4b:s4+s14], $0x20, s21, s14, $0xb8;
	[tilespmem:$0x19640] =	vst v63  }
0x28: {  	s23 =	simm.s32 $0x258;
	s0 =	simm.s32 $0x9920  }
0x29: {  	[tilespmem:s0], [sflag:$0x4] =	stream.indirect.gather [hbm4b:s4+s14], $0x20, s23, s14, $0xb8;
	[tilespmem:$0x19640] =	vst v63  }
0x2a: {  	s26 =	simm.s32 $0x320;
	s13 =	simm.s32 $0xB220  }
0x2b: {  	[tilespmem:s13], [sflag:$0x5] =	stream.indirect.gather [hbm4b:s4+s14], $0x20, s26, s14, $0xb8;
	[tilespmem:$0x19640] =	vst v63  }
0x2c: {  	s29 =	simm.s32 $0x3E8;
	s17 =	simm.s32 $0xCB20  }
0x2d: {  	[tilespmem:s17], [sflag:$0x6] =	stream.indirect.gather [hbm4b:s4+s14], $0x20, s29, s14, $0xb8;
	[tilespmem:$0x19640] =	vst v63  }
0x2e: {  	s31 =	simm.s32 $0x4B0;
	s19 =	simm.s32 $0xE420  }
0x2f: {  	[tilespmem:s19], [sflag:$0x7] =	stream.indirect.gather [hbm4b:s4+s14], $0x20, s31, s14, $0xb8;
	[tilespmem:$0x19640] =	vst v63  }
0x30: {  	s21 =	simm.s32 $0x578;
	s26 =	simm.s32 $0xFD20  }
0x31: {  	[tilespmem:s26], [sflag:$0x8] =	stream.indirect.gather [hbm4b:s4+s14], $0x20, s21, s14, $0xb8;
	[tilespmem:$0x19640] =	vst v63  }
0x32: {  	s23 =	simm.s32 $0x640;
	s21 =	simm.s32 $0x11620  }
0x33: {  	[tilespmem:s21], [sflag:$0x9] =	stream.indirect.gather [hbm4b:s4+s14], $0x20, s23, s14, $0xb8;
	[tilespmem:$0x19640] =	vst v63  }
0x34: {  	s29 =	simm.s32 $0x708;
	s31 =	simm.s32 $0x1;
	s23 =	simm.s32 $0x12F20  }
0x35: {  	[tilespmem:s23], [sflag:$0xA] =	stream.indirect.gather [hbm4b:s4+s14], $0x20, s29, s14, $0xb8;
	[tilespmem:$0x19640] =	vst v63  }
0x36: {  	_ =	swait.ge [sflag:s31], $0x1900  }
0x37: {  	[sflag:s31] =	ssyncset.done $0x0  }
0x38: {  	s29 =	simm.s32 $0x2710;
	[sflag:s31] =	ssyncadd.s32 $0xFFFFE700;
	s31 =	simm.s32 $0x2  }
0x39: {  	[spmem:s2] =	stream.indirect.scatter.add.f32 [tilespmem:s20], [sflag:$0xB], $0x20, s29, s14, $0xb8;
	[tilespmem:$0x19640] =	vst v63  }
0x3a: {  	_ =	swait.ge [sflag:s31], $0x1900  }
0x3b: {  	[sflag:s31] =	ssyncset.done $0x0  }
0x3c: {  	s29 =	simm.s32 $0x27D8;
	[sflag:s31] =	ssyncadd.s32 $0xFFFFE700;
	s31 =	simm.s32 $0x3  }
0x3d: {  	[spmem:s2] =	stream.indirect.scatter.add.f32 [tilespmem:s22], [sflag:$0xC], $0x20, s29, s14, $0xb8;
	[tilespmem:$0x19640] =	vst v63  }
0x3e: {  	_ =	swait.ge [sflag:s31], $0x1900  }
0x3f: {  	[sflag:s31] =	ssyncset.done $0x0  }
0x40: {  	s29 =	simm.s32 $0x28A0;
	[sflag:s31] =	ssyncadd.s32 $0xFFFFE700;
	s31 =	simm.s32 $0x4  }
0x41: {  	[spmem:s2] =	stream.indirect.scatter.add.f32 [tilespmem:s24], [sflag:$0xD], $0x20, s29, s14, $0xb8;
	[tilespmem:$0x19640] =	vst v63  }
0x42: {  	_ =	swait.ge [sflag:s31], $0x1900  }
0x43: {  	[sflag:s31] =	ssyncset.done $0x0  }
0x44: {  	s29 =	simm.s32 $0x2968;
	[sflag:s31] =	ssyncadd.s32 $0xFFFFE700;
	s31 =	simm.s32 $0x5  }
0x45: {  	[spmem:s2] =	stream.indirect.scatter.add.f32 [tilespmem:s0], [sflag:$0xE], $0x20, s29, s14, $0xb8;
	[tilespmem:$0x19640] =	vst v63  }
0x46: {  	_ =	swait.ge [sflag:s31], $0x1900  }
0x47: {  	[sflag:s31] =	ssyncset.done $0x0  }
0x48: {  	s29 =	simm.s32 $0x2A30;
	[sflag:s31] =	ssyncadd.s32 $0xFFFFE700  }
0x49: {  	[spmem:s2] =	stream.indirect.scatter.add.f32 [tilespmem:s13], [sflag:$0xF], $0x20, s29, s14, $0xb8;
	[tilespmem:$0x19640] =	vst v63  }
0x4a: {  	_ =	swait.ge [sflag:s25], $0x1900  }
0x4b: {  	[sflag:s25] =	ssyncset.done $0x0  }
0x4c: {  	s31 =	simm.s32 $0x2AF8;
	[sflag:s25] =	ssyncadd.s32 $0xFFFFE700  }
0x4d: {  	[spmem:s2] =	stream.indirect.scatter.add.f32 [tilespmem:s17], [sflag:$0x10], $0x20, s31, s14, $0xb8;
	[tilespmem:$0x19640] =	vst v63  }
0x4e: {  	_ =	swait.ge [sflag:s28], $0x1900  }
0x4f: {  	[sflag:s28] =	ssyncset.done $0x0  }
0x50: {  	s29 =	simm.s32 $0x2BC0;
	[sflag:s28] =	ssyncadd.s32 $0xFFFFE700  }
0x51: {  	[spmem:s2] =	stream.indirect.scatter.add.f32 [tilespmem:s19], [sflag:$0x11], $0x20, s29, s14, $0xb8;
	[tilespmem:$0x19640] =	vst v63  }
0x52: {  	_ =	swait.ge [sflag:s30], $0x1900  }
0x53: {  	[sflag:s30] =	ssyncset.done $0x0  }
0x54: {  	s31 =	simm.s32 $0x2C88;
	[sflag:s30] =	ssyncadd.s32 $0xFFFFE700  }
0x55: {  	[spmem:s2] =	stream.indirect.scatter.add.f32 [tilespmem:s26], [sflag:$0x12], $0x20, s31, s14, $0xb8;
	[tilespmem:$0x19640] =	vst v63  }
0x56: {  	_ =	swait.ge [sflag:s1], $0x1900  }
0x57: {  	[sflag:s1] =	ssyncset.done $0x0  }
0x58: {  	s29 =	simm.s32 $0x2D50;
	[sflag:s1] =	ssyncadd.s32 $0xFFFFE700  }
0x59: {  	[spmem:s2] =	stream.indirect.scatter.add.f32 [tilespmem:s21], [sflag:$0x13], $0x20, s29, s14, $0xb8;
	[tilespmem:$0x19640] =	vst v63  }
0x5a: {  	_ =	swait.ge [sflag:s5], $0x1900  }
0x5b: {  	[sflag:s5] =	ssyncset.done $0x0  }
0x5c: {  	s31 =	simm.s32 $0x2E18;
	[sflag:s5] =	ssyncadd.s32 $0xFFFFE700  }
0x5d: {  	[spmem:s2] =	stream.indirect.scatter.add.f32 [tilespmem:s23], [sflag:$0x14], $0x20, s31, s14, $0xb8;
	[tilespmem:$0x19640] =	vst v63  }
0x5e: {  	_ =	swait.ge [sflag:s7], $0x1900  }
0x5f: {  	[sflag:s7] =	ssyncset.done $0x0  }
0x60: {  	s23 =	simm.s32 $0x7D0;
	[sflag:s7] =	ssyncadd.s32 $0xFFFFE700  }
0x61: {  	[tilespmem:s20], [sflag:$0x1] =	stream.indirect.gather [hbm4b:s4+s14], $0x20, s23, s14, $0xb8;
	[tilespmem:$0x19640] =	vst v63  }
0x62: {  	_ =	swait.ge [sflag:s8], $0x1900  }
0x63: {  	[sflag:s8] =	ssyncset.done $0x0  }
0x64: {  	s29 =	simm.s32 $0x898;
	[sflag:s8] =	ssyncadd.s32 $0xFFFFE700  }
0x65: {  	[tilespmem:s22], [sflag:$0x2] =	stream.indirect.gather [hbm4b:s4+s14], $0x20, s29, s14, $0xb8;
	[tilespmem:$0x19640] =	vst v63  }
0x66: {  	_ =	swait.ge [sflag:s9], $0x1900  }
0x67: {  	[sflag:s9] =	ssyncset.done $0x0  }
0x68: {  	s31 =	simm.s32 $0x960;
	[sflag:s9] =	ssyncadd.s32 $0xFFFFE700  }
0x69: {  	[tilespmem:s24], [sflag:$0x3] =	stream.indirect.gather [hbm4b:s4+s14], $0x20, s31, s14, $0xb8;
	[tilespmem:$0x19640] =	vst v63  }
0x6a: {  	_ =	swait.ge [sflag:s10], $0x1900  }
0x6b: {  	[sflag:s10] =	ssyncset.done $0x0  }
0x6c: {  	s20 =	simm.s32 $0xA28;
	[sflag:s10] =	ssyncadd.s32 $0xFFFFE700  }
0x6d: {  	[tilespmem:s0], [sflag:$0x4] =	stream.indirect.gather [hbm4b:s4+s14], $0x20, s20, s14, $0xb8;
	[tilespmem:$0x19640] =	vst v63  }
0x6e: {  	_ =	swait.ge [sflag:s3], $0x1900  }
0x6f: {  	[sflag:s3] =	ssyncset.done $0x0  }
0x70: {  	s22 =	simm.s32 $0xAF0;
	[sflag:s3] =	ssyncadd.s32 $0xFFFFE700  }
0x71: {  	[tilespmem:s13], [sflag:$0x5] =	stream.indirect.gather [hbm4b:s4+s14], $0x20, s22, s14, $0xb8;
	[tilespmem:$0x19640] =	vst v63  }
0x72: {  	_ =	swait.ge [sflag:s6], $0x1900  }
0x73: {  	[sflag:s6] =	ssyncset.done $0x0  }
0x74: {  	s23 =	simm.s32 $0xBB8;
	[sflag:s6] =	ssyncadd.s32 $0xFFFFE700  }
0x75: {  	[tilespmem:s17], [sflag:$0x6] =	stream.indirect.gather [hbm4b:s4+s14], $0x20, s23, s14, $0xb8;
	[tilespmem:$0x19640] =	vst v63  }
0x76: {  	_ =	swait.ge [sflag:s11], $0x1900  }
0x77: {  	[sflag:s11] =	ssyncset.done $0x0  }
0x78: {  	s24 =	simm.s32 $0xC80;
	[sflag:s11] =	ssyncadd.s32 $0xFFFFE700  }
0x79: {  	[tilespmem:s19], [sflag:$0x7] =	stream.indirect.gather [hbm4b:s4+s14], $0x20, s24, s14, $0xb8;
	[tilespmem:$0x19640] =	vst v63  }
0x7a: {  	_ =	swait.ge [sflag:s12], $0x1900  }
0x7b: {  	[sflag:s12] =	ssyncset.done $0x0  }
0x7c: {  	s29 =	simm.s32 $0xD48;
	[sflag:s12] =	ssyncadd.s32 $0xFFFFE700  }
0x7d: {  	[tilespmem:s26], [sflag:$0x8] =	stream.indirect.gather [hbm4b:s4+s14], $0x20, s29, s14, $0xb8;
	[tilespmem:$0x19640] =	vst v63  }
0x7e: {  	_ =	swait.ge [sflag:s15], $0x1900  }
0x7f: {  	[sflag:s15] =	ssyncset.done $0x0  }
0x80: {  	s31 =	simm.s32 $0xE10;
	[sflag:s15] =	ssyncadd.s32 $0xFFFFE700  }
0x81: {  	[tilespmem:s21], [sflag:$0x9] =	stream.indirect.gather [hbm4b:s4+s14], $0x20, s31, s14, $0xb8;
	[tilespmem:$0x19640] =	vst v63  }
0x82: {  	_ =	swait.ge [sflag:s16], $0x1900  }
0x83: {  	[sflag:s16] =	ssyncset.done $0x0  }
0x84: {  	s18 =	simm.s32 $0x1F40;
	s20 =	simm.s32 $0xED8;
	[sflag:s16] =	ssyncadd.s32 $0xFFFFE700  }
.LBB2_2:
0x85: {  	s26 =	simm.s32 $0x12F20  }
0x86: {  	[tilespmem:s26], [sflag:$0xA] =	stream.indirect.gather [hbm4b:s4+s14], $0x20, s20, s14, $0xb8;
	[tilespmem:$0x19640] =	vst v63  }
0x87: {  	s0 =	simm.s32 $0x1;
	s20 =	smov.u32 s18  }
0x88: {  	p0 =	sne.s32 s18, $0x5DC0;
	s18 =	sadd.s32 $0x1F40, s18;
	_ =	swait.ge [sflag:s0], $0x1900  }
0x89: {  	s24 =	simm.s32 $0x4E20;
	s20 =	sshra.s32 s20, $0x2;
	[sflag:s0] =	ssyncset.done $0x0  }
0x8a: {  	s22 =	sadd.s32 $0x2710, s20;
	[sflag:s0] =	ssyncadd.s32 $0xFFFFE700;
	s0 =	simm.s32 $0x2  }
0x8b: {  	[spmem:s2] =	stream.indirect.scatter.add.f32 [tilespmem:s24], [sflag:$0xB], $0x20, s22, s14, $0xb8;
	[tilespmem:$0x19640] =	vst v63  }
0x8c: {  	_ =	swait.ge [sflag:s0], $0x1900  }
0x8d: {  	s29 =	simm.s32 $0x6720;
	[sflag:s0] =	ssyncset.done $0x0  }
0x8e: {  	s22 =	sadd.s32 $0x27D8, s20;
	[sflag:s0] =	ssyncadd.s32 $0xFFFFE700;
	s0 =	simm.s32 $0x3  }
0x8f: {  	[spmem:s2] =	stream.indirect.scatter.add.f32 [tilespmem:s29], [sflag:$0xC], $0x20, s22, s14, $0xb8;
	[tilespmem:$0x19640] =	vst v63  }
0x90: {  	_ =	swait.ge [sflag:s0], $0x1900  }
0x91: {  	s31 =	simm.s32 $0x8020;
	[sflag:s0] =	ssyncset.done $0x0  }
0x92: {  	s22 =	sadd.s32 $0x28A0, s20;
	[sflag:s0] =	ssyncadd.s32 $0xFFFFE700;
	s0 =	simm.s32 $0x4  }
0x93: {  	[spmem:s2] =	stream.indirect.scatter.add.f32 [tilespmem:s31], [sflag:$0xD], $0x20, s22, s14, $0xb8;
	[tilespmem:$0x19640] =	vst v63  }
0x94: {  	_ =	swait.ge [sflag:s0], $0x1900  }
0x95: {  	s13 =	simm.s32 $0x5;
	[sflag:s0] =	ssyncset.done $0x0  }
0x96: {  	s22 =	sadd.s32 $0x2968, s20;
	[sflag:s0] =	ssyncadd.s32 $0xFFFFE700;
	s0 =	simm.s32 $0x9920  }
0x97: {  	[spmem:s2] =	stream.indirect.scatter.add.f32 [tilespmem:s0], [sflag:$0xE], $0x20, s22, s14, $0xb8;
	[tilespmem:$0x19640] =	vst v63  }
0x98: {  	_ =	swait.ge [sflag:s13], $0x1900  }
0x99: {  	[sflag:s13] =	ssyncset.done $0x0  }
0x9a: {  	s22 =	sadd.s32 $0x2A30, s20;
	[sflag:s13] =	ssyncadd.s32 $0xFFFFE700;
	s13 =	simm.s32 $0xB220  }
0x9b: {  	[spmem:s2] =	stream.indirect.scatter.add.f32 [tilespmem:s13], [sflag:$0xF], $0x20, s22, s14, $0xb8;
	[tilespmem:$0x19640] =	vst v63  }
0x9c: {  	_ =	swait.ge [sflag:s25], $0x1900  }
0x9d: {  	[sflag:s25] =	ssyncset.done $0x0  }
0x9e: {  	s17 =	simm.s32 $0xCB20;
	s22 =	sadd.s32 $0x2AF8, s20;
	[sflag:s25] =	ssyncadd.s32 $0xFFFFE700  }
0x9f: {  	[spmem:s2] =	stream.indirect.scatter.add.f32 [tilespmem:s17], [sflag:$0x10], $0x20, s22, s14, $0xb8;
	[tilespmem:$0x19640] =	vst v63  }
0xa0: {  	_ =	swait.ge [sflag:s28], $0x1900  }
0xa1: {  	[sflag:s28] =	ssyncset.done $0x0  }
0xa2: {  	s19 =	simm.s32 $0xE420;
	s22 =	sadd.s32 $0x2BC0, s20;
	[sflag:s28] =	ssyncadd.s32 $0xFFFFE700  }
0xa3: {  	[spmem:s2] =	stream.indirect.scatter.add.f32 [tilespmem:s19], [sflag:$0x11], $0x20, s22, s14, $0xb8;
	[tilespmem:$0x19640] =	vst v63  }
0xa4: {  	_ =	swait.ge [sflag:s30], $0x1900  }
0xa5: {  	[sflag:s30] =	ssyncset.done $0x0  }
0xa6: {  	s21 =	simm.s32 $0xFD20;
	s22 =	sadd.s32 $0x2C88, s20;
	[sflag:s30] =	ssyncadd.s32 $0xFFFFE700  }
0xa7: {  	[spmem:s2] =	stream.indirect.scatter.add.f32 [tilespmem:s21], [sflag:$0x12], $0x20, s22, s14, $0xb8;
	[tilespmem:$0x19640] =	vst v63  }
0xa8: {  	_ =	swait.ge [sflag:s1], $0x1900  }
0xa9: {  	[sflag:s1] =	ssyncset.done $0x0  }
0xaa: {  	s23 =	simm.s32 $0x11620;
	s22 =	sadd.s32 $0x2D50, s20;
	[sflag:s1] =	ssyncadd.s32 $0xFFFFE700  }
0xab: {  	[spmem:s2] =	stream.indirect.scatter.add.f32 [tilespmem:s23], [sflag:$0x13], $0x20, s22, s14, $0xb8;
	[tilespmem:$0x19640] =	vst v63  }
0xac: {  	_ =	swait.ge [sflag:s5], $0x1900  }
0xad: {  	[sflag:s5] =	ssyncset.done $0x0  }
0xae: {  	s22 =	sadd.s32 $0x2E18, s20;
	[sflag:s5] =	ssyncadd.s32 $0xFFFFE700  }
0xaf: {  	[spmem:s2] =	stream.indirect.scatter.add.f32 [tilespmem:s26], [sflag:$0x14], $0x20, s22, s14, $0xb8;
	[tilespmem:$0x19640] =	vst v63  }
0xb0: {  	_ =	swait.ge [sflag:s7], $0x1900  }
0xb1: {  	[sflag:s7] =	ssyncset.done $0x0  }
0xb2: {  	s22 =	sadd.s32 $0x7D0, s20;
	s26 =	simm.s32 $0x4E20;
	[sflag:s7] =	ssyncadd.s32 $0xFFFFE700  }
0xb3: {  	[tilespmem:s24], [sflag:$0x1] =	stream.indirect.gather [hbm4b:s4+s14], $0x20, s22, s14, $0xb8;
	[tilespmem:$0x19640] =	vst v63  }
0xb4: {  	_ =	swait.ge [sflag:s8], $0x1900  }
0xb5: {  	[sflag:s8] =	ssyncset.done $0x0  }
0xb6: {  	s22 =	sadd.s32 $0x898, s20;
	s24 =	simm.s32 $0x6720;
	[sflag:s8] =	ssyncadd.s32 $0xFFFFE700  }
0xb7: {  	[tilespmem:s29], [sflag:$0x2] =	stream.indirect.gather [hbm4b:s4+s14], $0x20, s22, s14, $0xb8;
	[tilespmem:$0x19640] =	vst v63  }
0xb8: {  	_ =	swait.ge [sflag:s9], $0x1900  }
0xb9: {  	[sflag:s9] =	ssyncset.done $0x0  }
0xba: {  	s22 =	sadd.s32 $0x960, s20;
	s29 =	simm.s32 $0x8020;
	[sflag:s9] =	ssyncadd.s32 $0xFFFFE700  }
0xbb: {  	[tilespmem:s31], [sflag:$0x3] =	stream.indirect.gather [hbm4b:s4+s14], $0x20, s22, s14, $0xb8;
	[tilespmem:$0x19640] =	vst v63  }
0xbc: {  	_ =	swait.ge [sflag:s10], $0x1900  }
0xbd: {  	[sflag:s10] =	ssyncset.done $0x0  }
0xbe: {  	s22 =	sadd.s32 $0xA28, s20;
	s31 =	simm.s32 $0x9920;
	[sflag:s10] =	ssyncadd.s32 $0xFFFFE700  }
0xbf: {  	[tilespmem:s0], [sflag:$0x4] =	stream.indirect.gather [hbm4b:s4+s14], $0x20, s22, s14, $0xb8;
	[tilespmem:$0x19640] =	vst v63  }
0xc0: {  	_ =	swait.ge [sflag:s3], $0x1900  }
0xc1: {  	[sflag:s3] =	ssyncset.done $0x0  }
0xc2: {  	s22 =	sadd.s32 $0xAF0, s20;
	s0 =	simm.s32 $0xB220;
	[sflag:s3] =	ssyncadd.s32 $0xFFFFE700  }
0xc3: {  	[tilespmem:s13], [sflag:$0x5] =	stream.indirect.gather [hbm4b:s4+s14], $0x20, s22, s14, $0xb8;
	[tilespmem:$0x19640] =	vst v63  }
0xc4: {  	_ =	swait.ge [sflag:s6], $0x1900  }
0xc5: {  	[sflag:s6] =	ssyncset.done $0x0  }
0xc6: {  	s22 =	sadd.s32 $0xBB8, s20;
	s13 =	simm.s32 $0xCB20;
	[sflag:s6] =	ssyncadd.s32 $0xFFFFE700  }
0xc7: {  	[tilespmem:s17], [sflag:$0x6] =	stream.indirect.gather [hbm4b:s4+s14], $0x20, s22, s14, $0xb8;
	[tilespmem:$0x19640] =	vst v63  }
0xc8: {  	_ =	swait.ge [sflag:s11], $0x1900  }
0xc9: {  	[sflag:s11] =	ssyncset.done $0x0  }
0xca: {  	s22 =	sadd.s32 $0xC80, s20;
	s17 =	simm.s32 $0xE420;
	[sflag:s11] =	ssyncadd.s32 $0xFFFFE700  }
0xcb: {  	[tilespmem:s19], [sflag:$0x7] =	stream.indirect.gather [hbm4b:s4+s14], $0x20, s22, s14, $0xb8;
	[tilespmem:$0x19640] =	vst v63  }
0xcc: {  	_ =	swait.ge [sflag:s12], $0x1900  }
0xcd: {  	[sflag:s12] =	ssyncset.done $0x0  }
0xce: {  	s22 =	sadd.s32 $0xD48, s20;
	s19 =	simm.s32 $0xFD20;
	[sflag:s12] =	ssyncadd.s32 $0xFFFFE700  }
0xcf: {  	[tilespmem:s21], [sflag:$0x8] =	stream.indirect.gather [hbm4b:s4+s14], $0x20, s22, s14, $0xb8;
	[tilespmem:$0x19640] =	vst v63  }
0xd0: {  	_ =	swait.ge [sflag:s15], $0x1900  }
0xd1: {  	s22 =	sadd.s32 $0xE10, s20;
	[sflag:s15] =	ssyncset.done $0x0  }
.Ltmp0:
0xd2: {  	s21 =	simm.s32 $0x11620;
	[sflag:s15] =	ssyncadd.s32 $0xFFFFE700;
	(pc) =	sbr.rel @p0 .LBB2_2-.Ltmp0, $4  }
0xd3: {  	[tilespmem:s23], [sflag:$0x9] =	stream.indirect.gather [hbm4b:s4+s14], $0x20, s22, s14, $0xb8;
	[tilespmem:$0x19640] =	vst v63  }
0xd4: {  	_ =	swait.ge [sflag:s16], $0x1900  }
0xd5: {  	[sflag:s16] =	ssyncset.done $0x0  }
0xd6: {  	s20 =	sadd.s32 $0xED8, s20;
	[sflag:s16] =	ssyncadd.s32 $0xFFFFE700  }
0xd7: {  	s18 =	simm.s32 $0x12F20;
	s22 =	simm.s32 $0x1  }
0xd8: {  	[tilespmem:s18], [sflag:$0xA] =	stream.indirect.gather [hbm4b:s4+s14], $0x20, s20, s14, $0xb8;
	[tilespmem:$0x19640] =	vst v63  }
0xd9: {  	_ =	swait.ge [sflag:s22], $0x1900  }
0xda: {  	[sflag:s22] =	ssyncset.done $0x0  }
0xdb: {  	s23 =	simm.s32 $0x4650;
	[sflag:s22] =	ssyncadd.s32 $0xFFFFE700;
	s22 =	simm.s32 $0x2  }
0xdc: {  	[spmem:s2] =	stream.indirect.scatter.add.f32 [tilespmem:s26], [sflag:$0xB], $0x20, s23, s14, $0xb8;
	[tilespmem:$0x19640] =	vst v63  }
0xdd: {  	_ =	swait.ge [sflag:s22], $0x1900  }
0xde: {  	[sflag:s22] =	ssyncset.done $0x0  }
0xdf: {  	s23 =	simm.s32 $0x4718;
	s26 =	simm.s32 $0x3;
	[sflag:s22] =	ssyncadd.s32 $0xFFFFE700  }
0xe0: {  	[spmem:s2] =	stream.indirect.scatter.add.f32 [tilespmem:s24], [sflag:$0xC], $0x20, s23, s14, $0xb8;
	[tilespmem:$0x19640] =	vst v63  }
0xe1: {  	_ =	swait.ge [sflag:s26], $0x1900  }
0xe2: {  	[sflag:s26] =	ssyncset.done $0x0  }
0xe3: {  	s22 =	simm.s32 $0x47E0;
	s23 =	simm.s32 $0x4;
	[sflag:s26] =	ssyncadd.s32 $0xFFFFE700  }
0xe4: {  	[spmem:s2] =	stream.indirect.scatter.add.f32 [tilespmem:s29], [sflag:$0xD], $0x20, s22, s14, $0xb8;
	[tilespmem:$0x19640] =	vst v63  }
0xe5: {  	_ =	swait.ge [sflag:s23], $0x1900  }
0xe6: {  	[sflag:s23] =	ssyncset.done $0x0  }
0xe7: {  	s24 =	simm.s32 $0x48A8;
	s26 =	simm.s32 $0x5;
	[sflag:s23] =	ssyncadd.s32 $0xFFFFE700  }
0xe8: {  	[spmem:s2] =	stream.indirect.scatter.add.f32 [tilespmem:s31], [sflag:$0xE], $0x20, s24, s14, $0xb8;
	[tilespmem:$0x19640] =	vst v63  }
0xe9: {  	_ =	swait.ge [sflag:s26], $0x1900  }
0xea: {  	[sflag:s26] =	ssyncset.done $0x0  }
0xeb: {  	s29 =	simm.s32 $0x4970;
	[sflag:s26] =	ssyncadd.s32 $0xFFFFE700  }
0xec: {  	[spmem:s2] =	stream.indirect.scatter.add.f32 [tilespmem:s0], [sflag:$0xF], $0x20, s29, s14, $0xb8;
	[tilespmem:$0x19640] =	vst v63  }
0xed: {  	_ =	swait.ge [sflag:s25], $0x1900  }
0xee: {  	[sflag:s25] =	ssyncset.done $0x0  }
0xef: {  	s31 =	simm.s32 $0x4A38;
	[sflag:s25] =	ssyncadd.s32 $0xFFFFE700  }
0xf0: {  	[spmem:s2] =	stream.indirect.scatter.add.f32 [tilespmem:s13], [sflag:$0x10], $0x20, s31, s14, $0xb8;
	[tilespmem:$0x19640] =	vst v63  }
0xf1: {  	_ =	swait.ge [sflag:s28], $0x1900  }
0xf2: {  	[sflag:s28] =	ssyncset.done $0x0  }
0xf3: {  	s13 =	simm.s32 $0x4B00;
	[sflag:s28] =	ssyncadd.s32 $0xFFFFE700  }
0xf4: {  	[spmem:s2] =	stream.indirect.scatter.add.f32 [tilespmem:s17], [sflag:$0x11], $0x20, s13, s14, $0xb8;
	[tilespmem:$0x19640] =	vst v63  }
0xf5: {  	_ =	swait.ge [sflag:s30], $0x1900  }
0xf6: {  	[sflag:s30] =	ssyncset.done $0x0  }
0xf7: {  	s17 =	simm.s32 $0x4BC8;
	[sflag:s30] =	ssyncadd.s32 $0xFFFFE700  }
0xf8: {  	[spmem:s2] =	stream.indirect.scatter.add.f32 [tilespmem:s19], [sflag:$0x12], $0x20, s17, s14, $0xb8;
	[tilespmem:$0x19640] =	vst v63  }
0xf9: {  	_ =	swait.ge [sflag:s1], $0x1900  }
0xfa: {  	[sflag:s1] =	ssyncset.done $0x0  }
0xfb: {  	s20 =	simm.s32 $0x4C90;
	[sflag:s1] =	ssyncadd.s32 $0xFFFFE700  }
0xfc: {  	[spmem:s2] =	stream.indirect.scatter.add.f32 [tilespmem:s21], [sflag:$0x13], $0x20, s20, s14, $0xb8;
	[tilespmem:$0x19640] =	vst v63  }
0xfd: {  	_ =	swait.ge [sflag:s5], $0x1900  }
0xfe: {  	[sflag:s5] =	ssyncset.done $0x0  }
0xff: {  	s22 =	simm.s32 $0x4D58;
	[sflag:s5] =	ssyncadd.s32 $0xFFFFE700  }
0x100: {  	[spmem:s2] =	stream.indirect.scatter.add.f32 [tilespmem:s18], [sflag:$0x14], $0x20, s22, s14, $0xb8;
	[tilespmem:$0x19640] =	vst v63  }
0x101: {  	_ =	swait.ge [sflag:s7], $0x1900  }
0x102: {  	[sflag:s7] =	ssyncset.done $0x0  }
0x103: {  	[sflag:s7] =	ssyncadd.s32 $0xFFFFE700  }
0x104: {  	_ =	swait.ge [sflag:s8], $0x1900  }
0x105: {  	[sflag:s8] =	ssyncset.done $0x0  }
0x106: {  	[sflag:s8] =	ssyncadd.s32 $0xFFFFE700  }
0x107: {  	_ =	swait.ge [sflag:s9], $0x1900  }
0x108: {  	[sflag:s9] =	ssyncset.done $0x0  }
0x109: {  	[sflag:s9] =	ssyncadd.s32 $0xFFFFE700  }
0x10a: {  	_ =	swait.ge [sflag:s10], $0x1900  }
0x10b: {  	[sflag:s10] =	ssyncset.done $0x0  }
0x10c: {  	[sflag:s10] =	ssyncadd.s32 $0xFFFFE700  }
0x10d: {  	_ =	swait.ge [sflag:s3], $0x1900  }
0x10e: {  	[sflag:s3] =	ssyncset.done $0x0  }
0x10f: {  	[sflag:s3] =	ssyncadd.s32 $0xFFFFE700  }
0x110: {  	_ =	swait.ge [sflag:s6], $0x1900  }
0x111: {  	[sflag:s6] =	ssyncset.done $0x0  }
0x112: {  	[sflag:s6] =	ssyncadd.s32 $0xFFFFE700  }
0x113: {  	_ =	swait.ge [sflag:s11], $0x1900  }
0x114: {  	[sflag:s11] =	ssyncset.done $0x0  }
0x115: {  	[sflag:s11] =	ssyncadd.s32 $0xFFFFE700  }
0x116: {  	_ =	swait.ge [sflag:s12], $0x1900  }
0x117: {  	[sflag:s12] =	ssyncset.done $0x0  }
0x118: {  	[sflag:s12] =	ssyncadd.s32 $0xFFFFE700  }
0x119: {  	_ =	swait.ge [sflag:s15], $0x1900  }
0x11a: {  	[sflag:s15] =	ssyncset.done $0x0  }
0x11b: {  	[sflag:s15] =	ssyncadd.s32 $0xFFFFE700  }
0x11c: {  	_ =	swait.ge [sflag:s16], $0x1900  }
0x11d: {  	[sflag:s16] =	ssyncset.done $0x0  }
0x11e: {  	[sflag:s16] =	ssyncadd.s32 $0xFFFFE700  }
0x11f: {  	[bflag:$0x0] =	sbarrier.arrive $0xFFFF  }
0x120: {  	s13 =	rddreg [dreg:$0x5]  }
0x121: {  	s23 =	rddreg [dreg:$0x8]  }
0x122: {  	s24 =	simm.s32 $0x15;
	s20 =	rddreg [dreg:$0xa]  }
0x123: {  	[hbm:s23], [sflag:s13] =	dma.local [spmem:s20], $0x9C4  }
0x124: {  	_ =	swait.ge [sflag:s24], $0x9C4  }
0x125: {  	s26 =	rddreg [dreg:$0xb]  }
0x126: {  	s29 =	rddreg [dreg:$0x9];
	s0 =	sadd.s32 $0x1, s26  }
0x127: {  	p0 =	sne.s32 s0, s29  }
.Ltmp1:
0x128: {  	_ = 	snop;
	(pc) =	sbr.rel @p0 .LBB2_1-.Ltmp1, $3  }
0x129: {  	_ =	sdelay $0x1  }
0x12a: {  	s31 =	simm.s32 $0x15;
	[sflag:s24] =	ssyncset.done $0x0  }
0x12b: {  	[sflag:s31] =	ssyncadd.s32 $0xFFFFF63C  }
0x12c: {  	_ =	sfence.sel $0x180000  }
0x12d: {  	[bflag:$0x0] =	sbarrier.arrive $0xFFFF  }
0x12e: {  	_ =	strace $0x9000004A  }
0x12f: {  	s0 =	stileid.u32;
	[bflag:$0x2] =	sbarrier.arrive $0xFFFF  }
0x130: {  	p0 =	sne.s32 s0, $0x0;
	s0 =	rddreg [dreg:$0x3]  }
0x131: {  	s0 =	sadd.s32 @!p0 $0x100000, s0  }
0x132: {  	[sflag:s0] =	ssyncadd.tile.s32 @!p0 $0x1;
	_ =	shalt  }
.Lfunc_end2:
_tile_overlayer_lowered:
.L_overlay_start_2:
0x133: {  	(tag) =	ssettag $0x2  }
0x134: {  	s0 =	rddreg [dreg:$0x0];
	s2 =	stileid.u32  }
0x135: {  	s1 =	rddreg [dreg:$0x1];
	p0 =	sne.s32 s2, $0x0  }
0x136: {  	s3 =	rddreg [dreg:$0x2];
	[bflag:$0x3] =	sbarrier.arrive $0xFFFF;
	s2 =	simm.s32 @!p0 $0x1C15  }
0x137: {  	[timem:s3], [sflag:s2] =	dma.local @!p0 [hbm:s0], s1  }
0x138: {  	s0 =	simm.s32 @!p0 $0x15  }
0x139: {  	_ =	swait.ge @!p0 [sflag:s0], s1  }
0x13a: {  	s1 =	ssub.s32 @!p0 $0x0, s1;
	[sflag:s0] =	ssyncset.done @!p0 $0x0  }
0x13b: {  	[sflag:s0] =	ssyncadd.s32 @!p0 s1  }
0x13c: {  	[bflag:$0x3] =	sbarrier.arrive $0xFFFF  }
0x13d: {  	_ =	shalt  }

// kernel: kernel.7.cloned.1.call-start
scs
__scs_entry_jumppad:
0x0: {  	(pc) =	sbr.rel $0x88, $3  }
0x1: {  	(tag) =	ssettag $0x0;
	lr =	simm.s32 $0x1  }
0x2: {  	[smem:$0x3F99] =	sst lr;
	_ =	strace $0xD0000000  }
0x3: {  	_ = 	snop  }
0x4: {  	_ = 	snop  }
0x5: {  	_ = 	snop  }
0x6: {  	_ = 	snop  }
0x7: {  	_ = 	snop  }
__scs_overlays_trampoline_lowered:
0x8: {  	[smem:$0x3FA8] =	sst s0  }
0x9: {  	[smem:$0x3FA9] =	sst s1  }
0xa: {  	[smem:$0x3FAA] =	sst s2  }
0xb: {  	[smem:$0x3FAB] =	sst s3  }
0xc: {  	[smem:$0x3FAC] =	sst s4  }
0xd: {  	[smem:$0x3FAD] =	sst s5  }
0xe: {  	[smem:$0x3FAE] =	sst s6  }
0xf: {  	[smem:$0x3FAF] =	sst s7  }
0x10: {  	[smem:$0x3FB0] =	sst s8  }
0x11: {  	[smem:$0x3FB1] =	sst s9;
	s0 =	simm.s32 @!p0 $0x0  }
0x12: {  	s1 =	sld [smem:$0x3F97];
	s0 =	simm.s32 @p0 $0x1  }
0x13: {  	[smem:$0x3FB2] =	sst s0;
	s0 =	simm.s32 @!p1 $0x0  }
0x14: {  	s2 =	sld [smem:$0x3F96];
	s0 =	simm.s32 @p1 $0x1  }
0x15: {  	[smem:$0x3FB3] =	sst s0;
	s0 =	simm.s32 @!p2 $0x0  }
0x16: {  	s3 =	sld [smem:$0x3FDB];
	s0 =	simm.s32 @p2 $0x1  }
0x17: {  	s4 =	simm.s32 $0x1BF5;
	[smem:$0x3FB5] =	sst s0  }
0x18: {  	s0 =	sld [smem:$0x3F98];
	_ =	swait.ge [sflag:s4], $0x0  }
0x19: {  	s7 =	sld [smem:$0x3F99]  }
0x1a: {  	s8 =	sadd.s32 $0xFFFFE003, lr  }
0x1b: {  	s9 =	sadd.s32 $0xFFFFFEF7, lr;
	s5 =	simm.s32 $0xFFFFFFFF;
	p2 =	slt.u32 s8, $0xFFFFF086  }
0x1c: {  	p1 =	slt.u32 s9, $0xF7A;
	s5 =	simm.s32 @!p2 $0x0  }
0x1d: {  	s5 =	simm.s32 @p1 $0x1;
	p0 =	seq.s32 s7, s2  }
0x1e: {  	s7 =	smul.u32 @!p0 $0xF7A, s2;
	p2 =	seq.s32 @!p0 s5, $0x0  }
0x1f: {  	s9 =	smul.u32 $0xF7A, s1;
	s8 =	simm.s32 @!p0 $0x1BF5;
	p2 =	por !p2, p0  }
0x20: {  	[sflag:s8] =	ssyncset.s32 @!p0 $0xFFFFF086;
	s6 =	sadd.s32 @!p0 s3, s7;
	s7 =	simm.s32 @!p0 $0x108  }
0x21: {  	s3 =	sadd.s32 s3, s9;
	s6 =	sadd.s32 @!p0 $0x88, s6;
	s7 =	simm.s32 @p2 $0x1082  }
0x22: {  	[simem:s7], [sflag:s8] =	dma.local @!p0 [hbm:s6], $0xF7A  }
0x23: {  	s9 =	sor.u32 $0xD0000000, s2;
	s6 =	simm.s32 $0x108;
	_ =	swait.ge @!p0 [sflag:s8], $0x0  }
0x24: {  	s3 =	sadd.s32 $0x88, s3;
	s6 =	simm.s32 @!p1 $0x1082;
	[sflag:s4] =	ssyncset.s32 $0xFFFFF086  }
0x25: {  	[simem:s6], [sflag:s4] =	dma.local [hbm:s3], $0xF7A  }
0x26: {  	[smem:$0x3F99] =	sst s1;
	(tag) =	ssettag s2;
	_ =	strace s9  }
0x27: {  	s1 =	sld [smem:$0x3FA9]  }
0x28: {  	s2 =	sld [smem:$0x3FAA]  }
0x29: {  	s4 =	sld [smem:$0x3FAC]  }
0x2a: {  	p0 =	seq.s32 s5, $0x0;
	s5 =	sld [smem:$0x3FAD]  }
0x2b: {  	s6 =	sld [smem:$0x3FAE]  }
0x2c: {  	s7 =	sld [smem:$0x3FAF]  }
0x2d: {  	s3 =	simm.s32 $0x108;
	s8 =	sld [smem:$0x3FB0]  }
0x2e: {  	s3 =	simm.s32 @!p0 $0x1082;
	s9 =	sld [smem:$0x3FB1]  }
0x2f: {  	lr =	sadd.s32 s0, s3;
	s0 =	sld [smem:$0x3FA8]  }
0x30: {  	s3 =	sld [smem:$0x3FAB]  }
0x31: {  	[smem:$0x3FB4] =	sst s10  }
0x32: {  	s10 =	sld [smem:$0x3FB2];
	_ =	sdelay $0x3  }
0x33: {  	p0 =	seq.s32 s10, $0x1;
	s10 =	sld [smem:$0x3FB4];
	_ =	sdelay $0x3  }
0x34: {  	[smem:$0x3FB4] =	sst s10  }
0x35: {  	s10 =	sld [smem:$0x3FB3];
	_ =	sdelay $0x3  }
0x36: {  	p1 =	seq.s32 s10, $0x1;
	s10 =	sld [smem:$0x3FB4];
	_ =	sdelay $0x3  }
0x37: {  	[smem:$0x3FB4] =	sst s10  }
0x38: {  	s10 =	sld [smem:$0x3FB5]  }
0x39: {  	_ = 	snop;
	(pc) =	sbr.ind lr, $3  }
0x3a: {  	_ = 	snop  }
0x3b: {  	_ = 	snop  }
0x3c: {  	p2 =	seq.s32 s10, $0x1;
	s10 =	sld [smem:$0x3FB4]  }
0x3d: {  	_ =	shalt  }
0x3e: {  	_ =	shalt  }
0x3f: {  	_ =	shalt  }
0x40: {  	_ =	shalt  }
0x41: {  	_ =	shalt  }
0x42: {  	_ =	shalt  }
0x43: {  	_ =	shalt  }
0x44: {  	_ =	shalt  }
0x45: {  	_ =	shalt  }
0x46: {  	_ =	shalt  }
0x47: {  	_ =	shalt  }
0x48: {  	_ =	shalt  }
0x49: {  	_ =	shalt  }
0x4a: {  	_ =	shalt  }
0x4b: {  	_ =	shalt  }
0x4c: {  	_ =	shalt  }
0x4d: {  	_ =	shalt  }
0x4e: {  	_ =	shalt  }
0x4f: {  	_ =	shalt  }
0x50: {  	_ =	shalt  }
0x51: {  	_ =	shalt  }
0x52: {  	_ =	shalt  }
0x53: {  	_ =	shalt  }
0x54: {  	_ =	shalt  }
0x55: {  	_ =	shalt  }
0x56: {  	_ =	shalt  }
0x57: {  	_ =	shalt  }
0x58: {  	_ =	shalt  }
0x59: {  	_ =	shalt  }
0x5a: {  	_ =	shalt  }
0x5b: {  	_ =	shalt  }
0x5c: {  	_ =	shalt  }
0x5d: {  	_ =	shalt  }
0x5e: {  	_ =	shalt  }
0x5f: {  	_ =	shalt  }
0x60: {  	_ =	shalt  }
0x61: {  	_ =	shalt  }
0x62: {  	_ =	shalt  }
0x63: {  	_ =	shalt  }
0x64: {  	_ =	shalt  }
0x65: {  	_ =	shalt  }
0x66: {  	_ =	shalt  }
0x67: {  	_ =	shalt  }
0x68: {  	_ =	shalt  }
0x69: {  	_ =	shalt  }
0x6a: {  	_ =	shalt  }
0x6b: {  	_ =	shalt  }
0x6c: {  	_ =	shalt  }
0x6d: {  	_ =	shalt  }
0x6e: {  	_ =	shalt  }
0x6f: {  	_ =	shalt  }
0x70: {  	_ =	shalt  }
0x71: {  	_ =	shalt  }
0x72: {  	_ =	shalt  }
0x73: {  	_ =	shalt  }
0x74: {  	_ =	shalt  }
0x75: {  	_ =	shalt  }
0x76: {  	_ =	shalt  }
0x77: {  	_ =	shalt  }
0x78: {  	_ =	shalt  }
0x79: {  	_ =	shalt  }
0x7a: {  	_ =	shalt  }
0x7b: {  	_ =	shalt  }
0x7c: {  	_ =	shalt  }
0x7d: {  	_ =	shalt  }
0x7e: {  	_ =	shalt  }
0x7f: {  	_ =	shalt  }
0x80: {  	_ =	shalt  }
0x81: {  	_ =	shalt  }
0x82: {  	_ =	shalt  }
0x83: {  	_ =	shalt  }
0x84: {  	_ =	shalt  }
0x85: {  	_ =	shalt  }
0x86: {  	_ =	shalt  }
0x87: {  	_ =	shalt  }
.Lfunc_end0:
.L_simem_size_0:
called_computation_lowered:
.L_overlay_start_0:
0x88: {  	s2 =	sld [smem:$0x3FD9]  }
0x89: {  	s3 =	sld [smem:$0x3FFE];
	_ =	sdelay $0x1  }
0x8a: {  	s1 =	srdreg.scid  }
0x8b: {  	s0 =	sand.u32 $0x1, s1  }
0x8c: {  	s17 =	sshll.u32 s0, $0xA;
	s2 =	sadd.s32 s3, s2  }
0x8d: {  	s2 =	sadd.s32 s2, s17  }
0x8e: {  	[smem:$0x3FC0] =	sst s2  }
0x8f: {  	_ = 	snop  }
0x90: {  	s2 =	sld [smem:$0x3FD0];
	(tm) =	ssettm $0x1  }
0x91: {  	s18 =	sld [smem:$0x3FFB];
	_ =	sdelay $0x3  }
0x92: {  	_ =	strace s18  }
0x93: {  	s3 =	sld [smem:$0x3FFC];
	_ =	sdelay $0x3  }
0x94: {  	_ =	strace s3  }
0x95: {  	s3 =	sld [smem:$0x3FFD];
	_ =	sdelay $0x3  }
0x96: {  	_ =	strace s3  }
0x97: {  	_ =	strace $0x8FFFFFFF  }
0x98: {  	s19 =	sld [smem:$0x3FDB];
	_ =	sdelay $0x1  }
0x99: {  	s4 =	simm.s32 $_scs_section_size  }
0x9a: {  	s5 =	simm.s32 $_size__tile_overlayer_lowered;
	s6 =	simm.s32 $_tile_overlayer_lowered  }
0x9b: {  	s22 =	simm.s32 $0x1BFF;
	s21 =	sshll.u32 s6, $0x1;
	s3 =	sadd.s32 s4, s19  }
0x9c: {  	s7 =	simm.s32 $0x0;
	s20 =	sshll.u32 s5, $0x1;
	s5 =	sadd.s32 s21, s3  }
0x9d: {  	[timem:s7], [sflag:s22] =	dma.local [hbm:s5], s20  }
0x9e: {  	_ =	swait.ge [sflag:s22], s20  }
0x9f: {  	s4 =	ssub.s32 $0x0, s20;
	[sflag:s22] =	ssyncset.done $0x0  }
0xa0: {  	[sflag:s22] =	ssyncadd.s32 s4;
	_ =	sdelay $0x1  }
0xa1: {  	s23 =	simm.s32 $0x1B8B  }
0xa2: {  	_ =	swait.ge [sflag:s23], $0x1  }
0xa3: {  	[sflag:s23] =	ssyncset.done $0x0  }
0xa4: {  	s25 =	simm.s32 $0x1B8E;
	s24 =	sld [smem:$0x3FFE];
	[sflag:s23] =	ssyncadd.s32 $0xFFFFFFFF  }
0xa5: {  	s26 =	simm.s32 $execute0_lowered;
	[smem:$0x3FD2] =	sst s25  }
0xa6: {  	s5 =	sshll.u32 s26, $0x1;
	_ =	strace $0x80000046;
	[dreg:$0x1] =	wrdreg $0xFFFFFFFF  }
0xa7: {  	s28 =	simm.s32 $_size_execute0_lowered;
	s3 =	sadd.s32 s3, s5;
	[dreg:$0x0] =	wrdreg $0x0  }
0xa8: {  	s5 =	sshll.u32 s28, $0x1;
	[dreg:$0x2] =	wrdreg s3  }
0xa9: {  	[dreg:$0x3] =	wrdreg s5  }
0xaa: {  	[dreg:$0x4] =	wrdreg $0xC0  }
0xab: {  	_ =	task [dreg:s7], $0x5FFFF  }
0xac: {  	[dreg:$0x1] =	wrdreg $0xFFFFFFFF  }
0xad: {  	[dreg:$0x0] =	wrdreg $0x60  }
0xae: {  	[dreg:$0x2] =	wrdreg s24  }
0xaf: {  	[dreg:$0x3] =	wrdreg s2  }
0xb0: {  	[dreg:$0x4] =	wrdreg $0x186A00  }
0xb1: {  	[dreg:$0x5] =	wrdreg $0x9  }
0xb2: {  	_ =	task.clear_ibuf [dreg:s7], $0x6FFFF;
	_ =	strace $0x90000046  }
0xb3: {  	s29 =	simm.s32 $0x9;
	_ =	strace $0x80000048  }
0xb4: {  	_ =	swait.ge [sflag:s29], $0x1  }
0xb5: {  	[sflag:s29] =	ssyncadd.s32 $0xFFFFFFFF  }
0xb6: {  	_ =	strace $0x90000048  }
0xb7: {  	_ =	sfence  }
0xb8: {  	s30 =	sld [smem:$0x0];
	_ =	sdelay $0x2  }
0xb9: {  	s31 =	sshll.u32 s1, $0xD;
	s1 =	sshrl.u32 s1, $0x2  }
0xba: {  	s3 =	sand.u32 $0x4000, s31;
	s1 =	sadd.s32 s1, s30  }
0xbb: {  	s0 =	sor.u32 s3, s0;
	s1 =	sshll.u32 s1, $0x11  }
0xbc: {  	s0 =	sor.u32 s1, s0  }
0xbd: {  	s0 =	sadd.s32 $0x8F2B, s0  }
0xbe: {  	[sflag:s0] =	ssyncadd.remote.s32 $0x1  }
0xbf: {  	_ =	sfence.sel $0xFFFF  }
0xc0: {  	[dreg:$0x0] =	wrdreg $0xFFFFFFFF;
	(pc) =	sbr.abs _section_cstart, $3  }
0xc1: {  	[dreg:$0x1] =	wrdreg $0xFFFFFFFF  }
0xc2: {  	_ =	task.clear_ibuf [dreg:s7], $0x2FFFF;
	_ =	strace $0x9FFFFFFF  }
0xc3: {  	(tm) =	ssettm $0x7FFFFFFF  }
tec
execute0_lowered:
.L_overlay_start_1:
0x0: {  	(tag) =	ssettag $0x1  }
0x1: {  	s0 =	srdreg.scid;
	s1 =	rddreg [dreg:$0x0]  }
0x2: {  	s9 =	stileid.u32;
	s3 =	rddreg [dreg:$0x1]  }
0x3: {  	s26 =	simm.s32 $0x0;
	s14 =	simm.s32 $0xC8;
	s25 =	simm.s32 $0x6  }
0x4: {  	s28 =	simm.s32 $0x7;
	s30 =	simm.s32 $0x8;
	s11 =	simm.s32 $0x11  }
0x5: {  	s12 =	simm.s32 $0x12;
	s15 =	simm.s32 $0x13;
	s16 =	simm.s32 $0x14  }
0x6: {  	s0 =	sand.u32 $0x1, s0;
	s2 =	sshll.u32 s9, $0x1;
	s6 =	smul.u32 $0x61A8, s9  }
0x7: {  	[smem:$0x7FF] =	sst s26;
	s10 =	sadd.s32 $0x17200, s1;
	s9 =	sshll.u32 s9, $0x6  }
0x8: {  	s4 =	sor.u32 s0, s2;
	s2 =	rddreg [dreg:$0x2];
	s7 =	smul.u32 $0x61A80, s0  }
0x9: {  	_ =	strace $0x80000047;
	[dreg:$0x4] =	wrdreg s10;
	s0 =	ssub.s32 $0x2, s0  }
0xa: {  	s13 =	sor.u32 $0x1C15, s9;
	s9 =	simm.s32 $0xD;
	s10 =	simm.s32 $0xE  }
0xb: {  	s5 =	smul.u32 $0x4E2, s4;
	s4 =	sadd.s32 $0xAE00, s1;
	s29 =	sshrl.u32 s0, $0x1  }
0xc: {  	[dreg:$0x5] =	wrdreg s13;
	s7 =	sadd.s32 s6, s7;
	s0 =	ssub.s32 s0, s29  }
0xd: {  	s6 =	sadd.s32 s6, s2;
	s8 =	sadd.s32 s5, s1;
	s7 =	sshrl.u32 s7, $0x3  }
0xe: {  	s3 =	sadd.s32 s3, s5;
	s0 =	smax.u32 s0, $0x1;
	s20 =	sshrl.u32 s6, $0x3  }
0xf: {  	s5 =	simm.s32 $0xA;
	s6 =	simm.s32 $0x10;
	[dreg:$0x7] =	wrdreg s3  }
0x10: {  	s1 =	sadd.s32 s7, s1;
	s31 =	sadd.s32 $0x1000, s8;
	[dreg:$0x9] =	wrdreg s0  }
0x11: {  	s7 =	simm.s32 $0xB;
	s8 =	simm.s32 $0xC;
	[dreg:$0xa] =	wrdreg s20  }
0x12: {  	s3 =	simm.s32 $0xF;
	[dreg:$0x6] =	wrdreg s31;
	s1 =	sadd.s32 $0x18000, s1  }
0x13: {  	s0 =	simm.s32 $0x0;
	[dreg:$0x8] =	wrdreg s1;
	s1 =	simm.s32 $0x9  }
.LBB2_1:
0x14: {  	[dreg:$0xb] =	wrdreg s0  }
0x15: {  	s22 =	simm.s32 $0x15;
	s18 =	rddreg [dreg:$0x4]  }
0x16: {  	[spmem:s20], [sflag:s13] =	dma.local [hbm:s18], $0xC35  }
0x17: {  	_ =	swait.ge [sflag:s22], $0xC35  }
0x18: {  	[sflag:s22] =	ssyncset.done $0x0  }
0x19: {  	s13 =	simm.s32 $0x0;
	s17 =	rddreg [dreg:$0x6];
	[sflag:s22] =	ssyncadd.s32 $0xFFFFF3CB  }
0x1a: {  	[tilespmem:s13], [sflag:$0x15] =	stream.linear.gather [hbm4b:s17+s13], $0x2710, $0x38;
	[tilespmem:$0x1E848] =	vst v63  }
0x1b: {  	_ =	swait.ge [sflag:s22], $0x2710  }
0x1c: {  	[sflag:s22] =	ssyncset.done $0x0  }
0x1d: {  	s19 =	simm.s32 $0x2710;
	s18 =	rddreg [dreg:$0x7];
	[sflag:s22] =	ssyncadd.s32 $0xFFFFD8F0  }
0x1e: {  	[tilespmem:s19], [sflag:$0x15] =	stream.linear.gather [hbm4b:s18+s13], $0x2710, $0x38;
	[tilespmem:$0x1E848] =	vst v63  }
0x1f: {  	_ =	swait.ge [sflag:s22], $0x2710  }
0x20: {  	[sflag:s22] =	ssyncset.done $0x0  }
0x21: {  	[sflag:s22] =	ssyncadd.s32 $0xFFFFD8F0  }
0x22: {  	s20 =	simm.s32 $0x4E20;
	[bflag:$0x0] =	sbarrier.arrive $0xFFFF  }
0x23: {  	[tilespmem:s20], [sflag:$0x1] =	stream.indirect.gather [hbm4b:s4+s14], $0x28, s13, s14, $0xb8;
	[tilespmem:$0x1E848] =	vst v63  }
0x24: {  	s22 =	simm.s32 $0x6D60  }
0x25: {  	[tilespmem:s22], [sflag:$0x2] =	stream.indirect.gather [hbm4b:s4+s14], $0x28, s14, s14, $0xb8;
	[tilespmem:$0x1E848] =	vst v63  }
0x26: {  	s21 =	simm.s32 $0x190;
	s24 =	simm.s32 $0x8CA0  }
0x27: {  	[tilespmem:s24], [sflag:$0x3] =	stream.indirect.gather [hbm4b:s4+s14], $0x28, s21, s14, $0xb8;
	[tilespmem:$0x1E848] =	vst v63  }
0x28: {  	s23 =	simm.s32 $0x258;
	s0 =	simm.s32 $0xABE0  }
0x29: {  	[tilespmem:s0], [sflag:$0x4] =	stream.indirect.gather [hbm4b:s4+s14], $0x28, s23, s14, $0xb8;
	[tilespmem:$0x1E848] =	vst v63  }
0x2a: {  	s26 =	simm.s32 $0x320;
	s13 =	simm.s32 $0xCB20  }
0x2b: {  	[tilespmem:s13], [sflag:$0x5] =	stream.indirect.gather [hbm4b:s4+s14], $0x28, s26, s14, $0xb8;
	[tilespmem:$0x1E848] =	vst v63  }
0x2c: {  	s29 =	simm.s32 $0x3E8;
	s17 =	simm.s32 $0xEA60  }
0x2d: {  	[tilespmem:s17], [sflag:$0x6] =	stream.indirect.gather [hbm4b:s4+s14], $0x28, s29, s14, $0xb8;
	[tilespmem:$0x1E848] =	vst v63  }
0x2e: {  	s31 =	simm.s32 $0x4B0;
	s19 =	simm.s32 $0x109A0  }
0x2f: {  	[tilespmem:s19], [sflag:$0x7] =	stream.indirect.gather [hbm4b:s4+s14], $0x28, s31, s14, $0xb8;
	[tilespmem:$0x1E848] =	vst v63  }
0x30: {  	s21 =	simm.s32 $0x578;
	s26 =	simm.s32 $0x128E0  }
0x31: {  	[tilespmem:s26], [sflag:$0x8] =	stream.indirect.gather [hbm4b:s4+s14], $0x28, s21, s14, $0xb8;
	[tilespmem:$0x1E848] =	vst v63  }
0x32: {  	s23 =	simm.s32 $0x640;
	s21 =	simm.s32 $0x14820  }
0x33: {  	[tilespmem:s21], [sflag:$0x9] =	stream.indirect.gather [hbm4b:s4+s14], $0x28, s23, s14, $0xb8;
	[tilespmem:$0x1E848] =	vst v63  }
0x34: {  	s29 =	simm.s32 $0x708;
	s31 =	simm.s32 $0x1;
	s23 =	simm.s32 $0x16760  }
0x35: {  	[tilespmem:s23], [sflag:$0xA] =	stream.indirect.gather [hbm4b:s4+s14], $0x28, s29, s14, $0xb8;
	[tilespmem:$0x1E848] =	vst v63  }
0x36: {  	_ =	swait.ge [sflag:s31], $0x1F40  }
0x37: {  	[sflag:s31] =	ssyncset.done $0x0  }
0x38: {  	s29 =	simm.s32 $0x2710;
	[sflag:s31] =	ssyncadd.s32 $0xFFFFE0C0;
	s31 =	simm.s32 $0x2  }
0x39: {  	[spmem:s2] =	stream.indirect.scatter.add.f32 [tilespmem:s20], [sflag:$0xB], $0x28, s29, s14, $0xb8;
	[tilespmem:$0x1E848] =	vst v63  }
0x3a: {  	_ =	swait.ge [sflag:s31], $0x1F40  }
0x3b: {  	[sflag:s31] =	ssyncset.done $0x0  }
0x3c: {  	s29 =	simm.s32 $0x27D8;
	[sflag:s31] =	ssyncadd.s32 $0xFFFFE0C0;
	s31 =	simm.s32 $0x3  }
0x3d: {  	[spmem:s2] =	stream.indirect.scatter.add.f32 [tilespmem:s22], [sflag:$0xC], $0x28, s29, s14, $0xb8;
	[tilespmem:$0x1E848] =	vst v63  }
0x3e: {  	_ =	swait.ge [sflag:s31], $0x1F40  }
0x3f: {  	[sflag:s31] =	ssyncset.done $0x0  }
0x40: {  	s29 =	simm.s32 $0x28A0;
	[sflag:s31] =	ssyncadd.s32 $0xFFFFE0C0;
	s31 =	simm.s32 $0x4  }
0x41: {  	[spmem:s2] =	stream.indirect.scatter.add.f32 [tilespmem:s24], [sflag:$0xD], $0x28, s29, s14, $0xb8;
	[tilespmem:$0x1E848] =	vst v63  }
0x42: {  	_ =	swait.ge [sflag:s31], $0x1F40  }
0x43: {  	[sflag:s31] =	ssyncset.done $0x0  }
0x44: {  	s29 =	simm.s32 $0x2968;
	[sflag:s31] =	ssyncadd.s32 $0xFFFFE0C0;
	s31 =	simm.s32 $0x5  }
0x45: {  	[spmem:s2] =	stream.indirect.scatter.add.f32 [tilespmem:s0], [sflag:$0xE], $0x28, s29, s14, $0xb8;
	[tilespmem:$0x1E848] =	vst v63  }
0x46: {  	_ =	swait.ge [sflag:s31], $0x1F40  }
0x47: {  	[sflag:s31] =	ssyncset.done $0x0  }
0x48: {  	s29 =	simm.s32 $0x2A30;
	[sflag:s31] =	ssyncadd.s32 $0xFFFFE0C0  }
0x49: {  	[spmem:s2] =	stream.indirect.scatter.add.f32 [tilespmem:s13], [sflag:$0xF], $0x28, s29, s14, $0xb8;
	[tilespmem:$0x1E848] =	vst v63  }
0x4a: {  	_ =	swait.ge [sflag:s25], $0x1F40  }
0x4b: {  	[sflag:s25] =	ssyncset.done $0x0  }
0x4c: {  	s31 =	simm.s32 $0x2AF8;
	[sflag:s25] =	ssyncadd.s32 $0xFFFFE0C0  }
0x4d: {  	[spmem:s2] =	stream.indirect.scatter.add.f32 [tilespmem:s17], [sflag:$0x10], $0x28, s31, s14, $0xb8;
	[tilespmem:$0x1E848] =	vst v63  }
0x4e: {  	_ =	swait.ge [sflag:s28], $0x1F40  }
0x4f: {  	[sflag:s28] =	ssyncset.done $0x0  }
0x50: {  	s29 =	simm.s32 $0x2BC0;
	[sflag:s28] =	ssyncadd.s32 $0xFFFFE0C0  }
0x51: {  	[spmem:s2] =	stream.indirect.scatter.add.f32 [tilespmem:s19], [sflag:$0x11], $0x28, s29, s14, $0xb8;
	[tilespmem:$0x1E848] =	vst v63  }
0x52: {  	_ =	swait.ge [sflag:s30], $0x1F40  }
0x53: {  	[sflag:s30] =	ssyncset.done $0x0  }
0x54: {  	s31 =	simm.s32 $0x2C88;
	[sflag:s30] =	ssyncadd.s32 $0xFFFFE0C0  }
0x55: {  	[spmem:s2] =	stream.indirect.scatter.add.f32 [tilespmem:s26], [sflag:$0x12], $0x28, s31, s14, $0xb8;
	[tilespmem:$0x1E848] =	vst v63  }
0x56: {  	_ =	swait.ge [sflag:s1], $0x1F40  }
0x57: {  	[sflag:s1] =	ssyncset.done $0x0  }
0x58: {  	s29 =	simm.s32 $0x2D50;
	[sflag:s1] =	ssyncadd.s32 $0xFFFFE0C0  }
0x59: {  	[spmem:s2] =	stream.indirect.scatter.add.f32 [tilespmem:s21], [sflag:$0x13], $0x28, s29, s14, $0xb8;
	[tilespmem:$0x1E848] =	vst v63  }
0x5a: {  	_ =	swait.ge [sflag:s5], $0x1F40  }
0x5b: {  	[sflag:s5] =	ssyncset.done $0x0  }
0x5c: {  	s31 =	simm.s32 $0x2E18;
	[sflag:s5] =	ssyncadd.s32 $0xFFFFE0C0  }
0x5d: {  	[spmem:s2] =	stream.indirect.scatter.add.f32 [tilespmem:s23], [sflag:$0x14], $0x28, s31, s14, $0xb8;
	[tilespmem:$0x1E848] =	vst v63  }
0x5e: {  	_ =	swait.ge [sflag:s7], $0x1F40  }
0x5f: {  	[sflag:s7] =	ssyncset.done $0x0  }
0x60: {  	s23 =	simm.s32 $0x7D0;
	[sflag:s7] =	ssyncadd.s32 $0xFFFFE0C0  }
0x61: {  	[tilespmem:s20], [sflag:$0x1] =	stream.indirect.gather [hbm4b:s4+s14], $0x28, s23, s14, $0xb8;
	[tilespmem:$0x1E848] =	vst v63  }
0x62: {  	_ =	swait.ge [sflag:s8], $0x1F40  }
0x63: {  	[sflag:s8] =	ssyncset.done $0x0  }
0x64: {  	s29 =	simm.s32 $0x898;
	[sflag:s8] =	ssyncadd.s32 $0xFFFFE0C0  }
0x65: {  	[tilespmem:s22], [sflag:$0x2] =	stream.indirect.gather [hbm4b:s4+s14], $0x28, s29, s14, $0xb8;
	[tilespmem:$0x1E848] =	vst v63  }
0x66: {  	_ =	swait.ge [sflag:s9], $0x1F40  }
0x67: {  	[sflag:s9] =	ssyncset.done $0x0  }
0x68: {  	s31 =	simm.s32 $0x960;
	[sflag:s9] =	ssyncadd.s32 $0xFFFFE0C0  }
0x69: {  	[tilespmem:s24], [sflag:$0x3] =	stream.indirect.gather [hbm4b:s4+s14], $0x28, s31, s14, $0xb8;
	[tilespmem:$0x1E848] =	vst v63  }
0x6a: {  	_ =	swait.ge [sflag:s10], $0x1F40  }
0x6b: {  	[sflag:s10] =	ssyncset.done $0x0  }
0x6c: {  	s20 =	simm.s32 $0xA28;
	[sflag:s10] =	ssyncadd.s32 $0xFFFFE0C0  }
0x6d: {  	[tilespmem:s0], [sflag:$0x4] =	stream.indirect.gather [hbm4b:s4+s14], $0x28, s20, s14, $0xb8;
	[tilespmem:$0x1E848] =	vst v63  }
0x6e: {  	_ =	swait.ge [sflag:s3], $0x1F40  }
0x6f: {  	[sflag:s3] =	ssyncset.done $0x0  }
0x70: {  	s22 =	simm.s32 $0xAF0;
	[sflag:s3] =	ssyncadd.s32 $0xFFFFE0C0  }
0x71: {  	[tilespmem:s13], [sflag:$0x5] =	stream.indirect.gather [hbm4b:s4+s14], $0x28, s22, s14, $0xb8;
	[tilespmem:$0x1E848] =	vst v63  }
0x72: {  	_ =	swait.ge [sflag:s6], $0x1F40  }
0x73: {  	[sflag:s6] =	ssyncset.done $0x0  }
0x74: {  	s23 =	simm.s32 $0xBB8;
	[sflag:s6] =	ssyncadd.s32 $0xFFFFE0C0  }
0x75: {  	[tilespmem:s17], [sflag:$0x6] =	stream.indirect.gather [hbm4b:s4+s14], $0x28, s23, s14, $0xb8;
	[tilespmem:$0x1E848] =	vst v63  }
0x76: {  	_ =	swait.ge [sflag:s11], $0x1F40  }
0x77: {  	[sflag:s11] =	ssyncset.done $0x0  }
0x78: {  	s24 =	simm.s32 $0xC80;
	[sflag:s11] =	ssyncadd.s32 $0xFFFFE0C0  }
0x79: {  	[tilespmem:s19], [sflag:$0x7] =	stream.indirect.gather [hbm4b:s4+s14], $0x28, s24, s14, $0xb8;
	[tilespmem:$0x1E848] =	vst v63  }
0x7a: {  	_ =	swait.ge [sflag:s12], $0x1F40  }
0x7b: {  	[sflag:s12] =	ssyncset.done $0x0  }
0x7c: {  	s29 =	simm.s32 $0xD48;
	[sflag:s12] =	ssyncadd.s32 $0xFFFFE0C0  }
0x7d: {  	[tilespmem:s26], [sflag:$0x8] =	stream.indirect.gather [hbm4b:s4+s14], $0x28, s29, s14, $0xb8;
	[tilespmem:$0x1E848] =	vst v63  }
0x7e: {  	_ =	swait.ge [sflag:s15], $0x1F40  }
0x7f: {  	[sflag:s15] =	ssyncset.done $0x0  }
0x80: {  	s31 =	simm.s32 $0xE10;
	[sflag:s15] =	ssyncadd.s32 $0xFFFFE0C0  }
0x81: {  	[tilespmem:s21], [sflag:$0x9] =	stream.indirect.gather [hbm4b:s4+s14], $0x28, s31, s14, $0xb8;
	[tilespmem:$0x1E848] =	vst v63  }
0x82: {  	_ =	swait.ge [sflag:s16], $0x1F40  }
0x83: {  	[sflag:s16] =	ssyncset.done $0x0  }
0x84: {  	s18 =	simm.s32 $0x1F40;
	s20 =	simm.s32 $0xED8;
	[sflag:s16] =	ssyncadd.s32 $0xFFFFE0C0  }
.LBB2_2:
0x85: {  	s26 =	simm.s32 $0x16760  }
0x86: {  	[tilespmem:s26], [sflag:$0xA] =	stream.indirect.gather [hbm4b:s4+s14], $0x28, s20, s14, $0xb8;
	[tilespmem:$0x1E848] =	vst v63  }
0x87: {  	s0 =	simm.s32 $0x1;
	s20 =	smov.u32 s18  }
0x88: {  	p0 =	sne.s32 s18, $0x5DC0;
	s18 =	sadd.s32 $0x1F40, s18;
	_ =	swait.ge [sflag:s0], $0x1F40  }
0x89: {  	s24 =	simm.s32 $0x4E20;
	s20 =	sshra.s32 s20, $0x2;
	[sflag:s0] =	ssyncset.done $0x0  }
0x8a: {  	s22 =	sadd.s32 $0x2710, s20;
	[sflag:s0] =	ssyncadd.s32 $0xFFFFE0C0;
	s0 =	simm.s32 $0x2  }
0x8b: {  	[spmem:s2] =	stream.indirect.scatter.add.f32 [tilespmem:s24], [sflag:$0xB], $0x28, s22, s14, $0xb8;
	[tilespmem:$0x1E848] =	vst v63  }
0x8c: {  	_ =	swait.ge [sflag:s0], $0x1F40  }
0x8d: {  	s29 =	simm.s32 $0x6D60;
	[sflag:s0] =	ssyncset.done $0x0  }
0x8e: {  	s22 =	sadd.s32 $0x27D8, s20;
	[sflag:s0] =	ssyncadd.s32 $0xFFFFE0C0;
	s0 =	simm.s32 $0x3  }
0x8f: {  	[spmem:s2] =	stream.indirect.scatter.add.f32 [tilespmem:s29], [sflag:$0xC], $0x28, s22, s14, $0xb8;
	[tilespmem:$0x1E848] =	vst v63  }
0x90: {  	_ =	swait.ge [sflag:s0], $0x1F40  }
0x91: {  	s31 =	simm.s32 $0x8CA0;
	[sflag:s0] =	ssyncset.done $0x0  }
0x92: {  	s22 =	sadd.s32 $0x28A0, s20;
	[sflag:s0] =	ssyncadd.s32 $0xFFFFE0C0;
	s0 =	simm.s32 $0x4  }
0x93: {  	[spmem:s2] =	stream.indirect.scatter.add.f32 [tilespmem:s31], [sflag:$0xD], $0x28, s22, s14, $0xb8;
	[tilespmem:$0x1E848] =	vst v63  }
0x94: {  	_ =	swait.ge [sflag:s0], $0x1F40  }
0x95: {  	s13 =	simm.s32 $0x5;
	[sflag:s0] =	ssyncset.done $0x0  }
0x96: {  	s22 =	sadd.s32 $0x2968, s20;
	[sflag:s0] =	ssyncadd.s32 $0xFFFFE0C0;
	s0 =	simm.s32 $0xABE0  }
0x97: {  	[spmem:s2] =	stream.indirect.scatter.add.f32 [tilespmem:s0], [sflag:$0xE], $0x28, s22, s14, $0xb8;
	[tilespmem:$0x1E848] =	vst v63  }
0x98: {  	_ =	swait.ge [sflag:s13], $0x1F40  }
0x99: {  	[sflag:s13] =	ssyncset.done $0x0  }
0x9a: {  	s22 =	sadd.s32 $0x2A30, s20;
	[sflag:s13] =	ssyncadd.s32 $0xFFFFE0C0;
	s13 =	simm.s32 $0xCB20  }
0x9b: {  	[spmem:s2] =	stream.indirect.scatter.add.f32 [tilespmem:s13], [sflag:$0xF], $0x28, s22, s14, $0xb8;
	[tilespmem:$0x1E848] =	vst v63  }
0x9c: {  	_ =	swait.ge [sflag:s25], $0x1F40  }
0x9d: {  	[sflag:s25] =	ssyncset.done $0x0  }
0x9e: {  	s17 =	simm.s32 $0xEA60;
	s22 =	sadd.s32 $0x2AF8, s20;
	[sflag:s25] =	ssyncadd.s32 $0xFFFFE0C0  }
0x9f: {  	[spmem:s2] =	stream.indirect.scatter.add.f32 [tilespmem:s17], [sflag:$0x10], $0x28, s22, s14, $0xb8;
	[tilespmem:$0x1E848] =	vst v63  }
0xa0: {  	_ =	swait.ge [sflag:s28], $0x1F40  }
0xa1: {  	[sflag:s28] =	ssyncset.done $0x0  }
0xa2: {  	s19 =	simm.s32 $0x109A0;
	s22 =	sadd.s32 $0x2BC0, s20;
	[sflag:s28] =	ssyncadd.s32 $0xFFFFE0C0  }
0xa3: {  	[spmem:s2] =	stream.indirect.scatter.add.f32 [tilespmem:s19], [sflag:$0x11], $0x28, s22, s14, $0xb8;
	[tilespmem:$0x1E848] =	vst v63  }
0xa4: {  	_ =	swait.ge [sflag:s30], $0x1F40  }
0xa5: {  	[sflag:s30] =	ssyncset.done $0x0  }
0xa6: {  	s21 =	simm.s32 $0x128E0;
	s22 =	sadd.s32 $0x2C88, s20;
	[sflag:s30] =	ssyncadd.s32 $0xFFFFE0C0  }
0xa7: {  	[spmem:s2] =	stream.indirect.scatter.add.f32 [tilespmem:s21], [sflag:$0x12], $0x28, s22, s14, $0xb8;
	[tilespmem:$0x1E848] =	vst v63  }
0xa8: {  	_ =	swait.ge [sflag:s1], $0x1F40  }
0xa9: {  	[sflag:s1] =	ssyncset.done $0x0  }
0xaa: {  	s23 =	simm.s32 $0x14820;
	s22 =	sadd.s32 $0x2D50, s20;
	[sflag:s1] =	ssyncadd.s32 $0xFFFFE0C0  }
0xab: {  	[spmem:s2] =	stream.indirect.scatter.add.f32 [tilespmem:s23], [sflag:$0x13], $0x28, s22, s14, $0xb8;
	[tilespmem:$0x1E848] =	vst v63  }
0xac: {  	_ =	swait.ge [sflag:s5], $0x1F40  }
0xad: {  	[sflag:s5] =	ssyncset.done $0x0  }
0xae: {  	s22 =	sadd.s32 $0x2E18, s20;
	[sflag:s5] =	ssyncadd.s32 $0xFFFFE0C0  }
0xaf: {  	[spmem:s2] =	stream.indirect.scatter.add.f32 [tilespmem:s26], [sflag:$0x14], $0x28, s22, s14, $0xb8;
	[tilespmem:$0x1E848] =	vst v63  }
0xb0: {  	_ =	swait.ge [sflag:s7], $0x1F40  }
0xb1: {  	[sflag:s7] =	ssyncset.done $0x0  }
0xb2: {  	s22 =	sadd.s32 $0x7D0, s20;
	s26 =	simm.s32 $0x4E20;
	[sflag:s7] =	ssyncadd.s32 $0xFFFFE0C0  }
0xb3: {  	[tilespmem:s24], [sflag:$0x1] =	stream.indirect.gather [hbm4b:s4+s14], $0x28, s22, s14, $0xb8;
	[tilespmem:$0x1E848] =	vst v63  }
0xb4: {  	_ =	swait.ge [sflag:s8], $0x1F40  }
0xb5: {  	[sflag:s8] =	ssyncset.done $0x0  }
0xb6: {  	s22 =	sadd.s32 $0x898, s20;
	s24 =	simm.s32 $0x6D60;
	[sflag:s8] =	ssyncadd.s32 $0xFFFFE0C0  }
0xb7: {  	[tilespmem:s29], [sflag:$0x2] =	stream.indirect.gather [hbm4b:s4+s14], $0x28, s22, s14, $0xb8;
	[tilespmem:$0x1E848] =	vst v63  }
0xb8: {  	_ =	swait.ge [sflag:s9], $0x1F40  }
0xb9: {  	[sflag:s9] =	ssyncset.done $0x0  }
0xba: {  	s22 =	sadd.s32 $0x960, s20;
	s29 =	simm.s32 $0x8CA0;
	[sflag:s9] =	ssyncadd.s32 $0xFFFFE0C0  }
0xbb: {  	[tilespmem:s31], [sflag:$0x3] =	stream.indirect.gather [hbm4b:s4+s14], $0x28, s22, s14, $0xb8;
	[tilespmem:$0x1E848] =	vst v63  }
0xbc: {  	_ =	swait.ge [sflag:s10], $0x1F40  }
0xbd: {  	[sflag:s10] =	ssyncset.done $0x0  }
0xbe: {  	s22 =	sadd.s32 $0xA28, s20;
	s31 =	simm.s32 $0xABE0;
	[sflag:s10] =	ssyncadd.s32 $0xFFFFE0C0  }
0xbf: {  	[tilespmem:s0], [sflag:$0x4] =	stream.indirect.gather [hbm4b:s4+s14], $0x28, s22, s14, $0xb8;
	[tilespmem:$0x1E848] =	vst v63  }
0xc0: {  	_ =	swait.ge [sflag:s3], $0x1F40  }
0xc1: {  	[sflag:s3] =	ssyncset.done $0x0  }
0xc2: {  	s22 =	sadd.s32 $0xAF0, s20;
	s0 =	simm.s32 $0xCB20;
	[sflag:s3] =	ssyncadd.s32 $0xFFFFE0C0  }
0xc3: {  	[tilespmem:s13], [sflag:$0x5] =	stream.indirect.gather [hbm4b:s4+s14], $0x28, s22, s14, $0xb8;
	[tilespmem:$0x1E848] =	vst v63  }
0xc4: {  	_ =	swait.ge [sflag:s6], $0x1F40  }
0xc5: {  	[sflag:s6] =	ssyncset.done $0x0  }
0xc6: {  	s22 =	sadd.s32 $0xBB8, s20;
	s13 =	simm.s32 $0xEA60;
	[sflag:s6] =	ssyncadd.s32 $0xFFFFE0C0  }
0xc7: {  	[tilespmem:s17], [sflag:$0x6] =	stream.indirect.gather [hbm4b:s4+s14], $0x28, s22, s14, $0xb8;
	[tilespmem:$0x1E848] =	vst v63  }
0xc8: {  	_ =	swait.ge [sflag:s11], $0x1F40  }
0xc9: {  	[sflag:s11] =	ssyncset.done $0x0  }
0xca: {  	s22 =	sadd.s32 $0xC80, s20;
	s17 =	simm.s32 $0x109A0;
	[sflag:s11] =	ssyncadd.s32 $0xFFFFE0C0  }
0xcb: {  	[tilespmem:s19], [sflag:$0x7] =	stream.indirect.gather [hbm4b:s4+s14], $0x28, s22, s14, $0xb8;
	[tilespmem:$0x1E848] =	vst v63  }
0xcc: {  	_ =	swait.ge [sflag:s12], $0x1F40  }
0xcd: {  	[sflag:s12] =	ssyncset.done $0x0  }
0xce: {  	s22 =	sadd.s32 $0xD48, s20;
	s19 =	simm.s32 $0x128E0;
	[sflag:s12] =	ssyncadd.s32 $0xFFFFE0C0  }
0xcf: {  	[tilespmem:s21], [sflag:$0x8] =	stream.indirect.gather [hbm4b:s4+s14], $0x28, s22, s14, $0xb8;
	[tilespmem:$0x1E848] =	vst v63  }
0xd0: {  	_ =	swait.ge [sflag:s15], $0x1F40  }
0xd1: {  	s22 =	sadd.s32 $0xE10, s20;
	[sflag:s15] =	ssyncset.done $0x0  }
.Ltmp0:
0xd2: {  	s21 =	simm.s32 $0x14820;
	[sflag:s15] =	ssyncadd.s32 $0xFFFFE0C0;
	(pc) =	sbr.rel @p0 .LBB2_2-.Ltmp0, $4  }
0xd3: {  	[tilespmem:s23], [sflag:$0x9] =	stream.indirect.gather [hbm4b:s4+s14], $0x28, s22, s14, $0xb8;
	[tilespmem:$0x1E848] =	vst v63  }
0xd4: {  	_ =	swait.ge [sflag:s16], $0x1F40  }
0xd5: {  	[sflag:s16] =	ssyncset.done $0x0  }
0xd6: {  	s20 =	sadd.s32 $0xED8, s20;
	[sflag:s16] =	ssyncadd.s32 $0xFFFFE0C0  }
0xd7: {  	s18 =	simm.s32 $0x16760;
	s22 =	simm.s32 $0x1  }
0xd8: {  	[tilespmem:s18], [sflag:$0xA] =	stream.indirect.gather [hbm4b:s4+s14], $0x28, s20, s14, $0xb8;
	[tilespmem:$0x1E848] =	vst v63  }
0xd9: {  	_ =	swait.ge [sflag:s22], $0x1F40  }
0xda: {  	[sflag:s22] =	ssyncset.done $0x0  }
0xdb: {  	s23 =	simm.s32 $0x4650;
	[sflag:s22] =	ssyncadd.s32 $0xFFFFE0C0;
	s22 =	simm.s32 $0x2  }
0xdc: {  	[spmem:s2] =	stream.indirect.scatter.add.f32 [tilespmem:s26], [sflag:$0xB], $0x28, s23, s14, $0xb8;
	[tilespmem:$0x1E848] =	vst v63  }
0xdd: {  	_ =	swait.ge [sflag:s22], $0x1F40  }
0xde: {  	[sflag:s22] =	ssyncset.done $0x0  }
0xdf: {  	s23 =	simm.s32 $0x4718;
	s26 =	simm.s32 $0x3;
	[sflag:s22] =	ssyncadd.s32 $0xFFFFE0C0  }
0xe0: {  	[spmem:s2] =	stream.indirect.scatter.add.f32 [tilespmem:s24], [sflag:$0xC], $0x28, s23, s14, $0xb8;
	[tilespmem:$0x1E848] =	vst v63  }
0xe1: {  	_ =	swait.ge [sflag:s26], $0x1F40  }
0xe2: {  	[sflag:s26] =	ssyncset.done $0x0  }
0xe3: {  	s22 =	simm.s32 $0x47E0;
	s23 =	simm.s32 $0x4;
	[sflag:s26] =	ssyncadd.s32 $0xFFFFE0C0  }
0xe4: {  	[spmem:s2] =	stream.indirect.scatter.add.f32 [tilespmem:s29], [sflag:$0xD], $0x28, s22, s14, $0xb8;
	[tilespmem:$0x1E848] =	vst v63  }
0xe5: {  	_ =	swait.ge [sflag:s23], $0x1F40  }
0xe6: {  	[sflag:s23] =	ssyncset.done $0x0  }
0xe7: {  	s24 =	simm.s32 $0x48A8;
	s26 =	simm.s32 $0x5;
	[sflag:s23] =	ssyncadd.s32 $0xFFFFE0C0  }
0xe8: {  	[spmem:s2] =	stream.indirect.scatter.add.f32 [tilespmem:s31], [sflag:$0xE], $0x28, s24, s14, $0xb8;
	[tilespmem:$0x1E848] =	vst v63  }
0xe9: {  	_ =	swait.ge [sflag:s26], $0x1F40  }
0xea: {  	[sflag:s26] =	ssyncset.done $0x0  }
0xeb: {  	s29 =	simm.s32 $0x4970;
	[sflag:s26] =	ssyncadd.s32 $0xFFFFE0C0  }
0xec: {  	[spmem:s2] =	stream.indirect.scatter.add.f32 [tilespmem:s0], [sflag:$0xF], $0x28, s29, s14, $0xb8;
	[tilespmem:$0x1E848] =	vst v63  }
0xed: {  	_ =	swait.ge [sflag:s25], $0x1F40  }
0xee: {  	[sflag:s25] =	ssyncset.done $0x0  }
0xef: {  	s31 =	simm.s32 $0x4A38;
	[sflag:s25] =	ssyncadd.s32 $0xFFFFE0C0  }
0xf0: {  	[spmem:s2] =	stream.indirect.scatter.add.f32 [tilespmem:s13], [sflag:$0x10], $0x28, s31, s14, $0xb8;
	[tilespmem:$0x1E848] =	vst v63  }
0xf1: {  	_ =	swait.ge [sflag:s28], $0x1F40  }
0xf2: {  	[sflag:s28] =	ssyncset.done $0x0  }
0xf3: {  	s13 =	simm.s32 $0x4B00;
	[sflag:s28] =	ssyncadd.s32 $0xFFFFE0C0  }
0xf4: {  	[spmem:s2] =	stream.indirect.scatter.add.f32 [tilespmem:s17], [sflag:$0x11], $0x28, s13, s14, $0xb8;
	[tilespmem:$0x1E848] =	vst v63  }
0xf5: {  	_ =	swait.ge [sflag:s30], $0x1F40  }
0xf6: {  	[sflag:s30] =	ssyncset.done $0x0  }
0xf7: {  	s17 =	simm.s32 $0x4BC8;
	[sflag:s30] =	ssyncadd.s32 $0xFFFFE0C0  }
0xf8: {  	[spmem:s2] =	stream.indirect.scatter.add.f32 [tilespmem:s19], [sflag:$0x12], $0x28, s17, s14, $0xb8;
	[tilespmem:$0x1E848] =	vst v63  }
0xf9: {  	_ =	swait.ge [sflag:s1], $0x1F40  }
0xfa: {  	[sflag:s1] =	ssyncset.done $0x0  }
0xfb: {  	s20 =	simm.s32 $0x4C90;
	[sflag:s1] =	ssyncadd.s32 $0xFFFFE0C0  }
0xfc: {  	[spmem:s2] =	stream.indirect.scatter.add.f32 [tilespmem:s21], [sflag:$0x13], $0x28, s20, s14, $0xb8;
	[tilespmem:$0x1E848] =	vst v63  }
0xfd: {  	_ =	swait.ge [sflag:s5], $0x1F40  }
0xfe: {  	[sflag:s5] =	ssyncset.done $0x0  }
0xff: {  	s22 =	simm.s32 $0x4D58;
	[sflag:s5] =	ssyncadd.s32 $0xFFFFE0C0  }
0x100: {  	[spmem:s2] =	stream.indirect.scatter.add.f32 [tilespmem:s18], [sflag:$0x14], $0x28, s22, s14, $0xb8;
	[tilespmem:$0x1E848] =	vst v63  }
0x101: {  	_ =	swait.ge [sflag:s7], $0x1F40  }
0x102: {  	[sflag:s7] =	ssyncset.done $0x0  }
0x103: {  	[sflag:s7] =	ssyncadd.s32 $0xFFFFE0C0  }
0x104: {  	_ =	swait.ge [sflag:s8], $0x1F40  }
0x105: {  	[sflag:s8] =	ssyncset.done $0x0  }
0x106: {  	[sflag:s8] =	ssyncadd.s32 $0xFFFFE0C0  }
0x107: {  	_ =	swait.ge [sflag:s9], $0x1F40  }
0x108: {  	[sflag:s9] =	ssyncset.done $0x0  }
0x109: {  	[sflag:s9] =	ssyncadd.s32 $0xFFFFE0C0  }
0x10a: {  	_ =	swait.ge [sflag:s10], $0x1F40  }
0x10b: {  	[sflag:s10] =	ssyncset.done $0x0  }
0x10c: {  	[sflag:s10] =	ssyncadd.s32 $0xFFFFE0C0  }
0x10d: {  	_ =	swait.ge [sflag:s3], $0x1F40  }
0x10e: {  	[sflag:s3] =	ssyncset.done $0x0  }
0x10f: {  	[sflag:s3] =	ssyncadd.s32 $0xFFFFE0C0  }
0x110: {  	_ =	swait.ge [sflag:s6], $0x1F40  }
0x111: {  	[sflag:s6] =	ssyncset.done $0x0  }
0x112: {  	[sflag:s6] =	ssyncadd.s32 $0xFFFFE0C0  }
0x113: {  	_ =	swait.ge [sflag:s11], $0x1F40  }
0x114: {  	[sflag:s11] =	ssyncset.done $0x0  }
0x115: {  	[sflag:s11] =	ssyncadd.s32 $0xFFFFE0C0  }
0x116: {  	_ =	swait.ge [sflag:s12], $0x1F40  }
0x117: {  	[sflag:s12] =	ssyncset.done $0x0  }
0x118: {  	[sflag:s12] =	ssyncadd.s32 $0xFFFFE0C0  }
0x119: {  	_ =	swait.ge [sflag:s15], $0x1F40  }
0x11a: {  	[sflag:s15] =	ssyncset.done $0x0  }
0x11b: {  	[sflag:s15] =	ssyncadd.s32 $0xFFFFE0C0  }
0x11c: {  	_ =	swait.ge [sflag:s16], $0x1F40  }
0x11d: {  	[sflag:s16] =	ssyncset.done $0x0  }
0x11e: {  	[sflag:s16] =	ssyncadd.s32 $0xFFFFE0C0  }
0x11f: {  	[bflag:$0x0] =	sbarrier.arrive $0xFFFF  }
0x120: {  	s13 =	rddreg [dreg:$0x5]  }
0x121: {  	s23 =	rddreg [dreg:$0x8]  }
0x122: {  	s24 =	simm.s32 $0x15;
	s20 =	rddreg [dreg:$0xa]  }
0x123: {  	[hbm:s23], [sflag:s13] =	dma.local [spmem:s20], $0xC35  }
0x124: {  	_ =	swait.ge [sflag:s24], $0xC35  }
0x125: {  	s26 =	rddreg [dreg:$0xb]  }
0x126: {  	s29 =	rddreg [dreg:$0x9];
	s0 =	sadd.s32 $0x1, s26  }
0x127: {  	p0 =	sne.s32 s0, s29  }
.Ltmp1:
0x128: {  	_ = 	snop;
	(pc) =	sbr.rel @p0 .LBB2_1-.Ltmp1, $3  }
0x129: {  	_ =	sdelay $0x1  }
0x12a: {  	s31 =	simm.s32 $0x15;
	[sflag:s24] =	ssyncset.done $0x0  }
0x12b: {  	[sflag:s31] =	ssyncadd.s32 $0xFFFFF3CB  }
0x12c: {  	_ =	sfence.sel $0x180000  }
0x12d: {  	[bflag:$0x0] =	sbarrier.arrive $0xFFFF  }
0x12e: {  	_ =	strace $0x90000047  }
0x12f: {  	s0 =	stileid.u32;
	[bflag:$0x2] =	sbarrier.arrive $0xFFFF  }
0x130: {  	p0 =	sne.s32 s0, $0x0;
	s0 =	rddreg [dreg:$0x3]  }
0x131: {  	s0 =	sadd.s32 @!p0 $0x100000, s0  }
0x132: {  	[sflag:s0] =	ssyncadd.tile.s32 @!p0 $0x1;
	_ =	shalt  }
.Lfunc_end2:
_tile_overlayer_lowered:
.L_overlay_start_2:
0x133: {  	(tag) =	ssettag $0x2  }
0x134: {  	s0 =	rddreg [dreg:$0x0];
	s2 =	stileid.u32  }
0x135: {  	s1 =	rddreg [dreg:$0x1];
	p0 =	sne.s32 s2, $0x0  }
0x136: {  	s3 =	rddreg [dreg:$0x2];
	[bflag:$0x3] =	sbarrier.arrive $0xFFFF;
	s2 =	simm.s32 @!p0 $0x1C15  }
0x137: {  	[timem:s3], [sflag:s2] =	dma.local @!p0 [hbm:s0], s1  }
0x138: {  	s0 =	simm.s32 @!p0 $0x15  }
0x139: {  	_ =	swait.ge @!p0 [sflag:s0], s1  }
0x13a: {  	s1 =	ssub.s32 @!p0 $0x0, s1;
	[sflag:s0] =	ssyncset.done @!p0 $0x0  }
0x13b: {  	[sflag:s0] =	ssyncadd.s32 @!p0 s1  }
0x13c: {  	[bflag:$0x3] =	sbarrier.arrive $0xFFFF  }
0x13d: {  	_ =	shalt  }

</sc_bundles>
